<compile_context>
chip_gen: v7x
topology: tpu7x:2x2x1
jax: 0.10.2.dev20260603
libtpu: 0.0.44.dev20260713+nightly
codegen_flags: <defaults>
</compile_context>

<pallas_src>
import numpy as np
import jax
import jax.numpy as jnp
from jax import lax
from jax.experimental import pallas as pl
from jax.experimental.pallas import tpu as pltpu
from jax.experimental.pallas import tpu_sc as plsc

_VOCAB = 100000
_D = 768
_SEQ = 2048
_BATCH = 4

_NC, _NS = 2, 16
_NW = _NC * _NS
_PPW = _SEQ // _NW
_R = 8
_NCH = _PPW // _R
_ROWS = _R * _BATCH
_LANES = 16


def _pe_table() -> np.ndarray:
    position = np.arange(0.0, _SEQ)[:, None]
    div_term = np.exp(np.arange(0.0, _D, 2) * -(np.log(10000.0) / _D))
    pe = np.zeros((_SEQ, _D), dtype=np.float32)
    pe[:, 0::2] = np.sin(position * div_term)
    pe[:, 1::2] = np.cos(position * div_term)
    return pe


_PE = _pe_table()

_mesh = plsc.VectorSubcoreMesh(core_axis_name="c", subcore_axis_name="s")


@pl.kernel(
    out_type=jax.ShapeDtypeStruct((_SEQ * _BATCH, _D), jnp.float32),
    mesh=_mesh,
    scratch_types=[
        pltpu.VMEM((_PPW * _BATCH,), jnp.int32),
        pltpu.VMEM((_PPW, _D), jnp.float32),
        pltpu.VMEM((_ROWS, _D), jnp.float32),
        pltpu.VMEM((_ROWS, _D), jnp.float32),
        pltpu.SemaphoreType.DMA,
        pltpu.SemaphoreType.DMA,
        pltpu.SemaphoreType.DMA((2,)),
        pltpu.SemaphoreType.DMA((2,)),
    ],
)
def _fused(idx_hbm, pe_hbm, table_hbm, out_hbm, idx_v, pe_v,
           buf_v0, buf_v1, sem_i, sem_p, sem_g, sem_w):
    buf_v = [buf_v0, buf_v1]
    wid = lax.axis_index("s") * _NC + lax.axis_index("c")
    pbase = wid * _PPW
    idx_cp = pltpu.async_copy(
        idx_hbm.at[pl.ds(pbase * _BATCH, _PPW * _BATCH)], idx_v, sem_i)
    pe_cp = pltpu.async_copy(pe_hbm.at[pl.ds(pbase, _PPW)], pe_v, sem_p)

    def start_gather(c):
        return pltpu.async_copy(
            table_hbm.at[idx_v.at[pl.ds(c * _ROWS, _ROWS)]],
            buf_v[c % 2], sem_g.at[c % 2])

    def add_pe(c, buf):
        def sbody(s_l, _):
            @plsc.parallel_loop(0, _D, _LANES, unroll=8)
            def dloop(d):
                pv = pe_v[c * _R + s_l, pl.ds(d, _LANES)]
                for b in range(_BATCH):
                    r = s_l * _BATCH + b
                    buf[r, pl.ds(d, _LANES)] = buf[r, pl.ds(d, _LANES)] + pv
            return 0
        lax.fori_loop(0, _R, sbody, 0)

    idx_cp.wait()
    pending_in = start_gather(0)
    pending_out = [None, None]
    pe_cp.wait()
    for c in range(_NCH):
        s = c % 2
        if c + 1 < _NCH:
            if pending_out[1 - s] is not None:
                pending_out[1 - s].wait()
                pending_out[1 - s] = None
            nxt = start_gather(c + 1)
        pending_in.wait()
        if c + 1 < _NCH:
            pending_in = nxt
        add_pe(c, buf_v[s])
        pending_out[s] = pltpu.async_copy(
            buf_v[s],
            out_hbm.at[pl.ds((pbase + c * _R) * _BATCH, _ROWS)],
            sem_w.at[s])
    for w in pending_out:
        if w is not None:
            w.wait()


def kernel(x, W):
    idx_flat = x.reshape(_SEQ * _BATCH)
    pe = jnp.asarray(_PE)
    out = _fused(idx_flat, pe, W)
    return out.reshape(_SEQ, _BATCH, _D)

# --- scband reference (transcript-rebuilt; emitter-appended) ---
"""Pipeline reference for scband-transformer-embedding-74586402062673 (READ-ONLY COPY).

The authoritative reference and input builder live on the scoring server;
editing this copy changes nothing except your own understanding.
"""

import jax, jax.numpy as jnp
import numpy as np

VOCAB = 100000
D_MODEL = 768
SEQ = 2048
BATCH = 4
MAX_LEN = 5000


def _make_pe(max_len, d_model):
    position = np.arange(0.0, max_len)[:, None]
    div_term = np.exp(np.arange(0.0, d_model, 2) * -(np.log(10000.0) / d_model))
    pe = np.zeros((max_len, d_model), dtype=np.float32)
    pe[:, 0::2] = np.sin(position * div_term)
    pe[:, 1::2] = np.cos(position * div_term)
    return jnp.asarray(pe[:, None, :])  # [max_len, 1, d_model]


def setup_inputs(seed: int = 0) -> dict:
    key = jax.random.key(seed)
    k1, k2 = jax.random.split(key)
    x = jax.random.randint(k1, (SEQ, BATCH), 0, VOCAB, dtype=jnp.int32)
    W = jax.random.normal(k2, (VOCAB, D_MODEL), dtype=jnp.float32)
    return {"x": x, "W": W}


def reference(x, W):
    # embedding lookup (gather) -- SparseCore-mappable
    emb = jnp.take(W, x, axis=0)  # [S, B, d_model]
    pe = _make_pe(MAX_LEN, D_MODEL)
    out = emb + pe[: x.shape[0]]
    # dropout is identity in eval mode
    return out

if __name__ == "__main__":
    import jax
    _d = setup_inputs()
    print(jax.jit(kernel)(*tuple(_d.values())))

</pallas_src>

<mosaic_0001>
#map = affine_map<(d0, d1) -> (0)>
#map1 = affine_map<(d0, d1) -> (0, 0)>
module attributes {stable_mosaic.version = 14 : i64} {
  func.func @_fused(%arg0: i32, %arg1: i32, %arg2: memref<8192xi32, #tpu.memory_space<hbm>>, %arg3: memref<2048x768xf32, #tpu.memory_space<hbm>>, %arg4: memref<100000x768xf32, #tpu.memory_space<hbm>>, %arg5: memref<8192x768xf32, #tpu.memory_space<hbm>>, %arg6: memref<256xi32, #tpu.memory_space<vmem>>, %arg7: memref<64x768xf32, #tpu.memory_space<vmem>>, %arg8: memref<32x768xf32, #tpu.memory_space<vmem>>, %arg9: memref<32x768xf32, #tpu.memory_space<vmem>>, %arg10: memref<!tpu.dma_semaphore, #tpu.memory_space<semaphore_mem>>, %arg11: memref<!tpu.dma_semaphore, #tpu.memory_space<semaphore_mem>>, %arg12: memref<2x!tpu.dma_semaphore, #tpu.memory_space<semaphore_mem>>, %arg13: memref<2x!tpu.dma_semaphore, #tpu.memory_space<semaphore_mem>>) attributes {dimension_semantics = [#tpu.dimension_semantics<core_parallel>, #tpu.dimension_semantics<subcore_parallel>], iteration_bounds = array<i64: 2, 16>, scalar_prefetch = 0 : i64, scratch_operands = 8 : i64, tpu.core_type = #tpu.core_type<sc_vector_subcore>, window_params = [{transform_indices = #map}, {transform_indices = #map1}, {transform_indices = #map1}, {transform_indices = #map1}]} {
    %mul3A = arith.constant 2 : i32
    %mul3A_0 = arith.muli %arg1, %mul3A : i32
    %add3A = arith.addi %mul3A_0, %arg0 : i32
    %mul3A_1 = arith.constant 64 : i32
    %mul3A_2 = arith.muli %add3A, %mul3A_1 : i32
    %mul3A_3 = arith.constant 4 : i32
    %mul3A_4 = arith.muli %mul3A_2, %mul3A_3 : i32
    %dma_start3A = tpu.memref_slice %arg2[%mul3A_4] : memref<8192xi32, #tpu.memory_space<hbm>> -> memref<256xi32, #tpu.memory_space<hbm>>
    %dma_start3A_5 = tpu.memref_slice %arg2[%mul3A_4] : memref<8192xi32, #tpu.memory_space<hbm>> -> memref<256xi32, #tpu.memory_space<hbm>>
    tpu.enqueue_dma source(%dma_start3A_5 : memref<256xi32, #tpu.memory_space<hbm>>) target(%arg6 : memref<256xi32, #tpu.memory_space<vmem>>) target_semaphore(%arg10 : memref<!tpu.dma_semaphore, #tpu.memory_space<semaphore_mem>>)
    %dma_start3A_6 = arith.constant 0 : i32
    %dma_start3A_7 = tpu.memref_slice %arg3[%mul3A_2, %dma_start3A_6] : memref<2048x768xf32, #tpu.memory_space<hbm>> -> memref<64x768xf32, #tpu.memory_space<hbm>>
    %dma_start3A_8 = arith.constant 0 : i32
    %dma_start3A_9 = tpu.memref_slice %arg3[%mul3A_2, %dma_start3A_8] : memref<2048x768xf32, #tpu.memory_space<hbm>> -> memref<64x768xf32, #tpu.memory_space<hbm>>
    tpu.enqueue_dma source(%dma_start3A_9 : memref<64x768xf32, #tpu.memory_space<hbm>>) target(%arg7 : memref<64x768xf32, #tpu.memory_space<vmem>>) target_semaphore(%arg11 : memref<!tpu.dma_semaphore, #tpu.memory_space<semaphore_mem>>)
    %dma_wait3A = tpu.memref_slice %arg2[%mul3A_4] : memref<8192xi32, #tpu.memory_space<hbm>> -> memref<256xi32, #tpu.memory_space<hbm>>
    %dma_wait3A_10 = tpu.memref_slice %arg2[%mul3A_4] : memref<8192xi32, #tpu.memory_space<hbm>> -> memref<256xi32, #tpu.memory_space<hbm>>
    tpu.wait_dma2 semaphore(%arg10 : memref<!tpu.dma_semaphore, #tpu.memory_space<semaphore_mem>>) src(%dma_wait3A_10 : memref<256xi32, #tpu.memory_space<hbm>>) dst(%arg6 : memref<256xi32, #tpu.memory_space<vmem>>)
    %dma_start3A_11 = arith.constant 0 : i32
    %dma_start3A_12 = arith.constant 0 : i32
    %dma_start3A_13 = tpu.memref_slice %arg6[%dma_start3A_12] : memref<256xi32, #tpu.memory_space<vmem>> -> memref<32xi32, #tpu.memory_space<vmem>>
    %dma_start3A_14 = arith.constant 0 : i32
    %dma_start3A_15 = arith.constant 0 : i32
    %dma_start3A_16 = tpu.memref_slice %arg4[%dma_start3A_14, %dma_start3A_15] : memref<100000x768xf32, #tpu.memory_space<hbm>> -> memref<100000x768xf32, #tpu.memory_space<hbm>>
    %dma_start3A_17 = tpu.memref_slice %arg12[%dma_start3A_11] : memref<2x!tpu.dma_semaphore, #tpu.memory_space<semaphore_mem>> -> memref<1x!tpu.dma_semaphore, #tpu.memory_space<semaphore_mem>>
    %dma_start3A_18 = tpu.memref_squeeze %dma_start3A_17 : memref<1x!tpu.dma_semaphore, #tpu.memory_space<semaphore_mem>> -> memref<!tpu.dma_semaphore, #tpu.memory_space<semaphore_mem>>
    tpu.enqueue_indirect_dma source(%dma_start3A_16 : memref<100000x768xf32, #tpu.memory_space<hbm>>) target(%arg8 : memref<32x768xf32, #tpu.memory_space<vmem>>) offsets(%dma_start3A_13 : memref<32xi32, #tpu.memory_space<vmem>>) semaphore(%dma_start3A_18 : memref<!tpu.dma_semaphore, #tpu.memory_space<semaphore_mem>>)
    %dma_wait3A_19 = arith.constant 0 : i32
    %dma_wait3A_20 = tpu.memref_slice %arg3[%mul3A_2, %dma_wait3A_19] : memref<2048x768xf32, #tpu.memory_space<hbm>> -> memref<64x768xf32, #tpu.memory_space<hbm>>
    %dma_wait3A_21 = arith.constant 0 : i32
    %dma_wait3A_22 = tpu.memref_slice %arg3[%mul3A_2, %dma_wait3A_21] : memref<2048x768xf32, #tpu.memory_space<hbm>> -> memref<64x768xf32, #tpu.memory_space<hbm>>
    tpu.wait_dma2 semaphore(%arg11 : memref<!tpu.dma_semaphore, #tpu.memory_space<semaphore_mem>>) src(%dma_wait3A_22 : memref<64x768xf32, #tpu.memory_space<hbm>>) dst(%arg7 : memref<64x768xf32, #tpu.memory_space<vmem>>)
    %dma_start3A_23 = arith.constant 1 : i32
    %dma_start3A_24 = arith.constant 32 : i32
    %dma_start3A_25 = tpu.memref_slice %arg6[%dma_start3A_24] : memref<256xi32, #tpu.memory_space<vmem>> -> memref<32xi32, #tpu.memory_space<vmem>>
    %dma_start3A_26 = arith.constant 0 : i32
    %dma_start3A_27 = arith.constant 0 : i32
    %dma_start3A_28 = tpu.memref_slice %arg4[%dma_start3A_26, %dma_start3A_27] : memref<100000x768xf32, #tpu.memory_space<hbm>> -> memref<100000x768xf32, #tpu.memory_space<hbm>>
    %dma_start3A_29 = tpu.memref_slice %arg12[%dma_start3A_23] : memref<2x!tpu.dma_semaphore, #tpu.memory_space<semaphore_mem>> -> memref<1x!tpu.dma_semaphore, #tpu.memory_space<semaphore_mem>>
    %dma_start3A_30 = tpu.memref_squeeze %dma_start3A_29 : memref<1x!tpu.dma_semaphore, #tpu.memory_space<semaphore_mem>> -> memref<!tpu.dma_semaphore, #tpu.memory_space<semaphore_mem>>
    tpu.enqueue_indirect_dma source(%dma_start3A_28 : memref<100000x768xf32, #tpu.memory_space<hbm>>) target(%arg9 : memref<32x768xf32, #tpu.memory_space<vmem>>) offsets(%dma_start3A_25 : memref<32xi32, #tpu.memory_space<vmem>>) semaphore(%dma_start3A_30 : memref<!tpu.dma_semaphore, #tpu.memory_space<semaphore_mem>>)
    %dma_wait3A_31 = arith.constant 0 : i32
    %dma_wait3A_32 = arith.constant 0 : i32
    %dma_wait3A_33 = tpu.memref_slice %arg6[%dma_wait3A_32] : memref<256xi32, #tpu.memory_space<vmem>> -> memref<32xi32, #tpu.memory_space<vmem>>
    %dma_wait3A_34 = arith.constant 0 : i32
    %dma_wait3A_35 = arith.constant 0 : i32
    %dma_wait3A_36 = tpu.memref_slice %arg4[%dma_wait3A_34, %dma_wait3A_35] : memref<100000x768xf32, #tpu.memory_space<hbm>> -> memref<100000x768xf32, #tpu.memory_space<hbm>>
    %dma_wait3A_37 = tpu.memref_slice %arg12[%dma_wait3A_31] : memref<2x!tpu.dma_semaphore, #tpu.memory_space<semaphore_mem>> -> memref<1x!tpu.dma_semaphore, #tpu.memory_space<semaphore_mem>>
    %dma_wait3A_38 = tpu.memref_squeeze %dma_wait3A_37 : memref<1x!tpu.dma_semaphore, #tpu.memory_space<semaphore_mem>> -> memref<!tpu.dma_semaphore, #tpu.memory_space<semaphore_mem>>
    tpu.wait_indirect_dma semaphore(%dma_wait3A_38 : memref<!tpu.dma_semaphore, #tpu.memory_space<semaphore_mem>>) src(%dma_wait3A_36 : memref<100000x768xf32, #tpu.memory_space<hbm>>) dst(%arg8 : memref<32x768xf32, #tpu.memory_space<vmem>>)
    %scan3A = arith.constant 0 : i32
    %scan3A_39 = arith.constant 0 : i32
    %scan3A_40 = arith.constant 8 : i32
    %scan3A_41 = arith.addi %scan3A_39, %scan3A_40 : i32
    %scan3A_42 = arith.constant 1 : i32
    %scan3A_43 = scf.for %scan3A_342 = %scan3A_39 to %scan3A_41 step %scan3A_42 iter_args(%scan3A_343 = %scan3A) -> (i32)  : i32 {
      %parallel_loop3A = arith.constant 0 : i32
      %parallel_loop3A_344 = arith.constant 768 : i32
      %parallel_loop3A_345 = arith.constant 16 : i32
      scf.for %parallel_loop3A_347 = %parallel_loop3A to %parallel_loop3A_344 step %parallel_loop3A_345  : i32 {
        %parallel_loop3A_348 = arith.constant 0 : i32
        %parallel_loop3A_349 = arith.addi %parallel_loop3A_348, %scan3A_342 : i32
        %parallel_loop3A_350 = arith.index_cast %parallel_loop3A_349 : i32 to index
        %parallel_loop3A_351 = arith.index_cast %parallel_loop3A_347 : i32 to index
        %parallel_loop3A_352 = tpu.vector_load %arg7[%parallel_loop3A_350, %parallel_loop3A_351] {strides = array<i32>} : memref<64x768xf32, #tpu.memory_space<vmem>>, vector<1x16xf32>,
        %parallel_loop3A_353 = vector.shape_cast %parallel_loop3A_352 : vector<1x16xf32> to vector<16xf32>
        %parallel_loop3A_354 = arith.constant 4 : i32
        %parallel_loop3A_355 = arith.muli %scan3A_342, %parallel_loop3A_354 : i32
        %parallel_loop3A_356 = arith.constant 0 : i32
        %parallel_loop3A_357 = arith.addi %parallel_loop3A_355, %parallel_loop3A_356 : i32
        %parallel_loop3A_358 = arith.index_cast %parallel_loop3A_357 : i32 to index
        %parallel_loop3A_359 = arith.index_cast %parallel_loop3A_347 : i32 to index
        %parallel_loop3A_360 = tpu.vector_load %arg8[%parallel_loop3A_358, %parallel_loop3A_359] {strides = array<i32>} : memref<32x768xf32, #tpu.memory_space<vmem>>, vector<1x16xf32>,
        %parallel_loop3A_361 = vector.shape_cast %parallel_loop3A_360 : vector<1x16xf32> to vector<16xf32>
        %parallel_loop3A_362 = arith.addf %parallel_loop3A_361, %parallel_loop3A_353 : vector<16xf32>
        %parallel_loop3A_363 = arith.index_cast %parallel_loop3A_357 : i32 to index
        %parallel_loop3A_364 = arith.index_cast %parallel_loop3A_347 : i32 to index
        %parallel_loop3A_365 = tpu.vector_load %arg8[%parallel_loop3A_363, %parallel_loop3A_364] {strides = array<i32>} : memref<32x768xf32, #tpu.memory_space<vmem>>, vector<1x16xf32>,
        %parallel_loop3A_366 = vector.shape_cast %parallel_loop3A_365 : vector<1x16xf32> to vector<16xf32>
        %parallel_loop3A_367 = vector.shape_cast %parallel_loop3A_362 : vector<16xf32> to vector<1x16xf32>
        tpu.vector_store %arg8[%parallel_loop3A_363, %parallel_loop3A_364], %parallel_loop3A_367 {strides = array<i32>} : memref<32x768xf32, #tpu.memory_space<vmem>>, vector<1x16xf32>,
        %parallel_loop3A_368 = arith.constant 4 : i32
        %parallel_loop3A_369 = arith.muli %scan3A_342, %parallel_loop3A_368 : i32
        %parallel_loop3A_370 = arith.constant 1 : i32
        %parallel_loop3A_371 = arith.addi %parallel_loop3A_369, %parallel_loop3A_370 : i32
        %parallel_loop3A_372 = arith.index_cast %parallel_loop3A_371 : i32 to index
        %parallel_loop3A_373 = arith.index_cast %parallel_loop3A_347 : i32 to index
        %parallel_loop3A_374 = tpu.vector_load %arg8[%parallel_loop3A_372, %parallel_loop3A_373] {strides = array<i32>} : memref<32x768xf32, #tpu.memory_space<vmem>>, vector<1x16xf32>,
        %parallel_loop3A_375 = vector.shape_cast %parallel_loop3A_374 : vector<1x16xf32> to vector<16xf32>
        %parallel_loop3A_376 = arith.addf %parallel_loop3A_375, %parallel_loop3A_353 : vector<16xf32>
        %parallel_loop3A_377 = arith.index_cast %parallel_loop3A_371 : i32 to index
        %parallel_loop3A_378 = arith.index_cast %parallel_loop3A_347 : i32 to index
        %parallel_loop3A_379 = tpu.vector_load %arg8[%parallel_loop3A_377, %parallel_loop3A_378] {strides = array<i32>} : memref<32x768xf32, #tpu.memory_space<vmem>>, vector<1x16xf32>,
        %parallel_loop3A_380 = vector.shape_cast %parallel_loop3A_379 : vector<1x16xf32> to vector<16xf32>
        %parallel_loop3A_381 = vector.shape_cast %parallel_loop3A_376 : vector<16xf32> to vector<1x16xf32>
        tpu.vector_store %arg8[%parallel_loop3A_377, %parallel_loop3A_378], %parallel_loop3A_381 {strides = array<i32>} : memref<32x768xf32, #tpu.memory_space<vmem>>, vector<1x16xf32>,
        %parallel_loop3A_382 = arith.constant 4 : i32
        %parallel_loop3A_383 = arith.muli %scan3A_342, %parallel_loop3A_382 : i32
        %parallel_loop3A_384 = arith.constant 2 : i32
        %parallel_loop3A_385 = arith.addi %parallel_loop3A_383, %parallel_loop3A_384 : i32
        %parallel_loop3A_386 = arith.index_cast %parallel_loop3A_385 : i32 to index
        %parallel_loop3A_387 = arith.index_cast %parallel_loop3A_347 : i32 to index
        %parallel_loop3A_388 = tpu.vector_load %arg8[%parallel_loop3A_386, %parallel_loop3A_387] {strides = array<i32>} : memref<32x768xf32, #tpu.memory_space<vmem>>, vector<1x16xf32>,
        %parallel_loop3A_389 = vector.shape_cast %parallel_loop3A_388 : vector<1x16xf32> to vector<16xf32>
        %parallel_loop3A_390 = arith.addf %parallel_loop3A_389, %parallel_loop3A_353 : vector<16xf32>
        %parallel_loop3A_391 = arith.index_cast %parallel_loop3A_385 : i32 to index
        %parallel_loop3A_392 = arith.index_cast %parallel_loop3A_347 : i32 to index
        %parallel_loop3A_393 = tpu.vector_load %arg8[%parallel_loop3A_391, %parallel_loop3A_392] {strides = array<i32>} : memref<32x768xf32, #tpu.memory_space<vmem>>, vector<1x16xf32>,
        %parallel_loop3A_394 = vector.shape_cast %parallel_loop3A_393 : vector<1x16xf32> to vector<16xf32>
        %parallel_loop3A_395 = vector.shape_cast %parallel_loop3A_390 : vector<16xf32> to vector<1x16xf32>
        tpu.vector_store %arg8[%parallel_loop3A_391, %parallel_loop3A_392], %parallel_loop3A_395 {strides = array<i32>} : memref<32x768xf32, #tpu.memory_space<vmem>>, vector<1x16xf32>,
        %parallel_loop3A_396 = arith.constant 4 : i32
        %parallel_loop3A_397 = arith.muli %scan3A_342, %parallel_loop3A_396 : i32
        %parallel_loop3A_398 = arith.constant 3 : i32
        %parallel_loop3A_399 = arith.addi %parallel_loop3A_397, %parallel_loop3A_398 : i32
        %parallel_loop3A_400 = arith.index_cast %parallel_loop3A_399 : i32 to index
        %parallel_loop3A_401 = arith.index_cast %parallel_loop3A_347 : i32 to index
        %parallel_loop3A_402 = tpu.vector_load %arg8[%parallel_loop3A_400, %parallel_loop3A_401] {strides = array<i32>} : memref<32x768xf32, #tpu.memory_space<vmem>>, vector<1x16xf32>,
        %parallel_loop3A_403 = vector.shape_cast %parallel_loop3A_402 : vector<1x16xf32> to vector<16xf32>
        %parallel_loop3A_404 = arith.addf %parallel_loop3A_403, %parallel_loop3A_353 : vector<16xf32>
        %parallel_loop3A_405 = arith.index_cast %parallel_loop3A_399 : i32 to index
        %parallel_loop3A_406 = arith.index_cast %parallel_loop3A_347 : i32 to index
        %parallel_loop3A_407 = tpu.vector_load %arg8[%parallel_loop3A_405, %parallel_loop3A_406] {strides = array<i32>} : memref<32x768xf32, #tpu.memory_space<vmem>>, vector<1x16xf32>,
        %parallel_loop3A_408 = vector.shape_cast %parallel_loop3A_407 : vector<1x16xf32> to vector<16xf32>
        %parallel_loop3A_409 = vector.shape_cast %parallel_loop3A_404 : vector<16xf32> to vector<1x16xf32>
        tpu.vector_store %arg8[%parallel_loop3A_405, %parallel_loop3A_406], %parallel_loop3A_409 {strides = array<i32>} : memref<32x768xf32, #tpu.memory_space<vmem>>, vector<1x16xf32>,
      } {sc.loop_unroll_factor = 8 : i64, sc.parallel_access}
      %scan3A_346 = arith.constant 0 : i32
      scf.yield %scan3A_346 : i32
    }
    %scan3A_44 = arith.constant 8 : i32
    %add3A_45 = arith.constant 0 : i32
    %add3A_46 = arith.addi %mul3A_2, %add3A_45 : i32
    %mul3A_47 = arith.constant 4 : i32
    %mul3A_48 = arith.muli %add3A_46, %mul3A_47 : i32
    %dma_start3A_49 = arith.constant 0 : i32
    %dma_start3A_50 = arith.constant 0 : i32
    %dma_start3A_51 = tpu.memref_slice %arg5[%mul3A_48, %dma_start3A_50] : memref<8192x768xf32, #tpu.memory_space<hbm>> -> memref<32x768xf32, #tpu.memory_space<hbm>>
    %dma_start3A_52 = tpu.memref_slice %arg13[%dma_start3A_49] : memref<2x!tpu.dma_semaphore, #tpu.memory_space<semaphore_mem>> -> memref<1x!tpu.dma_semaphore, #tpu.memory_space<semaphore_mem>>
    %dma_start3A_53 = tpu.memref_squeeze %dma_start3A_52 : memref<1x!tpu.dma_semaphore, #tpu.memory_space<semaphore_mem>> -> memref<!tpu.dma_semaphore, #tpu.memory_space<semaphore_mem>>
    %dma_start3A_54 = arith.constant 0 : i32
    %dma_start3A_55 = tpu.memref_slice %arg5[%mul3A_48, %dma_start3A_54] : memref<8192x768xf32, #tpu.memory_space<hbm>> -> memref<32x768xf32, #tpu.memory_space<hbm>>
    tpu.enqueue_dma source(%arg8 : memref<32x768xf32, #tpu.memory_space<vmem>>) target(%dma_start3A_55 : memref<32x768xf32, #tpu.memory_space<hbm>>) target_semaphore(%dma_start3A_53 : memref<!tpu.dma_semaphore, #tpu.memory_space<semaphore_mem>>)
    %dma_wait3A_56 = arith.constant 0 : i32
    %dma_wait3A_57 = arith.constant 0 : i32
    %dma_wait3A_58 = tpu.memref_slice %arg5[%mul3A_48, %dma_wait3A_57] : memref<8192x768xf32, #tpu.memory_space<hbm>> -> memref<32x768xf32, #tpu.memory_space<hbm>>
    %dma_wait3A_59 = tpu.memref_slice %arg13[%dma_wait3A_56] : memref<2x!tpu.dma_semaphore, #tpu.memory_space<semaphore_mem>> -> memref<1x!tpu.dma_semaphore, #tpu.memory_space<semaphore_mem>>
    %dma_wait3A_60 = tpu.memref_squeeze %dma_wait3A_59 : memref<1x!tpu.dma_semaphore, #tpu.memory_space<semaphore_mem>> -> memref<!tpu.dma_semaphore, #tpu.memory_space<semaphore_mem>>
    %dma_wait3A_61 = arith.constant 0 : i32
    %dma_wait3A_62 = tpu.memref_slice %arg5[%mul3A_48, %dma_wait3A_61] : memref<8192x768xf32, #tpu.memory_space<hbm>> -> memref<32x768xf32, #tpu.memory_space<hbm>>
    tpu.wait_dma2 semaphore(%dma_wait3A_60 : memref<!tpu.dma_semaphore, #tpu.memory_space<semaphore_mem>>) src(%arg8 : memref<32x768xf32, #tpu.memory_space<vmem>>) dst(%dma_wait3A_62 : memref<32x768xf32, #tpu.memory_space<hbm>>)
    %dma_start3A_63 = arith.constant 0 : i32
    %dma_start3A_64 = arith.constant 64 : i32
    %dma_start3A_65 = tpu.memref_slice %arg6[%dma_start3A_64] : memref<256xi32, #tpu.memory_space<vmem>> -> memref<32xi32, #tpu.memory_space<vmem>>
    %dma_start3A_66 = arith.constant 0 : i32
    %dma_start3A_67 = arith.constant 0 : i32
    %dma_start3A_68 = tpu.memref_slice %arg4[%dma_start3A_66, %dma_start3A_67] : memref<100000x768xf32, #tpu.memory_space<hbm>> -> memref<100000x768xf32, #tpu.memory_space<hbm>>
    %dma_start3A_69 = tpu.memref_slice %arg12[%dma_start3A_63] : memref<2x!tpu.dma_semaphore, #tpu.memory_space<semaphore_mem>> -> memref<1x!tpu.dma_semaphore, #tpu.memory_space<semaphore_mem>>
    %dma_start3A_70 = tpu.memref_squeeze %dma_start3A_69 : memref<1x!tpu.dma_semaphore, #tpu.memory_space<semaphore_mem>> -> memref<!tpu.dma_semaphore, #tpu.memory_space<semaphore_mem>>
    tpu.enqueue_indirect_dma source(%dma_start3A_68 : memref<100000x768xf32, #tpu.memory_space<hbm>>) target(%arg8 : memref<32x768xf32, #tpu.memory_space<vmem>>) offsets(%dma_start3A_65 : memref<32xi32, #tpu.memory_space<vmem>>) semaphore(%dma_start3A_70 : memref<!tpu.dma_semaphore, #tpu.memory_space<semaphore_mem>>)
    %dma_wait3A_71 = arith.constant 1 : i32
    %dma_wait3A_72 = arith.constant 32 : i32
    %dma_wait3A_73 = tpu.memref_slice %arg6[%dma_wait3A_72] : memref<256xi32, #tpu.memory_space<vmem>> -> memref<32xi32, #tpu.memory_space<vmem>>
    %dma_wait3A_74 = arith.constant 0 : i32
    %dma_wait3A_75 = arith.constant 0 : i32
    %dma_wait3A_76 = tpu.memref_slice %arg4[%dma_wait3A_74, %dma_wait3A_75] : memref<100000x768xf32, #tpu.memory_space<hbm>> -> memref<100000x768xf32, #tpu.memory_space<hbm>>
    %dma_wait3A_77 = tpu.memref_slice %arg12[%dma_wait3A_71] : memref<2x!tpu.dma_semaphore, #tpu.memory_space<semaphore_mem>> -> memref<1x!tpu.dma_semaphore, #tpu.memory_space<semaphore_mem>>
    %dma_wait3A_78 = tpu.memref_squeeze %dma_wait3A_77 : memref<1x!tpu.dma_semaphore, #tpu.memory_space<semaphore_mem>> -> memref<!tpu.dma_semaphore, #tpu.memory_space<semaphore_mem>>
    tpu.wait_indirect_dma semaphore(%dma_wait3A_78 : memref<!tpu.dma_semaphore, #tpu.memory_space<semaphore_mem>>) src(%dma_wait3A_76 : memref<100000x768xf32, #tpu.memory_space<hbm>>) dst(%arg9 : memref<32x768xf32, #tpu.memory_space<vmem>>)
    %scan3A_79 = arith.constant 0 : i32
    %scan3A_80 = arith.constant 0 : i32
    %scan3A_81 = arith.constant 8 : i32
    %scan3A_82 = arith.addi %scan3A_80, %scan3A_81 : i32
    %scan3A_83 = arith.constant 1 : i32
    %scan3A_84 = scf.for %scan3A_342 = %scan3A_80 to %scan3A_82 step %scan3A_83 iter_args(%scan3A_343 = %scan3A_79) -> (i32)  : i32 {
      %parallel_loop3A = arith.constant 0 : i32
      %parallel_loop3A_344 = arith.constant 768 : i32
      %parallel_loop3A_345 = arith.constant 16 : i32
      scf.for %parallel_loop3A_347 = %parallel_loop3A to %parallel_loop3A_344 step %parallel_loop3A_345  : i32 {
        %parallel_loop3A_348 = arith.constant 8 : i32
        %parallel_loop3A_349 = arith.addi %parallel_loop3A_348, %scan3A_342 : i32
        %parallel_loop3A_350 = arith.index_cast %parallel_loop3A_349 : i32 to index
        %parallel_loop3A_351 = arith.index_cast %parallel_loop3A_347 : i32 to index
        %parallel_loop3A_352 = tpu.vector_load %arg7[%parallel_loop3A_350, %parallel_loop3A_351] {strides = array<i32>} : memref<64x768xf32, #tpu.memory_space<vmem>>, vector<1x16xf32>,
        %parallel_loop3A_353 = vector.shape_cast %parallel_loop3A_352 : vector<1x16xf32> to vector<16xf32>
        %parallel_loop3A_354 = arith.constant 4 : i32
        %parallel_loop3A_355 = arith.muli %scan3A_342, %parallel_loop3A_354 : i32
        %parallel_loop3A_356 = arith.constant 0 : i32
        %parallel_loop3A_357 = arith.addi %parallel_loop3A_355, %parallel_loop3A_356 : i32
        %parallel_loop3A_358 = arith.index_cast %parallel_loop3A_357 : i32 to index
        %parallel_loop3A_359 = arith.index_cast %parallel_loop3A_347 : i32 to index
        %parallel_loop3A_360 = tpu.vector_load %arg9[%parallel_loop3A_358, %parallel_loop3A_359] {strides = array<i32>} : memref<32x768xf32, #tpu.memory_space<vmem>>, vector<1x16xf32>,
        %parallel_loop3A_361 = vector.shape_cast %parallel_loop3A_360 : vector<1x16xf32> to vector<16xf32>
        %parallel_loop3A_362 = arith.addf %parallel_loop3A_361, %parallel_loop3A_353 : vector<16xf32>
        %parallel_loop3A_363 = arith.index_cast %parallel_loop3A_357 : i32 to index
        %parallel_loop3A_364 = arith.index_cast %parallel_loop3A_347 : i32 to index
        %parallel_loop3A_365 = tpu.vector_load %arg9[%parallel_loop3A_363, %parallel_loop3A_364] {strides = array<i32>} : memref<32x768xf32, #tpu.memory_space<vmem>>, vector<1x16xf32>,
        %parallel_loop3A_366 = vector.shape_cast %parallel_loop3A_365 : vector<1x16xf32> to vector<16xf32>
        %parallel_loop3A_367 = vector.shape_cast %parallel_loop3A_362 : vector<16xf32> to vector<1x16xf32>
        tpu.vector_store %arg9[%parallel_loop3A_363, %parallel_loop3A_364], %parallel_loop3A_367 {strides = array<i32>} : memref<32x768xf32, #tpu.memory_space<vmem>>, vector<1x16xf32>,
        %parallel_loop3A_368 = arith.constant 4 : i32
        %parallel_loop3A_369 = arith.muli %scan3A_342, %parallel_loop3A_368 : i32
        %parallel_loop3A_370 = arith.constant 1 : i32
        %parallel_loop3A_371 = arith.addi %parallel_loop3A_369, %parallel_loop3A_370 : i32
        %parallel_loop3A_372 = arith.index_cast %parallel_loop3A_371 : i32 to index
        %parallel_loop3A_373 = arith.index_cast %parallel_loop3A_347 : i32 to index
        %parallel_loop3A_374 = tpu.vector_load %arg9[%parallel_loop3A_372, %parallel_loop3A_373] {strides = array<i32>} : memref<32x768xf32, #tpu.memory_space<vmem>>, vector<1x16xf32>,
        %parallel_loop3A_375 = vector.shape_cast %parallel_loop3A_374 : vector<1x16xf32> to vector<16xf32>
        %parallel_loop3A_376 = arith.addf %parallel_loop3A_375, %parallel_loop3A_353 : vector<16xf32>
        %parallel_loop3A_377 = arith.index_cast %parallel_loop3A_371 : i32 to index
        %parallel_loop3A_378 = arith.index_cast %parallel_loop3A_347 : i32 to index
        %parallel_loop3A_379 = tpu.vector_load %arg9[%parallel_loop3A_377, %parallel_loop3A_378] {strides = array<i32>} : memref<32x768xf32, #tpu.memory_space<vmem>>, vector<1x16xf32>,
        %parallel_loop3A_380 = vector.shape_cast %parallel_loop3A_379 : vector<1x16xf32> to vector<16xf32>
        %parallel_loop3A_381 = vector.shape_cast %parallel_loop3A_376 : vector<16xf32> to vector<1x16xf32>
        tpu.vector_store %arg9[%parallel_loop3A_377, %parallel_loop3A_378], %parallel_loop3A_381 {strides = array<i32>} : memref<32x768xf32, #tpu.memory_space<vmem>>, vector<1x16xf32>,
        %parallel_loop3A_382 = arith.constant 4 : i32
        %parallel_loop3A_383 = arith.muli %scan3A_342, %parallel_loop3A_382 : i32
        %parallel_loop3A_384 = arith.constant 2 : i32
        %parallel_loop3A_385 = arith.addi %parallel_loop3A_383, %parallel_loop3A_384 : i32
        %parallel_loop3A_386 = arith.index_cast %parallel_loop3A_385 : i32 to index
        %parallel_loop3A_387 = arith.index_cast %parallel_loop3A_347 : i32 to index
        %parallel_loop3A_388 = tpu.vector_load %arg9[%parallel_loop3A_386, %parallel_loop3A_387] {strides = array<i32>} : memref<32x768xf32, #tpu.memory_space<vmem>>, vector<1x16xf32>,
        %parallel_loop3A_389 = vector.shape_cast %parallel_loop3A_388 : vector<1x16xf32> to vector<16xf32>
        %parallel_loop3A_390 = arith.addf %parallel_loop3A_389, %parallel_loop3A_353 : vector<16xf32>
        %parallel_loop3A_391 = arith.index_cast %parallel_loop3A_385 : i32 to index
        %parallel_loop3A_392 = arith.index_cast %parallel_loop3A_347 : i32 to index
        %parallel_loop3A_393 = tpu.vector_load %arg9[%parallel_loop3A_391, %parallel_loop3A_392] {strides = array<i32>} : memref<32x768xf32, #tpu.memory_space<vmem>>, vector<1x16xf32>,
        %parallel_loop3A_394 = vector.shape_cast %parallel_loop3A_393 : vector<1x16xf32> to vector<16xf32>
        %parallel_loop3A_395 = vector.shape_cast %parallel_loop3A_390 : vector<16xf32> to vector<1x16xf32>
        tpu.vector_store %arg9[%parallel_loop3A_391, %parallel_loop3A_392], %parallel_loop3A_395 {strides = array<i32>} : memref<32x768xf32, #tpu.memory_space<vmem>>, vector<1x16xf32>,
        %parallel_loop3A_396 = arith.constant 4 : i32
        %parallel_loop3A_397 = arith.muli %scan3A_342, %parallel_loop3A_396 : i32
        %parallel_loop3A_398 = arith.constant 3 : i32
        %parallel_loop3A_399 = arith.addi %parallel_loop3A_397, %parallel_loop3A_398 : i32
        %parallel_loop3A_400 = arith.index_cast %parallel_loop3A_399 : i32 to index
        %parallel_loop3A_401 = arith.index_cast %parallel_loop3A_347 : i32 to index
        %parallel_loop3A_402 = tpu.vector_load %arg9[%parallel_loop3A_400, %parallel_loop3A_401] {strides = array<i32>} : memref<32x768xf32, #tpu.memory_space<vmem>>, vector<1x16xf32>,
        %parallel_loop3A_403 = vector.shape_cast %parallel_loop3A_402 : vector<1x16xf32> to vector<16xf32>
        %parallel_loop3A_404 = arith.addf %parallel_loop3A_403, %parallel_loop3A_353 : vector<16xf32>
        %parallel_loop3A_405 = arith.index_cast %parallel_loop3A_399 : i32 to index
        %parallel_loop3A_406 = arith.index_cast %parallel_loop3A_347 : i32 to index
        %parallel_loop3A_407 = tpu.vector_load %arg9[%parallel_loop3A_405, %parallel_loop3A_406] {strides = array<i32>} : memref<32x768xf32, #tpu.memory_space<vmem>>, vector<1x16xf32>,
        %parallel_loop3A_408 = vector.shape_cast %parallel_loop3A_407 : vector<1x16xf32> to vector<16xf32>
        %parallel_loop3A_409 = vector.shape_cast %parallel_loop3A_404 : vector<16xf32> to vector<1x16xf32>
        tpu.vector_store %arg9[%parallel_loop3A_405, %parallel_loop3A_406], %parallel_loop3A_409 {strides = array<i32>} : memref<32x768xf32, #tpu.memory_space<vmem>>, vector<1x16xf32>,
      } {sc.loop_unroll_factor = 8 : i64, sc.parallel_access}
      %scan3A_346 = arith.constant 0 : i32
      scf.yield %scan3A_346 : i32
    }
    %scan3A_85 = arith.constant 8 : i32
    %add3A_86 = arith.constant 8 : i32
    %add3A_87 = arith.addi %mul3A_2, %add3A_86 : i32
    %mul3A_88 = arith.constant 4 : i32
    %mul3A_89 = arith.muli %add3A_87, %mul3A_88 : i32
    %dma_start3A_90 = arith.constant 1 : i32
    %dma_start3A_91 = arith.constant 0 : i32
    %dma_start3A_92 = tpu.memref_slice %arg5[%mul3A_89, %dma_start3A_91] : memref<8192x768xf32, #tpu.memory_space<hbm>> -> memref<32x768xf32, #tpu.memory_space<hbm>>
    %dma_start3A_93 = tpu.memref_slice %arg13[%dma_start3A_90] : memref<2x!tpu.dma_semaphore, #tpu.memory_space<semaphore_mem>> -> memref<1x!tpu.dma_semaphore, #tpu.memory_space<semaphore_mem>>
    %dma_start3A_94 = tpu.memref_squeeze %dma_start3A_93 : memref<1x!tpu.dma_semaphore, #tpu.memory_space<semaphore_mem>> -> memref<!tpu.dma_semaphore, #tpu.memory_space<semaphore_mem>>
    %dma_start3A_95 = arith.constant 0 : i32
    %dma_start3A_96 = tpu.memref_slice %arg5[%mul3A_89, %dma_start3A_95] : memref<8192x768xf32, #tpu.memory_space<hbm>> -> memref<32x768xf32, #tpu.memory_space<hbm>>
    tpu.enqueue_dma source(%arg9 : memref<32x768xf32, #tpu.memory_space<vmem>>) target(%dma_start3A_96 : memref<32x768xf32, #tpu.memory_space<hbm>>) target_semaphore(%dma_start3A_94 : memref<!tpu.dma_semaphore, #tpu.memory_space<semaphore_mem>>)
    %dma_wait3A_97 = arith.constant 1 : i32
    %dma_wait3A_98 = arith.constant 0 : i32
    %dma_wait3A_99 = tpu.memref_slice %arg5[%mul3A_89, %dma_wait3A_98] : memref<8192x768xf32, #tpu.memory_space<hbm>> -> memref<32x768xf32, #tpu.memory_space<hbm>>
    %dma_wait3A_100 = tpu.memref_slice %arg13[%dma_wait3A_97] : memref<2x!tpu.dma_semaphore, #tpu.memory_space<semaphore_mem>> -> memref<1x!tpu.dma_semaphore, #tpu.memory_space<semaphore_mem>>
    %dma_wait3A_101 = tpu.memref_squeeze %dma_wait3A_100 : memref<1x!tpu.dma_semaphore, #tpu.memory_space<semaphore_mem>> -> memref<!tpu.dma_semaphore, #tpu.memory_space<semaphore_mem>>
    %dma_wait3A_102 = arith.constant 0 : i32
    %dma_wait3A_103 = tpu.memref_slice %arg5[%mul3A_89, %dma_wait3A_102] : memref<8192x768xf32, #tpu.memory_space<hbm>> -> memref<32x768xf32, #tpu.memory_space<hbm>>
    tpu.wait_dma2 semaphore(%dma_wait3A_101 : memref<!tpu.dma_semaphore, #tpu.memory_space<semaphore_mem>>) src(%arg9 : memref<32x768xf32, #tpu.memory_space<vmem>>) dst(%dma_wait3A_103 : memref<32x768xf32, #tpu.memory_space<hbm>>)
    %dma_start3A_104 = arith.constant 1 : i32
    %dma_start3A_105 = arith.constant 96 : i32
    %dma_start3A_106 = tpu.memref_slice %arg6[%dma_start3A_105] : memref<256xi32, #tpu.memory_space<vmem>> -> memref<32xi32, #tpu.memory_space<vmem>>
    %dma_start3A_107 = arith.constant 0 : i32
    %dma_start3A_108 = arith.constant 0 : i32
    %dma_start3A_109 = tpu.memref_slice %arg4[%dma_start3A_107, %dma_start3A_108] : memref<100000x768xf32, #tpu.memory_space<hbm>> -> memref<100000x768xf32, #tpu.memory_space<hbm>>
    %dma_start3A_110 = tpu.memref_slice %arg12[%dma_start3A_104] : memref<2x!tpu.dma_semaphore, #tpu.memory_space<semaphore_mem>> -> memref<1x!tpu.dma_semaphore, #tpu.memory_space<semaphore_mem>>
    %dma_start3A_111 = tpu.memref_squeeze %dma_start3A_110 : memref<1x!tpu.dma_semaphore, #tpu.memory_space<semaphore_mem>> -> memref<!tpu.dma_semaphore, #tpu.memory_space<semaphore_mem>>
    tpu.enqueue_indirect_dma source(%dma_start3A_109 : memref<100000x768xf32, #tpu.memory_space<hbm>>) target(%arg9 : memref<32x768xf32, #tpu.memory_space<vmem>>) offsets(%dma_start3A_106 : memref<32xi32, #tpu.memory_space<vmem>>) semaphore(%dma_start3A_111 : memref<!tpu.dma_semaphore, #tpu.memory_space<semaphore_mem>>)
    %dma_wait3A_112 = arith.constant 0 : i32
    %dma_wait3A_113 = arith.constant 64 : i32
    %dma_wait3A_114 = tpu.memref_slice %arg6[%dma_wait3A_113] : memref<256xi32, #tpu.memory_space<vmem>> -> memref<32xi32, #tpu.memory_space<vmem>>
    %dma_wait3A_115 = arith.constant 0 : i32
    %dma_wait3A_116 = arith.constant 0 : i32
    %dma_wait3A_117 = tpu.memref_slice %arg4[%dma_wait3A_115, %dma_wait3A_116] : memref<100000x768xf32, #tpu.memory_space<hbm>> -> memref<100000x768xf32, #tpu.memory_space<hbm>>
    %dma_wait3A_118 = tpu.memref_slice %arg12[%dma_wait3A_112] : memref<2x!tpu.dma_semaphore, #tpu.memory_space<semaphore_mem>> -> memref<1x!tpu.dma_semaphore, #tpu.memory_space<semaphore_mem>>
    %dma_wait3A_119 = tpu.memref_squeeze %dma_wait3A_118 : memref<1x!tpu.dma_semaphore, #tpu.memory_space<semaphore_mem>> -> memref<!tpu.dma_semaphore, #tpu.memory_space<semaphore_mem>>
    tpu.wait_indirect_dma semaphore(%dma_wait3A_119 : memref<!tpu.dma_semaphore, #tpu.memory_space<semaphore_mem>>) src(%dma_wait3A_117 : memref<100000x768xf32, #tpu.memory_space<hbm>>) dst(%arg8 : memref<32x768xf32, #tpu.memory_space<vmem>>)
    %scan3A_120 = arith.constant 0 : i32
    %scan3A_121 = arith.constant 0 : i32
    %scan3A_122 = arith.constant 8 : i32
    %scan3A_123 = arith.addi %scan3A_121, %scan3A_122 : i32
    %scan3A_124 = arith.constant 1 : i32
    %scan3A_125 = scf.for %scan3A_342 = %scan3A_121 to %scan3A_123 step %scan3A_124 iter_args(%scan3A_343 = %scan3A_120) -> (i32)  : i32 {
      %parallel_loop3A = arith.constant 0 : i32
      %parallel_loop3A_344 = arith.constant 768 : i32
      %parallel_loop3A_345 = arith.constant 16 : i32
      scf.for %parallel_loop3A_347 = %parallel_loop3A to %parallel_loop3A_344 step %parallel_loop3A_345  : i32 {
        %parallel_loop3A_348 = arith.constant 16 : i32
        %parallel_loop3A_349 = arith.addi %parallel_loop3A_348, %scan3A_342 : i32
        %parallel_loop3A_350 = arith.index_cast %parallel_loop3A_349 : i32 to index
        %parallel_loop3A_351 = arith.index_cast %parallel_loop3A_347 : i32 to index
        %parallel_loop3A_352 = tpu.vector_load %arg7[%parallel_loop3A_350, %parallel_loop3A_351] {strides = array<i32>} : memref<64x768xf32, #tpu.memory_space<vmem>>, vector<1x16xf32>,
        %parallel_loop3A_353 = vector.shape_cast %parallel_loop3A_352 : vector<1x16xf32> to vector<16xf32>
        %parallel_loop3A_354 = arith.constant 4 : i32
        %parallel_loop3A_355 = arith.muli %scan3A_342, %parallel_loop3A_354 : i32
        %parallel_loop3A_356 = arith.constant 0 : i32
        %parallel_loop3A_357 = arith.addi %parallel_loop3A_355, %parallel_loop3A_356 : i32
        %parallel_loop3A_358 = arith.index_cast %parallel_loop3A_357 : i32 to index
        %parallel_loop3A_359 = arith.index_cast %parallel_loop3A_347 : i32 to index
        %parallel_loop3A_360 = tpu.vector_load %arg8[%parallel_loop3A_358, %parallel_loop3A_359] {strides = array<i32>} : memref<32x768xf32, #tpu.memory_space<vmem>>, vector<1x16xf32>,
        %parallel_loop3A_361 = vector.shape_cast %parallel_loop3A_360 : vector<1x16xf32> to vector<16xf32>
        %parallel_loop3A_362 = arith.addf %parallel_loop3A_361, %parallel_loop3A_353 : vector<16xf32>
        %parallel_loop3A_363 = arith.index_cast %parallel_loop3A_357 : i32 to index
        %parallel_loop3A_364 = arith.index_cast %parallel_loop3A_347 : i32 to index
        %parallel_loop3A_365 = tpu.vector_load %arg8[%parallel_loop3A_363, %parallel_loop3A_364] {strides = array<i32>} : memref<32x768xf32, #tpu.memory_space<vmem>>, vector<1x16xf32>,
        %parallel_loop3A_366 = vector.shape_cast %parallel_loop3A_365 : vector<1x16xf32> to vector<16xf32>
        %parallel_loop3A_367 = vector.shape_cast %parallel_loop3A_362 : vector<16xf32> to vector<1x16xf32>
        tpu.vector_store %arg8[%parallel_loop3A_363, %parallel_loop3A_364], %parallel_loop3A_367 {strides = array<i32>} : memref<32x768xf32, #tpu.memory_space<vmem>>, vector<1x16xf32>,
        %parallel_loop3A_368 = arith.constant 4 : i32
        %parallel_loop3A_369 = arith.muli %scan3A_342, %parallel_loop3A_368 : i32
        %parallel_loop3A_370 = arith.constant 1 : i32
        %parallel_loop3A_371 = arith.addi %parallel_loop3A_369, %parallel_loop3A_370 : i32
        %parallel_loop3A_372 = arith.index_cast %parallel_loop3A_371 : i32 to index
        %parallel_loop3A_373 = arith.index_cast %parallel_loop3A_347 : i32 to index
        %parallel_loop3A_374 = tpu.vector_load %arg8[%parallel_loop3A_372, %parallel_loop3A_373] {strides = array<i32>} : memref<32x768xf32, #tpu.memory_space<vmem>>, vector<1x16xf32>,
        %parallel_loop3A_375 = vector.shape_cast %parallel_loop3A_374 : vector<1x16xf32> to vector<16xf32>
        %parallel_loop3A_376 = arith.addf %parallel_loop3A_375, %parallel_loop3A_353 : vector<16xf32>
        %parallel_loop3A_377 = arith.index_cast %parallel_loop3A_371 : i32 to index
        %parallel_loop3A_378 = arith.index_cast %parallel_loop3A_347 : i32 to index
        %parallel_loop3A_379 = tpu.vector_load %arg8[%parallel_loop3A_377, %parallel_loop3A_378] {strides = array<i32>} : memref<32x768xf32, #tpu.memory_space<vmem>>, vector<1x16xf32>,
        %parallel_loop3A_380 = vector.shape_cast %parallel_loop3A_379 : vector<1x16xf32> to vector<16xf32>
        %parallel_loop3A_381 = vector.shape_cast %parallel_loop3A_376 : vector<16xf32> to vector<1x16xf32>
        tpu.vector_store %arg8[%parallel_loop3A_377, %parallel_loop3A_378], %parallel_loop3A_381 {strides = array<i32>} : memref<32x768xf32, #tpu.memory_space<vmem>>, vector<1x16xf32>,
        %parallel_loop3A_382 = arith.constant 4 : i32
        %parallel_loop3A_383 = arith.muli %scan3A_342, %parallel_loop3A_382 : i32
        %parallel_loop3A_384 = arith.constant 2 : i32
        %parallel_loop3A_385 = arith.addi %parallel_loop3A_383, %parallel_loop3A_384 : i32
        %parallel_loop3A_386 = arith.index_cast %parallel_loop3A_385 : i32 to index
        %parallel_loop3A_387 = arith.index_cast %parallel_loop3A_347 : i32 to index
        %parallel_loop3A_388 = tpu.vector_load %arg8[%parallel_loop3A_386, %parallel_loop3A_387] {strides = array<i32>} : memref<32x768xf32, #tpu.memory_space<vmem>>, vector<1x16xf32>,
        %parallel_loop3A_389 = vector.shape_cast %parallel_loop3A_388 : vector<1x16xf32> to vector<16xf32>
        %parallel_loop3A_390 = arith.addf %parallel_loop3A_389, %parallel_loop3A_353 : vector<16xf32>
        %parallel_loop3A_391 = arith.index_cast %parallel_loop3A_385 : i32 to index
        %parallel_loop3A_392 = arith.index_cast %parallel_loop3A_347 : i32 to index
        %parallel_loop3A_393 = tpu.vector_load %arg8[%parallel_loop3A_391, %parallel_loop3A_392] {strides = array<i32>} : memref<32x768xf32, #tpu.memory_space<vmem>>, vector<1x16xf32>,
        %parallel_loop3A_394 = vector.shape_cast %parallel_loop3A_393 : vector<1x16xf32> to vector<16xf32>
        %parallel_loop3A_395 = vector.shape_cast %parallel_loop3A_390 : vector<16xf32> to vector<1x16xf32>
        tpu.vector_store %arg8[%parallel_loop3A_391, %parallel_loop3A_392], %parallel_loop3A_395 {strides = array<i32>} : memref<32x768xf32, #tpu.memory_space<vmem>>, vector<1x16xf32>,
        %parallel_loop3A_396 = arith.constant 4 : i32
        %parallel_loop3A_397 = arith.muli %scan3A_342, %parallel_loop3A_396 : i32
        %parallel_loop3A_398 = arith.constant 3 : i32
        %parallel_loop3A_399 = arith.addi %parallel_loop3A_397, %parallel_loop3A_398 : i32
        %parallel_loop3A_400 = arith.index_cast %parallel_loop3A_399 : i32 to index
        %parallel_loop3A_401 = arith.index_cast %parallel_loop3A_347 : i32 to index
        %parallel_loop3A_402 = tpu.vector_load %arg8[%parallel_loop3A_400, %parallel_loop3A_401] {strides = array<i32>} : memref<32x768xf32, #tpu.memory_space<vmem>>, vector<1x16xf32>,
        %parallel_loop3A_403 = vector.shape_cast %parallel_loop3A_402 : vector<1x16xf32> to vector<16xf32>
        %parallel_loop3A_404 = arith.addf %parallel_loop3A_403, %parallel_loop3A_353 : vector<16xf32>
        %parallel_loop3A_405 = arith.index_cast %parallel_loop3A_399 : i32 to index
        %parallel_loop3A_406 = arith.index_cast %parallel_loop3A_347 : i32 to index
        %parallel_loop3A_407 = tpu.vector_load %arg8[%parallel_loop3A_405, %parallel_loop3A_406] {strides = array<i32>} : memref<32x768xf32, #tpu.memory_space<vmem>>, vector<1x16xf32>,
        %parallel_loop3A_408 = vector.shape_cast %parallel_loop3A_407 : vector<1x16xf32> to vector<16xf32>
        %parallel_loop3A_409 = vector.shape_cast %parallel_loop3A_404 : vector<16xf32> to vector<1x16xf32>
        tpu.vector_store %arg8[%parallel_loop3A_405, %parallel_loop3A_406], %parallel_loop3A_409 {strides = array<i32>} : memref<32x768xf32, #tpu.memory_space<vmem>>, vector<1x16xf32>,
      } {sc.loop_unroll_factor = 8 : i64, sc.parallel_access}
      %scan3A_346 = arith.constant 0 : i32
      scf.yield %scan3A_346 : i32
    }
    %scan3A_126 = arith.constant 8 : i32
    %add3A_127 = arith.constant 16 : i32
    %add3A_128 = arith.addi %mul3A_2, %add3A_127 : i32
    %mul3A_129 = arith.constant 4 : i32
    %mul3A_130 = arith.muli %add3A_128, %mul3A_129 : i32
    %dma_start3A_131 = arith.constant 0 : i32
    %dma_start3A_132 = arith.constant 0 : i32
    %dma_start3A_133 = tpu.memref_slice %arg5[%mul3A_130, %dma_start3A_132] : memref<8192x768xf32, #tpu.memory_space<hbm>> -> memref<32x768xf32, #tpu.memory_space<hbm>>
    %dma_start3A_134 = tpu.memref_slice %arg13[%dma_start3A_131] : memref<2x!tpu.dma_semaphore, #tpu.memory_space<semaphore_mem>> -> memref<1x!tpu.dma_semaphore, #tpu.memory_space<semaphore_mem>>
    %dma_start3A_135 = tpu.memref_squeeze %dma_start3A_134 : memref<1x!tpu.dma_semaphore, #tpu.memory_space<semaphore_mem>> -> memref<!tpu.dma_semaphore, #tpu.memory_space<semaphore_mem>>
    %dma_start3A_136 = arith.constant 0 : i32
    %dma_start3A_137 = tpu.memref_slice %arg5[%mul3A_130, %dma_start3A_136] : memref<8192x768xf32, #tpu.memory_space<hbm>> -> memref<32x768xf32, #tpu.memory_space<hbm>>
    tpu.enqueue_dma source(%arg8 : memref<32x768xf32, #tpu.memory_space<vmem>>) target(%dma_start3A_137 : memref<32x768xf32, #tpu.memory_space<hbm>>) target_semaphore(%dma_start3A_135 : memref<!tpu.dma_semaphore, #tpu.memory_space<semaphore_mem>>)
    %dma_wait3A_138 = arith.constant 0 : i32
    %dma_wait3A_139 = arith.constant 0 : i32
    %dma_wait3A_140 = tpu.memref_slice %arg5[%mul3A_130, %dma_wait3A_139] : memref<8192x768xf32, #tpu.memory_space<hbm>> -> memref<32x768xf32, #tpu.memory_space<hbm>>
    %dma_wait3A_141 = tpu.memref_slice %arg13[%dma_wait3A_138] : memref<2x!tpu.dma_semaphore, #tpu.memory_space<semaphore_mem>> -> memref<1x!tpu.dma_semaphore, #tpu.memory_space<semaphore_mem>>
    %dma_wait3A_142 = tpu.memref_squeeze %dma_wait3A_141 : memref<1x!tpu.dma_semaphore, #tpu.memory_space<semaphore_mem>> -> memref<!tpu.dma_semaphore, #tpu.memory_space<semaphore_mem>>
    %dma_wait3A_143 = arith.constant 0 : i32
    %dma_wait3A_144 = tpu.memref_slice %arg5[%mul3A_130, %dma_wait3A_143] : memref<8192x768xf32, #tpu.memory_space<hbm>> -> memref<32x768xf32, #tpu.memory_space<hbm>>
    tpu.wait_dma2 semaphore(%dma_wait3A_142 : memref<!tpu.dma_semaphore, #tpu.memory_space<semaphore_mem>>) src(%arg8 : memref<32x768xf32, #tpu.memory_space<vmem>>) dst(%dma_wait3A_144 : memref<32x768xf32, #tpu.memory_space<hbm>>)
    %dma_start3A_145 = arith.constant 0 : i32
    %dma_start3A_146 = arith.constant 128 : i32
    %dma_start3A_147 = tpu.memref_slice %arg6[%dma_start3A_146] : memref<256xi32, #tpu.memory_space<vmem>> -> memref<32xi32, #tpu.memory_space<vmem>>
    %dma_start3A_148 = arith.constant 0 : i32
    %dma_start3A_149 = arith.constant 0 : i32
    %dma_start3A_150 = tpu.memref_slice %arg4[%dma_start3A_148, %dma_start3A_149] : memref<100000x768xf32, #tpu.memory_space<hbm>> -> memref<100000x768xf32, #tpu.memory_space<hbm>>
    %dma_start3A_151 = tpu.memref_slice %arg12[%dma_start3A_145] : memref<2x!tpu.dma_semaphore, #tpu.memory_space<semaphore_mem>> -> memref<1x!tpu.dma_semaphore, #tpu.memory_space<semaphore_mem>>
    %dma_start3A_152 = tpu.memref_squeeze %dma_start3A_151 : memref<1x!tpu.dma_semaphore, #tpu.memory_space<semaphore_mem>> -> memref<!tpu.dma_semaphore, #tpu.memory_space<semaphore_mem>>
    tpu.enqueue_indirect_dma source(%dma_start3A_150 : memref<100000x768xf32, #tpu.memory_space<hbm>>) target(%arg8 : memref<32x768xf32, #tpu.memory_space<vmem>>) offsets(%dma_start3A_147 : memref<32xi32, #tpu.memory_space<vmem>>) semaphore(%dma_start3A_152 : memref<!tpu.dma_semaphore, #tpu.memory_space<semaphore_mem>>)
    %dma_wait3A_153 = arith.constant 1 : i32
    %dma_wait3A_154 = arith.constant 96 : i32
    %dma_wait3A_155 = tpu.memref_slice %arg6[%dma_wait3A_154] : memref<256xi32, #tpu.memory_space<vmem>> -> memref<32xi32, #tpu.memory_space<vmem>>
    %dma_wait3A_156 = arith.constant 0 : i32
    %dma_wait3A_157 = arith.constant 0 : i32
    %dma_wait3A_158 = tpu.memref_slice %arg4[%dma_wait3A_156, %dma_wait3A_157] : memref<100000x768xf32, #tpu.memory_space<hbm>> -> memref<100000x768xf32, #tpu.memory_space<hbm>>
    %dma_wait3A_159 = tpu.memref_slice %arg12[%dma_wait3A_153] : memref<2x!tpu.dma_semaphore, #tpu.memory_space<semaphore_mem>> -> memref<1x!tpu.dma_semaphore, #tpu.memory_space<semaphore_mem>>
    %dma_wait3A_160 = tpu.memref_squeeze %dma_wait3A_159 : memref<1x!tpu.dma_semaphore, #tpu.memory_space<semaphore_mem>> -> memref<!tpu.dma_semaphore, #tpu.memory_space<semaphore_mem>>
    tpu.wait_indirect_dma semaphore(%dma_wait3A_160 : memref<!tpu.dma_semaphore, #tpu.memory_space<semaphore_mem>>) src(%dma_wait3A_158 : memref<100000x768xf32, #tpu.memory_space<hbm>>) dst(%arg9 : memref<32x768xf32, #tpu.memory_space<vmem>>)
    %scan3A_161 = arith.constant 0 : i32
    %scan3A_162 = arith.constant 0 : i32
    %scan3A_163 = arith.constant 8 : i32
    %scan3A_164 = arith.addi %scan3A_162, %scan3A_163 : i32
    %scan3A_165 = arith.constant 1 : i32
    %scan3A_166 = scf.for %scan3A_342 = %scan3A_162 to %scan3A_164 step %scan3A_165 iter_args(%scan3A_343 = %scan3A_161) -> (i32)  : i32 {
      %parallel_loop3A = arith.constant 0 : i32
      %parallel_loop3A_344 = arith.constant 768 : i32
      %parallel_loop3A_345 = arith.constant 16 : i32
      scf.for %parallel_loop3A_347 = %parallel_loop3A to %parallel_loop3A_344 step %parallel_loop3A_345  : i32 {
        %parallel_loop3A_348 = arith.constant 24 : i32
        %parallel_loop3A_349 = arith.addi %parallel_loop3A_348, %scan3A_342 : i32
        %parallel_loop3A_350 = arith.index_cast %parallel_loop3A_349 : i32 to index
        %parallel_loop3A_351 = arith.index_cast %parallel_loop3A_347 : i32 to index
        %parallel_loop3A_352 = tpu.vector_load %arg7[%parallel_loop3A_350, %parallel_loop3A_351] {strides = array<i32>} : memref<64x768xf32, #tpu.memory_space<vmem>>, vector<1x16xf32>,
        %parallel_loop3A_353 = vector.shape_cast %parallel_loop3A_352 : vector<1x16xf32> to vector<16xf32>
        %parallel_loop3A_354 = arith.constant 4 : i32
        %parallel_loop3A_355 = arith.muli %scan3A_342, %parallel_loop3A_354 : i32
        %parallel_loop3A_356 = arith.constant 0 : i32
        %parallel_loop3A_357 = arith.addi %parallel_loop3A_355, %parallel_loop3A_356 : i32
        %parallel_loop3A_358 = arith.index_cast %parallel_loop3A_357 : i32 to index
        %parallel_loop3A_359 = arith.index_cast %parallel_loop3A_347 : i32 to index
        %parallel_loop3A_360 = tpu.vector_load %arg9[%parallel_loop3A_358, %parallel_loop3A_359] {strides = array<i32>} : memref<32x768xf32, #tpu.memory_space<vmem>>, vector<1x16xf32>,
        %parallel_loop3A_361 = vector.shape_cast %parallel_loop3A_360 : vector<1x16xf32> to vector<16xf32>
        %parallel_loop3A_362 = arith.addf %parallel_loop3A_361, %parallel_loop3A_353 : vector<16xf32>
        %parallel_loop3A_363 = arith.index_cast %parallel_loop3A_357 : i32 to index
        %parallel_loop3A_364 = arith.index_cast %parallel_loop3A_347 : i32 to index
        %parallel_loop3A_365 = tpu.vector_load %arg9[%parallel_loop3A_363, %parallel_loop3A_364] {strides = array<i32>} : memref<32x768xf32, #tpu.memory_space<vmem>>, vector<1x16xf32>,
        %parallel_loop3A_366 = vector.shape_cast %parallel_loop3A_365 : vector<1x16xf32> to vector<16xf32>
        %parallel_loop3A_367 = vector.shape_cast %parallel_loop3A_362 : vector<16xf32> to vector<1x16xf32>
        tpu.vector_store %arg9[%parallel_loop3A_363, %parallel_loop3A_364], %parallel_loop3A_367 {strides = array<i32>} : memref<32x768xf32, #tpu.memory_space<vmem>>, vector<1x16xf32>,
        %parallel_loop3A_368 = arith.constant 4 : i32
        %parallel_loop3A_369 = arith.muli %scan3A_342, %parallel_loop3A_368 : i32
        %parallel_loop3A_370 = arith.constant 1 : i32
        %parallel_loop3A_371 = arith.addi %parallel_loop3A_369, %parallel_loop3A_370 : i32
        %parallel_loop3A_372 = arith.index_cast %parallel_loop3A_371 : i32 to index
        %parallel_loop3A_373 = arith.index_cast %parallel_loop3A_347 : i32 to index
        %parallel_loop3A_374 = tpu.vector_load %arg9[%parallel_loop3A_372, %parallel_loop3A_373] {strides = array<i32>} : memref<32x768xf32, #tpu.memory_space<vmem>>, vector<1x16xf32>,
        %parallel_loop3A_375 = vector.shape_cast %parallel_loop3A_374 : vector<1x16xf32> to vector<16xf32>
        %parallel_loop3A_376 = arith.addf %parallel_loop3A_375, %parallel_loop3A_353 : vector<16xf32>
        %parallel_loop3A_377 = arith.index_cast %parallel_loop3A_371 : i32 to index
        %parallel_loop3A_378 = arith.index_cast %parallel_loop3A_347 : i32 to index
        %parallel_loop3A_379 = tpu.vector_load %arg9[%parallel_loop3A_377, %parallel_loop3A_378] {strides = array<i32>} : memref<32x768xf32, #tpu.memory_space<vmem>>, vector<1x16xf32>,
        %parallel_loop3A_380 = vector.shape_cast %parallel_loop3A_379 : vector<1x16xf32> to vector<16xf32>
        %parallel_loop3A_381 = vector.shape_cast %parallel_loop3A_376 : vector<16xf32> to vector<1x16xf32>
        tpu.vector_store %arg9[%parallel_loop3A_377, %parallel_loop3A_378], %parallel_loop3A_381 {strides = array<i32>} : memref<32x768xf32, #tpu.memory_space<vmem>>, vector<1x16xf32>,
        %parallel_loop3A_382 = arith.constant 4 : i32
        %parallel_loop3A_383 = arith.muli %scan3A_342, %parallel_loop3A_382 : i32
        %parallel_loop3A_384 = arith.constant 2 : i32
        %parallel_loop3A_385 = arith.addi %parallel_loop3A_383, %parallel_loop3A_384 : i32
        %parallel_loop3A_386 = arith.index_cast %parallel_loop3A_385 : i32 to index
        %parallel_loop3A_387 = arith.index_cast %parallel_loop3A_347 : i32 to index
        %parallel_loop3A_388 = tpu.vector_load %arg9[%parallel_loop3A_386, %parallel_loop3A_387] {strides = array<i32>} : memref<32x768xf32, #tpu.memory_space<vmem>>, vector<1x16xf32>,
        %parallel_loop3A_389 = vector.shape_cast %parallel_loop3A_388 : vector<1x16xf32> to vector<16xf32>
        %parallel_loop3A_390 = arith.addf %parallel_loop3A_389, %parallel_loop3A_353 : vector<16xf32>
        %parallel_loop3A_391 = arith.index_cast %parallel_loop3A_385 : i32 to index
        %parallel_loop3A_392 = arith.index_cast %parallel_loop3A_347 : i32 to index
        %parallel_loop3A_393 = tpu.vector_load %arg9[%parallel_loop3A_391, %parallel_loop3A_392] {strides = array<i32>} : memref<32x768xf32, #tpu.memory_space<vmem>>, vector<1x16xf32>,
        %parallel_loop3A_394 = vector.shape_cast %parallel_loop3A_393 : vector<1x16xf32> to vector<16xf32>
        %parallel_loop3A_395 = vector.shape_cast %parallel_loop3A_390 : vector<16xf32> to vector<1x16xf32>
        tpu.vector_store %arg9[%parallel_loop3A_391, %parallel_loop3A_392], %parallel_loop3A_395 {strides = array<i32>} : memref<32x768xf32, #tpu.memory_space<vmem>>, vector<1x16xf32>,
        %parallel_loop3A_396 = arith.constant 4 : i32
        %parallel_loop3A_397 = arith.muli %scan3A_342, %parallel_loop3A_396 : i32
        %parallel_loop3A_398 = arith.constant 3 : i32
        %parallel_loop3A_399 = arith.addi %parallel_loop3A_397, %parallel_loop3A_398 : i32
        %parallel_loop3A_400 = arith.index_cast %parallel_loop3A_399 : i32 to index
        %parallel_loop3A_401 = arith.index_cast %parallel_loop3A_347 : i32 to index
        %parallel_loop3A_402 = tpu.vector_load %arg9[%parallel_loop3A_400, %parallel_loop3A_401] {strides = array<i32>} : memref<32x768xf32, #tpu.memory_space<vmem>>, vector<1x16xf32>,
        %parallel_loop3A_403 = vector.shape_cast %parallel_loop3A_402 : vector<1x16xf32> to vector<16xf32>
        %parallel_loop3A_404 = arith.addf %parallel_loop3A_403, %parallel_loop3A_353 : vector<16xf32>
        %parallel_loop3A_405 = arith.index_cast %parallel_loop3A_399 : i32 to index
        %parallel_loop3A_406 = arith.index_cast %parallel_loop3A_347 : i32 to index
        %parallel_loop3A_407 = tpu.vector_load %arg9[%parallel_loop3A_405, %parallel_loop3A_406] {strides = array<i32>} : memref<32x768xf32, #tpu.memory_space<vmem>>, vector<1x16xf32>,
        %parallel_loop3A_408 = vector.shape_cast %parallel_loop3A_407 : vector<1x16xf32> to vector<16xf32>
        %parallel_loop3A_409 = vector.shape_cast %parallel_loop3A_404 : vector<16xf32> to vector<1x16xf32>
        tpu.vector_store %arg9[%parallel_loop3A_405, %parallel_loop3A_406], %parallel_loop3A_409 {strides = array<i32>} : memref<32x768xf32, #tpu.memory_space<vmem>>, vector<1x16xf32>,
      } {sc.loop_unroll_factor = 8 : i64, sc.parallel_access}
      %scan3A_346 = arith.constant 0 : i32
      scf.yield %scan3A_346 : i32
    }
    %scan3A_167 = arith.constant 8 : i32
    %add3A_168 = arith.constant 24 : i32
    %add3A_169 = arith.addi %mul3A_2, %add3A_168 : i32
    %mul3A_170 = arith.constant 4 : i32
    %mul3A_171 = arith.muli %add3A_169, %mul3A_170 : i32
    %dma_start3A_172 = arith.constant 1 : i32
    %dma_start3A_173 = arith.constant 0 : i32
    %dma_start3A_174 = tpu.memref_slice %arg5[%mul3A_171, %dma_start3A_173] : memref<8192x768xf32, #tpu.memory_space<hbm>> -> memref<32x768xf32, #tpu.memory_space<hbm>>
    %dma_start3A_175 = tpu.memref_slice %arg13[%dma_start3A_172] : memref<2x!tpu.dma_semaphore, #tpu.memory_space<semaphore_mem>> -> memref<1x!tpu.dma_semaphore, #tpu.memory_space<semaphore_mem>>
    %dma_start3A_176 = tpu.memref_squeeze %dma_start3A_175 : memref<1x!tpu.dma_semaphore, #tpu.memory_space<semaphore_mem>> -> memref<!tpu.dma_semaphore, #tpu.memory_space<semaphore_mem>>
    %dma_start3A_177 = arith.constant 0 : i32
    %dma_start3A_178 = tpu.memref_slice %arg5[%mul3A_171, %dma_start3A_177] : memref<8192x768xf32, #tpu.memory_space<hbm>> -> memref<32x768xf32, #tpu.memory_space<hbm>>
    tpu.enqueue_dma source(%arg9 : memref<32x768xf32, #tpu.memory_space<vmem>>) target(%dma_start3A_178 : memref<32x768xf32, #tpu.memory_space<hbm>>) target_semaphore(%dma_start3A_176 : memref<!tpu.dma_semaphore, #tpu.memory_space<semaphore_mem>>)
    %dma_wait3A_179 = arith.constant 1 : i32
    %dma_wait3A_180 = arith.constant 0 : i32
    %dma_wait3A_181 = tpu.memref_slice %arg5[%mul3A_171, %dma_wait3A_180] : memref<8192x768xf32, #tpu.memory_space<hbm>> -> memref<32x768xf32, #tpu.memory_space<hbm>>
    %dma_wait3A_182 = tpu.memref_slice %arg13[%dma_wait3A_179] : memref<2x!tpu.dma_semaphore, #tpu.memory_space<semaphore_mem>> -> memref<1x!tpu.dma_semaphore, #tpu.memory_space<semaphore_mem>>
    %dma_wait3A_183 = tpu.memref_squeeze %dma_wait3A_182 : memref<1x!tpu.dma_semaphore, #tpu.memory_space<semaphore_mem>> -> memref<!tpu.dma_semaphore, #tpu.memory_space<semaphore_mem>>
    %dma_wait3A_184 = arith.constant 0 : i32
    %dma_wait3A_185 = tpu.memref_slice %arg5[%mul3A_171, %dma_wait3A_184] : memref<8192x768xf32, #tpu.memory_space<hbm>> -> memref<32x768xf32, #tpu.memory_space<hbm>>
    tpu.wait_dma2 semaphore(%dma_wait3A_183 : memref<!tpu.dma_semaphore, #tpu.memory_space<semaphore_mem>>) src(%arg9 : memref<32x768xf32, #tpu.memory_space<vmem>>) dst(%dma_wait3A_185 : memref<32x768xf32, #tpu.memory_space<hbm>>)
    %dma_start3A_186 = arith.constant 1 : i32
    %dma_start3A_187 = arith.constant 160 : i32
    %dma_start3A_188 = tpu.memref_slice %arg6[%dma_start3A_187] : memref<256xi32, #tpu.memory_space<vmem>> -> memref<32xi32, #tpu.memory_space<vmem>>
    %dma_start3A_189 = arith.constant 0 : i32
    %dma_start3A_190 = arith.constant 0 : i32
    %dma_start3A_191 = tpu.memref_slice %arg4[%dma_start3A_189, %dma_start3A_190] : memref<100000x768xf32, #tpu.memory_space<hbm>> -> memref<100000x768xf32, #tpu.memory_space<hbm>>
    %dma_start3A_192 = tpu.memref_slice %arg12[%dma_start3A_186] : memref<2x!tpu.dma_semaphore, #tpu.memory_space<semaphore_mem>> -> memref<1x!tpu.dma_semaphore, #tpu.memory_space<semaphore_mem>>
    %dma_start3A_193 = tpu.memref_squeeze %dma_start3A_192 : memref<1x!tpu.dma_semaphore, #tpu.memory_space<semaphore_mem>> -> memref<!tpu.dma_semaphore, #tpu.memory_space<semaphore_mem>>
    tpu.enqueue_indirect_dma source(%dma_start3A_191 : memref<100000x768xf32, #tpu.memory_space<hbm>>) target(%arg9 : memref<32x768xf32, #tpu.memory_space<vmem>>) offsets(%dma_start3A_188 : memref<32xi32, #tpu.memory_space<vmem>>) semaphore(%dma_start3A_193 : memref<!tpu.dma_semaphore, #tpu.memory_space<semaphore_mem>>)
    %dma_wait3A_194 = arith.constant 0 : i32
    %dma_wait3A_195 = arith.constant 128 : i32
    %dma_wait3A_196 = tpu.memref_slice %arg6[%dma_wait3A_195] : memref<256xi32, #tpu.memory_space<vmem>> -> memref<32xi32, #tpu.memory_space<vmem>>
    %dma_wait3A_197 = arith.constant 0 : i32
    %dma_wait3A_198 = arith.constant 0 : i32
    %dma_wait3A_199 = tpu.memref_slice %arg4[%dma_wait3A_197, %dma_wait3A_198] : memref<100000x768xf32, #tpu.memory_space<hbm>> -> memref<100000x768xf32, #tpu.memory_space<hbm>>
    %dma_wait3A_200 = tpu.memref_slice %arg12[%dma_wait3A_194] : memref<2x!tpu.dma_semaphore, #tpu.memory_space<semaphore_mem>> -> memref<1x!tpu.dma_semaphore, #tpu.memory_space<semaphore_mem>>
    %dma_wait3A_201 = tpu.memref_squeeze %dma_wait3A_200 : memref<1x!tpu.dma_semaphore, #tpu.memory_space<semaphore_mem>> -> memref<!tpu.dma_semaphore, #tpu.memory_space<semaphore_mem>>
    tpu.wait_indirect_dma semaphore(%dma_wait3A_201 : memref<!tpu.dma_semaphore, #tpu.memory_space<semaphore_mem>>) src(%dma_wait3A_199 : memref<100000x768xf32, #tpu.memory_space<hbm>>) dst(%arg8 : memref<32x768xf32, #tpu.memory_space<vmem>>)
    %scan3A_202 = arith.constant 0 : i32
    %scan3A_203 = arith.constant 0 : i32
    %scan3A_204 = arith.constant 8 : i32
    %scan3A_205 = arith.addi %scan3A_203, %scan3A_204 : i32
    %scan3A_206 = arith.constant 1 : i32
    %scan3A_207 = scf.for %scan3A_342 = %scan3A_203 to %scan3A_205 step %scan3A_206 iter_args(%scan3A_343 = %scan3A_202) -> (i32)  : i32 {
      %parallel_loop3A = arith.constant 0 : i32
      %parallel_loop3A_344 = arith.constant 768 : i32
      %parallel_loop3A_345 = arith.constant 16 : i32
      scf.for %parallel_loop3A_347 = %parallel_loop3A to %parallel_loop3A_344 step %parallel_loop3A_345  : i32 {
        %parallel_loop3A_348 = arith.constant 32 : i32
        %parallel_loop3A_349 = arith.addi %parallel_loop3A_348, %scan3A_342 : i32
        %parallel_loop3A_350 = arith.index_cast %parallel_loop3A_349 : i32 to index
        %parallel_loop3A_351 = arith.index_cast %parallel_loop3A_347 : i32 to index
        %parallel_loop3A_352 = tpu.vector_load %arg7[%parallel_loop3A_350, %parallel_loop3A_351] {strides = array<i32>} : memref<64x768xf32, #tpu.memory_space<vmem>>, vector<1x16xf32>,
        %parallel_loop3A_353 = vector.shape_cast %parallel_loop3A_352 : vector<1x16xf32> to vector<16xf32>
        %parallel_loop3A_354 = arith.constant 4 : i32
        %parallel_loop3A_355 = arith.muli %scan3A_342, %parallel_loop3A_354 : i32
        %parallel_loop3A_356 = arith.constant 0 : i32
        %parallel_loop3A_357 = arith.addi %parallel_loop3A_355, %parallel_loop3A_356 : i32
        %parallel_loop3A_358 = arith.index_cast %parallel_loop3A_357 : i32 to index
        %parallel_loop3A_359 = arith.index_cast %parallel_loop3A_347 : i32 to index
        %parallel_loop3A_360 = tpu.vector_load %arg8[%parallel_loop3A_358, %parallel_loop3A_359] {strides = array<i32>} : memref<32x768xf32, #tpu.memory_space<vmem>>, vector<1x16xf32>,
        %parallel_loop3A_361 = vector.shape_cast %parallel_loop3A_360 : vector<1x16xf32> to vector<16xf32>
        %parallel_loop3A_362 = arith.addf %parallel_loop3A_361, %parallel_loop3A_353 : vector<16xf32>
        %parallel_loop3A_363 = arith.index_cast %parallel_loop3A_357 : i32 to index
        %parallel_loop3A_364 = arith.index_cast %parallel_loop3A_347 : i32 to index
        %parallel_loop3A_365 = tpu.vector_load %arg8[%parallel_loop3A_363, %parallel_loop3A_364] {strides = array<i32>} : memref<32x768xf32, #tpu.memory_space<vmem>>, vector<1x16xf32>,
        %parallel_loop3A_366 = vector.shape_cast %parallel_loop3A_365 : vector<1x16xf32> to vector<16xf32>
        %parallel_loop3A_367 = vector.shape_cast %parallel_loop3A_362 : vector<16xf32> to vector<1x16xf32>
        tpu.vector_store %arg8[%parallel_loop3A_363, %parallel_loop3A_364], %parallel_loop3A_367 {strides = array<i32>} : memref<32x768xf32, #tpu.memory_space<vmem>>, vector<1x16xf32>,
        %parallel_loop3A_368 = arith.constant 4 : i32
        %parallel_loop3A_369 = arith.muli %scan3A_342, %parallel_loop3A_368 : i32
        %parallel_loop3A_370 = arith.constant 1 : i32
        %parallel_loop3A_371 = arith.addi %parallel_loop3A_369, %parallel_loop3A_370 : i32
        %parallel_loop3A_372 = arith.index_cast %parallel_loop3A_371 : i32 to index
        %parallel_loop3A_373 = arith.index_cast %parallel_loop3A_347 : i32 to index
        %parallel_loop3A_374 = tpu.vector_load %arg8[%parallel_loop3A_372, %parallel_loop3A_373] {strides = array<i32>} : memref<32x768xf32, #tpu.memory_space<vmem>>, vector<1x16xf32>,
        %parallel_loop3A_375 = vector.shape_cast %parallel_loop3A_374 : vector<1x16xf32> to vector<16xf32>
        %parallel_loop3A_376 = arith.addf %parallel_loop3A_375, %parallel_loop3A_353 : vector<16xf32>
        %parallel_loop3A_377 = arith.index_cast %parallel_loop3A_371 : i32 to index
        %parallel_loop3A_378 = arith.index_cast %parallel_loop3A_347 : i32 to index
        %parallel_loop3A_379 = tpu.vector_load %arg8[%parallel_loop3A_377, %parallel_loop3A_378] {strides = array<i32>} : memref<32x768xf32, #tpu.memory_space<vmem>>, vector<1x16xf32>,
        %parallel_loop3A_380 = vector.shape_cast %parallel_loop3A_379 : vector<1x16xf32> to vector<16xf32>
        %parallel_loop3A_381 = vector.shape_cast %parallel_loop3A_376 : vector<16xf32> to vector<1x16xf32>
        tpu.vector_store %arg8[%parallel_loop3A_377, %parallel_loop3A_378], %parallel_loop3A_381 {strides = array<i32>} : memref<32x768xf32, #tpu.memory_space<vmem>>, vector<1x16xf32>,
        %parallel_loop3A_382 = arith.constant 4 : i32
        %parallel_loop3A_383 = arith.muli %scan3A_342, %parallel_loop3A_382 : i32
        %parallel_loop3A_384 = arith.constant 2 : i32
        %parallel_loop3A_385 = arith.addi %parallel_loop3A_383, %parallel_loop3A_384 : i32
        %parallel_loop3A_386 = arith.index_cast %parallel_loop3A_385 : i32 to index
        %parallel_loop3A_387 = arith.index_cast %parallel_loop3A_347 : i32 to index
        %parallel_loop3A_388 = tpu.vector_load %arg8[%parallel_loop3A_386, %parallel_loop3A_387] {strides = array<i32>} : memref<32x768xf32, #tpu.memory_space<vmem>>, vector<1x16xf32>,
        %parallel_loop3A_389 = vector.shape_cast %parallel_loop3A_388 : vector<1x16xf32> to vector<16xf32>
        %parallel_loop3A_390 = arith.addf %parallel_loop3A_389, %parallel_loop3A_353 : vector<16xf32>
        %parallel_loop3A_391 = arith.index_cast %parallel_loop3A_385 : i32 to index
        %parallel_loop3A_392 = arith.index_cast %parallel_loop3A_347 : i32 to index
        %parallel_loop3A_393 = tpu.vector_load %arg8[%parallel_loop3A_391, %parallel_loop3A_392] {strides = array<i32>} : memref<32x768xf32, #tpu.memory_space<vmem>>, vector<1x16xf32>,
        %parallel_loop3A_394 = vector.shape_cast %parallel_loop3A_393 : vector<1x16xf32> to vector<16xf32>
        %parallel_loop3A_395 = vector.shape_cast %parallel_loop3A_390 : vector<16xf32> to vector<1x16xf32>
        tpu.vector_store %arg8[%parallel_loop3A_391, %parallel_loop3A_392], %parallel_loop3A_395 {strides = array<i32>} : memref<32x768xf32, #tpu.memory_space<vmem>>, vector<1x16xf32>,
        %parallel_loop3A_396 = arith.constant 4 : i32
        %parallel_loop3A_397 = arith.muli %scan3A_342, %parallel_loop3A_396 : i32
        %parallel_loop3A_398 = arith.constant 3 : i32
        %parallel_loop3A_399 = arith.addi %parallel_loop3A_397, %parallel_loop3A_398 : i32
        %parallel_loop3A_400 = arith.index_cast %parallel_loop3A_399 : i32 to index
        %parallel_loop3A_401 = arith.index_cast %parallel_loop3A_347 : i32 to index
        %parallel_loop3A_402 = tpu.vector_load %arg8[%parallel_loop3A_400, %parallel_loop3A_401] {strides = array<i32>} : memref<32x768xf32, #tpu.memory_space<vmem>>, vector<1x16xf32>,
        %parallel_loop3A_403 = vector.shape_cast %parallel_loop3A_402 : vector<1x16xf32> to vector<16xf32>
        %parallel_loop3A_404 = arith.addf %parallel_loop3A_403, %parallel_loop3A_353 : vector<16xf32>
        %parallel_loop3A_405 = arith.index_cast %parallel_loop3A_399 : i32 to index
        %parallel_loop3A_406 = arith.index_cast %parallel_loop3A_347 : i32 to index
        %parallel_loop3A_407 = tpu.vector_load %arg8[%parallel_loop3A_405, %parallel_loop3A_406] {strides = array<i32>} : memref<32x768xf32, #tpu.memory_space<vmem>>, vector<1x16xf32>,
        %parallel_loop3A_408 = vector.shape_cast %parallel_loop3A_407 : vector<1x16xf32> to vector<16xf32>
        %parallel_loop3A_409 = vector.shape_cast %parallel_loop3A_404 : vector<16xf32> to vector<1x16xf32>
        tpu.vector_store %arg8[%parallel_loop3A_405, %parallel_loop3A_406], %parallel_loop3A_409 {strides = array<i32>} : memref<32x768xf32, #tpu.memory_space<vmem>>, vector<1x16xf32>,
      } {sc.loop_unroll_factor = 8 : i64, sc.parallel_access}
      %scan3A_346 = arith.constant 0 : i32
      scf.yield %scan3A_346 : i32
    }
    %scan3A_208 = arith.constant 8 : i32
    %add3A_209 = arith.constant 32 : i32
    %add3A_210 = arith.addi %mul3A_2, %add3A_209 : i32
    %mul3A_211 = arith.constant 4 : i32
    %mul3A_212 = arith.muli %add3A_210, %mul3A_211 : i32
    %dma_start3A_213 = arith.constant 0 : i32
    %dma_start3A_214 = arith.constant 0 : i32
    %dma_start3A_215 = tpu.memref_slice %arg5[%mul3A_212, %dma_start3A_214] : memref<8192x768xf32, #tpu.memory_space<hbm>> -> memref<32x768xf32, #tpu.memory_space<hbm>>
    %dma_start3A_216 = tpu.memref_slice %arg13[%dma_start3A_213] : memref<2x!tpu.dma_semaphore, #tpu.memory_space<semaphore_mem>> -> memref<1x!tpu.dma_semaphore, #tpu.memory_space<semaphore_mem>>
    %dma_start3A_217 = tpu.memref_squeeze %dma_start3A_216 : memref<1x!tpu.dma_semaphore, #tpu.memory_space<semaphore_mem>> -> memref<!tpu.dma_semaphore, #tpu.memory_space<semaphore_mem>>
    %dma_start3A_218 = arith.constant 0 : i32
    %dma_start3A_219 = tpu.memref_slice %arg5[%mul3A_212, %dma_start3A_218] : memref<8192x768xf32, #tpu.memory_space<hbm>> -> memref<32x768xf32, #tpu.memory_space<hbm>>
    tpu.enqueue_dma source(%arg8 : memref<32x768xf32, #tpu.memory_space<vmem>>) target(%dma_start3A_219 : memref<32x768xf32, #tpu.memory_space<hbm>>) target_semaphore(%dma_start3A_217 : memref<!tpu.dma_semaphore, #tpu.memory_space<semaphore_mem>>)
    %dma_wait3A_220 = arith.constant 0 : i32
    %dma_wait3A_221 = arith.constant 0 : i32
    %dma_wait3A_222 = tpu.memref_slice %arg5[%mul3A_212, %dma_wait3A_221] : memref<8192x768xf32, #tpu.memory_space<hbm>> -> memref<32x768xf32, #tpu.memory_space<hbm>>
    %dma_wait3A_223 = tpu.memref_slice %arg13[%dma_wait3A_220] : memref<2x!tpu.dma_semaphore, #tpu.memory_space<semaphore_mem>> -> memref<1x!tpu.dma_semaphore, #tpu.memory_space<semaphore_mem>>
    %dma_wait3A_224 = tpu.memref_squeeze %dma_wait3A_223 : memref<1x!tpu.dma_semaphore, #tpu.memory_space<semaphore_mem>> -> memref<!tpu.dma_semaphore, #tpu.memory_space<semaphore_mem>>
    %dma_wait3A_225 = arith.constant 0 : i32
    %dma_wait3A_226 = tpu.memref_slice %arg5[%mul3A_212, %dma_wait3A_225] : memref<8192x768xf32, #tpu.memory_space<hbm>> -> memref<32x768xf32, #tpu.memory_space<hbm>>
    tpu.wait_dma2 semaphore(%dma_wait3A_224 : memref<!tpu.dma_semaphore, #tpu.memory_space<semaphore_mem>>) src(%arg8 : memref<32x768xf32, #tpu.memory_space<vmem>>) dst(%dma_wait3A_226 : memref<32x768xf32, #tpu.memory_space<hbm>>)
    %dma_start3A_227 = arith.constant 0 : i32
    %dma_start3A_228 = arith.constant 192 : i32
    %dma_start3A_229 = tpu.memref_slice %arg6[%dma_start3A_228] : memref<256xi32, #tpu.memory_space<vmem>> -> memref<32xi32, #tpu.memory_space<vmem>>
    %dma_start3A_230 = arith.constant 0 : i32
    %dma_start3A_231 = arith.constant 0 : i32
    %dma_start3A_232 = tpu.memref_slice %arg4[%dma_start3A_230, %dma_start3A_231] : memref<100000x768xf32, #tpu.memory_space<hbm>> -> memref<100000x768xf32, #tpu.memory_space<hbm>>
    %dma_start3A_233 = tpu.memref_slice %arg12[%dma_start3A_227] : memref<2x!tpu.dma_semaphore, #tpu.memory_space<semaphore_mem>> -> memref<1x!tpu.dma_semaphore, #tpu.memory_space<semaphore_mem>>
    %dma_start3A_234 = tpu.memref_squeeze %dma_start3A_233 : memref<1x!tpu.dma_semaphore, #tpu.memory_space<semaphore_mem>> -> memref<!tpu.dma_semaphore, #tpu.memory_space<semaphore_mem>>
    tpu.enqueue_indirect_dma source(%dma_start3A_232 : memref<100000x768xf32, #tpu.memory_space<hbm>>) target(%arg8 : memref<32x768xf32, #tpu.memory_space<vmem>>) offsets(%dma_start3A_229 : memref<32xi32, #tpu.memory_space<vmem>>) semaphore(%dma_start3A_234 : memref<!tpu.dma_semaphore, #tpu.memory_space<semaphore_mem>>)
    %dma_wait3A_235 = arith.constant 1 : i32
    %dma_wait3A_236 = arith.constant 160 : i32
    %dma_wait3A_237 = tpu.memref_slice %arg6[%dma_wait3A_236] : memref<256xi32, #tpu.memory_space<vmem>> -> memref<32xi32, #tpu.memory_space<vmem>>
    %dma_wait3A_238 = arith.constant 0 : i32
    %dma_wait3A_239 = arith.constant 0 : i32
    %dma_wait3A_240 = tpu.memref_slice %arg4[%dma_wait3A_238, %dma_wait3A_239] : memref<100000x768xf32, #tpu.memory_space<hbm>> -> memref<100000x768xf32, #tpu.memory_space<hbm>>
    %dma_wait3A_241 = tpu.memref_slice %arg12[%dma_wait3A_235] : memref<2x!tpu.dma_semaphore, #tpu.memory_space<semaphore_mem>> -> memref<1x!tpu.dma_semaphore, #tpu.memory_space<semaphore_mem>>
    %dma_wait3A_242 = tpu.memref_squeeze %dma_wait3A_241 : memref<1x!tpu.dma_semaphore, #tpu.memory_space<semaphore_mem>> -> memref<!tpu.dma_semaphore, #tpu.memory_space<semaphore_mem>>
    tpu.wait_indirect_dma semaphore(%dma_wait3A_242 : memref<!tpu.dma_semaphore, #tpu.memory_space<semaphore_mem>>) src(%dma_wait3A_240 : memref<100000x768xf32, #tpu.memory_space<hbm>>) dst(%arg9 : memref<32x768xf32, #tpu.memory_space<vmem>>)
    %scan3A_243 = arith.constant 0 : i32
    %scan3A_244 = arith.constant 0 : i32
    %scan3A_245 = arith.constant 8 : i32
    %scan3A_246 = arith.addi %scan3A_244, %scan3A_245 : i32
    %scan3A_247 = arith.constant 1 : i32
    %scan3A_248 = scf.for %scan3A_342 = %scan3A_244 to %scan3A_246 step %scan3A_247 iter_args(%scan3A_343 = %scan3A_243) -> (i32)  : i32 {
      %parallel_loop3A = arith.constant 0 : i32
      %parallel_loop3A_344 = arith.constant 768 : i32
      %parallel_loop3A_345 = arith.constant 16 : i32
      scf.for %parallel_loop3A_347 = %parallel_loop3A to %parallel_loop3A_344 step %parallel_loop3A_345  : i32 {
        %parallel_loop3A_348 = arith.constant 40 : i32
        %parallel_loop3A_349 = arith.addi %parallel_loop3A_348, %scan3A_342 : i32
        %parallel_loop3A_350 = arith.index_cast %parallel_loop3A_349 : i32 to index
        %parallel_loop3A_351 = arith.index_cast %parallel_loop3A_347 : i32 to index
        %parallel_loop3A_352 = tpu.vector_load %arg7[%parallel_loop3A_350, %parallel_loop3A_351] {strides = array<i32>} : memref<64x768xf32, #tpu.memory_space<vmem>>, vector<1x16xf32>,
        %parallel_loop3A_353 = vector.shape_cast %parallel_loop3A_352 : vector<1x16xf32> to vector<16xf32>
        %parallel_loop3A_354 = arith.constant 4 : i32
        %parallel_loop3A_355 = arith.muli %scan3A_342, %parallel_loop3A_354 : i32
        %parallel_loop3A_356 = arith.constant 0 : i32
        %parallel_loop3A_357 = arith.addi %parallel_loop3A_355, %parallel_loop3A_356 : i32
        %parallel_loop3A_358 = arith.index_cast %parallel_loop3A_357 : i32 to index
        %parallel_loop3A_359 = arith.index_cast %parallel_loop3A_347 : i32 to index
        %parallel_loop3A_360 = tpu.vector_load %arg9[%parallel_loop3A_358, %parallel_loop3A_359] {strides = array<i32>} : memref<32x768xf32, #tpu.memory_space<vmem>>, vector<1x16xf32>,
        %parallel_loop3A_361 = vector.shape_cast %parallel_loop3A_360 : vector<1x16xf32> to vector<16xf32>
        %parallel_loop3A_362 = arith.addf %parallel_loop3A_361, %parallel_loop3A_353 : vector<16xf32>
        %parallel_loop3A_363 = arith.index_cast %parallel_loop3A_357 : i32 to index
        %parallel_loop3A_364 = arith.index_cast %parallel_loop3A_347 : i32 to index
        %parallel_loop3A_365 = tpu.vector_load %arg9[%parallel_loop3A_363, %parallel_loop3A_364] {strides = array<i32>} : memref<32x768xf32, #tpu.memory_space<vmem>>, vector<1x16xf32>,
        %parallel_loop3A_366 = vector.shape_cast %parallel_loop3A_365 : vector<1x16xf32> to vector<16xf32>
        %parallel_loop3A_367 = vector.shape_cast %parallel_loop3A_362 : vector<16xf32> to vector<1x16xf32>
        tpu.vector_store %arg9[%parallel_loop3A_363, %parallel_loop3A_364], %parallel_loop3A_367 {strides = array<i32>} : memref<32x768xf32, #tpu.memory_space<vmem>>, vector<1x16xf32>,
        %parallel_loop3A_368 = arith.constant 4 : i32
        %parallel_loop3A_369 = arith.muli %scan3A_342, %parallel_loop3A_368 : i32
        %parallel_loop3A_370 = arith.constant 1 : i32
        %parallel_loop3A_371 = arith.addi %parallel_loop3A_369, %parallel_loop3A_370 : i32
        %parallel_loop3A_372 = arith.index_cast %parallel_loop3A_371 : i32 to index
        %parallel_loop3A_373 = arith.index_cast %parallel_loop3A_347 : i32 to index
        %parallel_loop3A_374 = tpu.vector_load %arg9[%parallel_loop3A_372, %parallel_loop3A_373] {strides = array<i32>} : memref<32x768xf32, #tpu.memory_space<vmem>>, vector<1x16xf32>,
        %parallel_loop3A_375 = vector.shape_cast %parallel_loop3A_374 : vector<1x16xf32> to vector<16xf32>
        %parallel_loop3A_376 = arith.addf %parallel_loop3A_375, %parallel_loop3A_353 : vector<16xf32>
        %parallel_loop3A_377 = arith.index_cast %parallel_loop3A_371 : i32 to index
        %parallel_loop3A_378 = arith.index_cast %parallel_loop3A_347 : i32 to index
        %parallel_loop3A_379 = tpu.vector_load %arg9[%parallel_loop3A_377, %parallel_loop3A_378] {strides = array<i32>} : memref<32x768xf32, #tpu.memory_space<vmem>>, vector<1x16xf32>,
        %parallel_loop3A_380 = vector.shape_cast %parallel_loop3A_379 : vector<1x16xf32> to vector<16xf32>
        %parallel_loop3A_381 = vector.shape_cast %parallel_loop3A_376 : vector<16xf32> to vector<1x16xf32>
        tpu.vector_store %arg9[%parallel_loop3A_377, %parallel_loop3A_378], %parallel_loop3A_381 {strides = array<i32>} : memref<32x768xf32, #tpu.memory_space<vmem>>, vector<1x16xf32>,
        %parallel_loop3A_382 = arith.constant 4 : i32
        %parallel_loop3A_383 = arith.muli %scan3A_342, %parallel_loop3A_382 : i32
        %parallel_loop3A_384 = arith.constant 2 : i32
        %parallel_loop3A_385 = arith.addi %parallel_loop3A_383, %parallel_loop3A_384 : i32
        %parallel_loop3A_386 = arith.index_cast %parallel_loop3A_385 : i32 to index
        %parallel_loop3A_387 = arith.index_cast %parallel_loop3A_347 : i32 to index
        %parallel_loop3A_388 = tpu.vector_load %arg9[%parallel_loop3A_386, %parallel_loop3A_387] {strides = array<i32>} : memref<32x768xf32, #tpu.memory_space<vmem>>, vector<1x16xf32>,
        %parallel_loop3A_389 = vector.shape_cast %parallel_loop3A_388 : vector<1x16xf32> to vector<16xf32>
        %parallel_loop3A_390 = arith.addf %parallel_loop3A_389, %parallel_loop3A_353 : vector<16xf32>
        %parallel_loop3A_391 = arith.index_cast %parallel_loop3A_385 : i32 to index
        %parallel_loop3A_392 = arith.index_cast %parallel_loop3A_347 : i32 to index
        %parallel_loop3A_393 = tpu.vector_load %arg9[%parallel_loop3A_391, %parallel_loop3A_392] {strides = array<i32>} : memref<32x768xf32, #tpu.memory_space<vmem>>, vector<1x16xf32>,
        %parallel_loop3A_394 = vector.shape_cast %parallel_loop3A_393 : vector<1x16xf32> to vector<16xf32>
        %parallel_loop3A_395 = vector.shape_cast %parallel_loop3A_390 : vector<16xf32> to vector<1x16xf32>
        tpu.vector_store %arg9[%parallel_loop3A_391, %parallel_loop3A_392], %parallel_loop3A_395 {strides = array<i32>} : memref<32x768xf32, #tpu.memory_space<vmem>>, vector<1x16xf32>,
        %parallel_loop3A_396 = arith.constant 4 : i32
        %parallel_loop3A_397 = arith.muli %scan3A_342, %parallel_loop3A_396 : i32
        %parallel_loop3A_398 = arith.constant 3 : i32
        %parallel_loop3A_399 = arith.addi %parallel_loop3A_397, %parallel_loop3A_398 : i32
        %parallel_loop3A_400 = arith.index_cast %parallel_loop3A_399 : i32 to index
        %parallel_loop3A_401 = arith.index_cast %parallel_loop3A_347 : i32 to index
        %parallel_loop3A_402 = tpu.vector_load %arg9[%parallel_loop3A_400, %parallel_loop3A_401] {strides = array<i32>} : memref<32x768xf32, #tpu.memory_space<vmem>>, vector<1x16xf32>,
        %parallel_loop3A_403 = vector.shape_cast %parallel_loop3A_402 : vector<1x16xf32> to vector<16xf32>
        %parallel_loop3A_404 = arith.addf %parallel_loop3A_403, %parallel_loop3A_353 : vector<16xf32>
        %parallel_loop3A_405 = arith.index_cast %parallel_loop3A_399 : i32 to index
        %parallel_loop3A_406 = arith.index_cast %parallel_loop3A_347 : i32 to index
        %parallel_loop3A_407 = tpu.vector_load %arg9[%parallel_loop3A_405, %parallel_loop3A_406] {strides = array<i32>} : memref<32x768xf32, #tpu.memory_space<vmem>>, vector<1x16xf32>,
        %parallel_loop3A_408 = vector.shape_cast %parallel_loop3A_407 : vector<1x16xf32> to vector<16xf32>
        %parallel_loop3A_409 = vector.shape_cast %parallel_loop3A_404 : vector<16xf32> to vector<1x16xf32>
        tpu.vector_store %arg9[%parallel_loop3A_405, %parallel_loop3A_406], %parallel_loop3A_409 {strides = array<i32>} : memref<32x768xf32, #tpu.memory_space<vmem>>, vector<1x16xf32>,
      } {sc.loop_unroll_factor = 8 : i64, sc.parallel_access}
      %scan3A_346 = arith.constant 0 : i32
      scf.yield %scan3A_346 : i32
    }
    %scan3A_249 = arith.constant 8 : i32
    %add3A_250 = arith.constant 40 : i32
    %add3A_251 = arith.addi %mul3A_2, %add3A_250 : i32
    %mul3A_252 = arith.constant 4 : i32
    %mul3A_253 = arith.muli %add3A_251, %mul3A_252 : i32
    %dma_start3A_254 = arith.constant 1 : i32
    %dma_start3A_255 = arith.constant 0 : i32
    %dma_start3A_256 = tpu.memref_slice %arg5[%mul3A_253, %dma_start3A_255] : memref<8192x768xf32, #tpu.memory_space<hbm>> -> memref<32x768xf32, #tpu.memory_space<hbm>>
    %dma_start3A_257 = tpu.memref_slice %arg13[%dma_start3A_254] : memref<2x!tpu.dma_semaphore, #tpu.memory_space<semaphore_mem>> -> memref<1x!tpu.dma_semaphore, #tpu.memory_space<semaphore_mem>>
    %dma_start3A_258 = tpu.memref_squeeze %dma_start3A_257 : memref<1x!tpu.dma_semaphore, #tpu.memory_space<semaphore_mem>> -> memref<!tpu.dma_semaphore, #tpu.memory_space<semaphore_mem>>
    %dma_start3A_259 = arith.constant 0 : i32
    %dma_start3A_260 = tpu.memref_slice %arg5[%mul3A_253, %dma_start3A_259] : memref<8192x768xf32, #tpu.memory_space<hbm>> -> memref<32x768xf32, #tpu.memory_space<hbm>>
    tpu.enqueue_dma source(%arg9 : memref<32x768xf32, #tpu.memory_space<vmem>>) target(%dma_start3A_260 : memref<32x768xf32, #tpu.memory_space<hbm>>) target_semaphore(%dma_start3A_258 : memref<!tpu.dma_semaphore, #tpu.memory_space<semaphore_mem>>)
    %dma_wait3A_261 = arith.constant 1 : i32
    %dma_wait3A_262 = arith.constant 0 : i32
    %dma_wait3A_263 = tpu.memref_slice %arg5[%mul3A_253, %dma_wait3A_262] : memref<8192x768xf32, #tpu.memory_space<hbm>> -> memref<32x768xf32, #tpu.memory_space<hbm>>
    %dma_wait3A_264 = tpu.memref_slice %arg13[%dma_wait3A_261] : memref<2x!tpu.dma_semaphore, #tpu.memory_space<semaphore_mem>> -> memref<1x!tpu.dma_semaphore, #tpu.memory_space<semaphore_mem>>
    %dma_wait3A_265 = tpu.memref_squeeze %dma_wait3A_264 : memref<1x!tpu.dma_semaphore, #tpu.memory_space<semaphore_mem>> -> memref<!tpu.dma_semaphore, #tpu.memory_space<semaphore_mem>>
    %dma_wait3A_266 = arith.constant 0 : i32
    %dma_wait3A_267 = tpu.memref_slice %arg5[%mul3A_253, %dma_wait3A_266] : memref<8192x768xf32, #tpu.memory_space<hbm>> -> memref<32x768xf32, #tpu.memory_space<hbm>>
    tpu.wait_dma2 semaphore(%dma_wait3A_265 : memref<!tpu.dma_semaphore, #tpu.memory_space<semaphore_mem>>) src(%arg9 : memref<32x768xf32, #tpu.memory_space<vmem>>) dst(%dma_wait3A_267 : memref<32x768xf32, #tpu.memory_space<hbm>>)
    %dma_start3A_268 = arith.constant 1 : i32
    %dma_start3A_269 = arith.constant 224 : i32
    %dma_start3A_270 = tpu.memref_slice %arg6[%dma_start3A_269] : memref<256xi32, #tpu.memory_space<vmem>> -> memref<32xi32, #tpu.memory_space<vmem>>
    %dma_start3A_271 = arith.constant 0 : i32
    %dma_start3A_272 = arith.constant 0 : i32
    %dma_start3A_273 = tpu.memref_slice %arg4[%dma_start3A_271, %dma_start3A_272] : memref<100000x768xf32, #tpu.memory_space<hbm>> -> memref<100000x768xf32, #tpu.memory_space<hbm>>
    %dma_start3A_274 = tpu.memref_slice %arg12[%dma_start3A_268] : memref<2x!tpu.dma_semaphore, #tpu.memory_space<semaphore_mem>> -> memref<1x!tpu.dma_semaphore, #tpu.memory_space<semaphore_mem>>
    %dma_start3A_275 = tpu.memref_squeeze %dma_start3A_274 : memref<1x!tpu.dma_semaphore, #tpu.memory_space<semaphore_mem>> -> memref<!tpu.dma_semaphore, #tpu.memory_space<semaphore_mem>>
    tpu.enqueue_indirect_dma source(%dma_start3A_273 : memref<100000x768xf32, #tpu.memory_space<hbm>>) target(%arg9 : memref<32x768xf32, #tpu.memory_space<vmem>>) offsets(%dma_start3A_270 : memref<32xi32, #tpu.memory_space<vmem>>) semaphore(%dma_start3A_275 : memref<!tpu.dma_semaphore, #tpu.memory_space<semaphore_mem>>)
    %dma_wait3A_276 = arith.constant 0 : i32
    %dma_wait3A_277 = arith.constant 192 : i32
    %dma_wait3A_278 = tpu.memref_slice %arg6[%dma_wait3A_277] : memref<256xi32, #tpu.memory_space<vmem>> -> memref<32xi32, #tpu.memory_space<vmem>>
    %dma_wait3A_279 = arith.constant 0 : i32
    %dma_wait3A_280 = arith.constant 0 : i32
    %dma_wait3A_281 = tpu.memref_slice %arg4[%dma_wait3A_279, %dma_wait3A_280] : memref<100000x768xf32, #tpu.memory_space<hbm>> -> memref<100000x768xf32, #tpu.memory_space<hbm>>
    %dma_wait3A_282 = tpu.memref_slice %arg12[%dma_wait3A_276] : memref<2x!tpu.dma_semaphore, #tpu.memory_space<semaphore_mem>> -> memref<1x!tpu.dma_semaphore, #tpu.memory_space<semaphore_mem>>
    %dma_wait3A_283 = tpu.memref_squeeze %dma_wait3A_282 : memref<1x!tpu.dma_semaphore, #tpu.memory_space<semaphore_mem>> -> memref<!tpu.dma_semaphore, #tpu.memory_space<semaphore_mem>>
    tpu.wait_indirect_dma semaphore(%dma_wait3A_283 : memref<!tpu.dma_semaphore, #tpu.memory_space<semaphore_mem>>) src(%dma_wait3A_281 : memref<100000x768xf32, #tpu.memory_space<hbm>>) dst(%arg8 : memref<32x768xf32, #tpu.memory_space<vmem>>)
    %scan3A_284 = arith.constant 0 : i32
    %scan3A_285 = arith.constant 0 : i32
    %scan3A_286 = arith.constant 8 : i32
    %scan3A_287 = arith.addi %scan3A_285, %scan3A_286 : i32
    %scan3A_288 = arith.constant 1 : i32
    %scan3A_289 = scf.for %scan3A_342 = %scan3A_285 to %scan3A_287 step %scan3A_288 iter_args(%scan3A_343 = %scan3A_284) -> (i32)  : i32 {
      %parallel_loop3A = arith.constant 0 : i32
      %parallel_loop3A_344 = arith.constant 768 : i32
      %parallel_loop3A_345 = arith.constant 16 : i32
      scf.for %parallel_loop3A_347 = %parallel_loop3A to %parallel_loop3A_344 step %parallel_loop3A_345  : i32 {
        %parallel_loop3A_348 = arith.constant 48 : i32
        %parallel_loop3A_349 = arith.addi %parallel_loop3A_348, %scan3A_342 : i32
        %parallel_loop3A_350 = arith.index_cast %parallel_loop3A_349 : i32 to index
        %parallel_loop3A_351 = arith.index_cast %parallel_loop3A_347 : i32 to index
        %parallel_loop3A_352 = tpu.vector_load %arg7[%parallel_loop3A_350, %parallel_loop3A_351] {strides = array<i32>} : memref<64x768xf32, #tpu.memory_space<vmem>>, vector<1x16xf32>,
        %parallel_loop3A_353 = vector.shape_cast %parallel_loop3A_352 : vector<1x16xf32> to vector<16xf32>
        %parallel_loop3A_354 = arith.constant 4 : i32
        %parallel_loop3A_355 = arith.muli %scan3A_342, %parallel_loop3A_354 : i32
        %parallel_loop3A_356 = arith.constant 0 : i32
        %parallel_loop3A_357 = arith.addi %parallel_loop3A_355, %parallel_loop3A_356 : i32
        %parallel_loop3A_358 = arith.index_cast %parallel_loop3A_357 : i32 to index
        %parallel_loop3A_359 = arith.index_cast %parallel_loop3A_347 : i32 to index
        %parallel_loop3A_360 = tpu.vector_load %arg8[%parallel_loop3A_358, %parallel_loop3A_359] {strides = array<i32>} : memref<32x768xf32, #tpu.memory_space<vmem>>, vector<1x16xf32>,
        %parallel_loop3A_361 = vector.shape_cast %parallel_loop3A_360 : vector<1x16xf32> to vector<16xf32>
        %parallel_loop3A_362 = arith.addf %parallel_loop3A_361, %parallel_loop3A_353 : vector<16xf32>
        %parallel_loop3A_363 = arith.index_cast %parallel_loop3A_357 : i32 to index
        %parallel_loop3A_364 = arith.index_cast %parallel_loop3A_347 : i32 to index
        %parallel_loop3A_365 = tpu.vector_load %arg8[%parallel_loop3A_363, %parallel_loop3A_364] {strides = array<i32>} : memref<32x768xf32, #tpu.memory_space<vmem>>, vector<1x16xf32>,
        %parallel_loop3A_366 = vector.shape_cast %parallel_loop3A_365 : vector<1x16xf32> to vector<16xf32>
        %parallel_loop3A_367 = vector.shape_cast %parallel_loop3A_362 : vector<16xf32> to vector<1x16xf32>
        tpu.vector_store %arg8[%parallel_loop3A_363, %parallel_loop3A_364], %parallel_loop3A_367 {strides = array<i32>} : memref<32x768xf32, #tpu.memory_space<vmem>>, vector<1x16xf32>,
        %parallel_loop3A_368 = arith.constant 4 : i32
        %parallel_loop3A_369 = arith.muli %scan3A_342, %parallel_loop3A_368 : i32
        %parallel_loop3A_370 = arith.constant 1 : i32
        %parallel_loop3A_371 = arith.addi %parallel_loop3A_369, %parallel_loop3A_370 : i32
        %parallel_loop3A_372 = arith.index_cast %parallel_loop3A_371 : i32 to index
        %parallel_loop3A_373 = arith.index_cast %parallel_loop3A_347 : i32 to index
        %parallel_loop3A_374 = tpu.vector_load %arg8[%parallel_loop3A_372, %parallel_loop3A_373] {strides = array<i32>} : memref<32x768xf32, #tpu.memory_space<vmem>>, vector<1x16xf32>,
        %parallel_loop3A_375 = vector.shape_cast %parallel_loop3A_374 : vector<1x16xf32> to vector<16xf32>
        %parallel_loop3A_376 = arith.addf %parallel_loop3A_375, %parallel_loop3A_353 : vector<16xf32>
        %parallel_loop3A_377 = arith.index_cast %parallel_loop3A_371 : i32 to index
        %parallel_loop3A_378 = arith.index_cast %parallel_loop3A_347 : i32 to index
        %parallel_loop3A_379 = tpu.vector_load %arg8[%parallel_loop3A_377, %parallel_loop3A_378] {strides = array<i32>} : memref<32x768xf32, #tpu.memory_space<vmem>>, vector<1x16xf32>,
        %parallel_loop3A_380 = vector.shape_cast %parallel_loop3A_379 : vector<1x16xf32> to vector<16xf32>
        %parallel_loop3A_381 = vector.shape_cast %parallel_loop3A_376 : vector<16xf32> to vector<1x16xf32>
        tpu.vector_store %arg8[%parallel_loop3A_377, %parallel_loop3A_378], %parallel_loop3A_381 {strides = array<i32>} : memref<32x768xf32, #tpu.memory_space<vmem>>, vector<1x16xf32>,
        %parallel_loop3A_382 = arith.constant 4 : i32
        %parallel_loop3A_383 = arith.muli %scan3A_342, %parallel_loop3A_382 : i32
        %parallel_loop3A_384 = arith.constant 2 : i32
        %parallel_loop3A_385 = arith.addi %parallel_loop3A_383, %parallel_loop3A_384 : i32
        %parallel_loop3A_386 = arith.index_cast %parallel_loop3A_385 : i32 to index
        %parallel_loop3A_387 = arith.index_cast %parallel_loop3A_347 : i32 to index
        %parallel_loop3A_388 = tpu.vector_load %arg8[%parallel_loop3A_386, %parallel_loop3A_387] {strides = array<i32>} : memref<32x768xf32, #tpu.memory_space<vmem>>, vector<1x16xf32>,
        %parallel_loop3A_389 = vector.shape_cast %parallel_loop3A_388 : vector<1x16xf32> to vector<16xf32>
        %parallel_loop3A_390 = arith.addf %parallel_loop3A_389, %parallel_loop3A_353 : vector<16xf32>
        %parallel_loop3A_391 = arith.index_cast %parallel_loop3A_385 : i32 to index
        %parallel_loop3A_392 = arith.index_cast %parallel_loop3A_347 : i32 to index
        %parallel_loop3A_393 = tpu.vector_load %arg8[%parallel_loop3A_391, %parallel_loop3A_392] {strides = array<i32>} : memref<32x768xf32, #tpu.memory_space<vmem>>, vector<1x16xf32>,
        %parallel_loop3A_394 = vector.shape_cast %parallel_loop3A_393 : vector<1x16xf32> to vector<16xf32>
        %parallel_loop3A_395 = vector.shape_cast %parallel_loop3A_390 : vector<16xf32> to vector<1x16xf32>
        tpu.vector_store %arg8[%parallel_loop3A_391, %parallel_loop3A_392], %parallel_loop3A_395 {strides = array<i32>} : memref<32x768xf32, #tpu.memory_space<vmem>>, vector<1x16xf32>,
        %parallel_loop3A_396 = arith.constant 4 : i32
        %parallel_loop3A_397 = arith.muli %scan3A_342, %parallel_loop3A_396 : i32
        %parallel_loop3A_398 = arith.constant 3 : i32
        %parallel_loop3A_399 = arith.addi %parallel_loop3A_397, %parallel_loop3A_398 : i32
        %parallel_loop3A_400 = arith.index_cast %parallel_loop3A_399 : i32 to index
        %parallel_loop3A_401 = arith.index_cast %parallel_loop3A_347 : i32 to index
        %parallel_loop3A_402 = tpu.vector_load %arg8[%parallel_loop3A_400, %parallel_loop3A_401] {strides = array<i32>} : memref<32x768xf32, #tpu.memory_space<vmem>>, vector<1x16xf32>,
        %parallel_loop3A_403 = vector.shape_cast %parallel_loop3A_402 : vector<1x16xf32> to vector<16xf32>
        %parallel_loop3A_404 = arith.addf %parallel_loop3A_403, %parallel_loop3A_353 : vector<16xf32>
        %parallel_loop3A_405 = arith.index_cast %parallel_loop3A_399 : i32 to index
        %parallel_loop3A_406 = arith.index_cast %parallel_loop3A_347 : i32 to index
        %parallel_loop3A_407 = tpu.vector_load %arg8[%parallel_loop3A_405, %parallel_loop3A_406] {strides = array<i32>} : memref<32x768xf32, #tpu.memory_space<vmem>>, vector<1x16xf32>,
        %parallel_loop3A_408 = vector.shape_cast %parallel_loop3A_407 : vector<1x16xf32> to vector<16xf32>
        %parallel_loop3A_409 = vector.shape_cast %parallel_loop3A_404 : vector<16xf32> to vector<1x16xf32>
        tpu.vector_store %arg8[%parallel_loop3A_405, %parallel_loop3A_406], %parallel_loop3A_409 {strides = array<i32>} : memref<32x768xf32, #tpu.memory_space<vmem>>, vector<1x16xf32>,
      } {sc.loop_unroll_factor = 8 : i64, sc.parallel_access}
      %scan3A_346 = arith.constant 0 : i32
      scf.yield %scan3A_346 : i32
    }
    %scan3A_290 = arith.constant 8 : i32
    %add3A_291 = arith.constant 48 : i32
    %add3A_292 = arith.addi %mul3A_2, %add3A_291 : i32
    %mul3A_293 = arith.constant 4 : i32
    %mul3A_294 = arith.muli %add3A_292, %mul3A_293 : i32
    %dma_start3A_295 = arith.constant 0 : i32
    %dma_start3A_296 = arith.constant 0 : i32
    %dma_start3A_297 = tpu.memref_slice %arg5[%mul3A_294, %dma_start3A_296] : memref<8192x768xf32, #tpu.memory_space<hbm>> -> memref<32x768xf32, #tpu.memory_space<hbm>>
    %dma_start3A_298 = tpu.memref_slice %arg13[%dma_start3A_295] : memref<2x!tpu.dma_semaphore, #tpu.memory_space<semaphore_mem>> -> memref<1x!tpu.dma_semaphore, #tpu.memory_space<semaphore_mem>>
    %dma_start3A_299 = tpu.memref_squeeze %dma_start3A_298 : memref<1x!tpu.dma_semaphore, #tpu.memory_space<semaphore_mem>> -> memref<!tpu.dma_semaphore, #tpu.memory_space<semaphore_mem>>
    %dma_start3A_300 = arith.constant 0 : i32
    %dma_start3A_301 = tpu.memref_slice %arg5[%mul3A_294, %dma_start3A_300] : memref<8192x768xf32, #tpu.memory_space<hbm>> -> memref<32x768xf32, #tpu.memory_space<hbm>>
    tpu.enqueue_dma source(%arg8 : memref<32x768xf32, #tpu.memory_space<vmem>>) target(%dma_start3A_301 : memref<32x768xf32, #tpu.memory_space<hbm>>) target_semaphore(%dma_start3A_299 : memref<!tpu.dma_semaphore, #tpu.memory_space<semaphore_mem>>)
    %dma_wait3A_302 = arith.constant 1 : i32
    %dma_wait3A_303 = arith.constant 224 : i32
    %dma_wait3A_304 = tpu.memref_slice %arg6[%dma_wait3A_303] : memref<256xi32, #tpu.memory_space<vmem>> -> memref<32xi32, #tpu.memory_space<vmem>>
    %dma_wait3A_305 = arith.constant 0 : i32
    %dma_wait3A_306 = arith.constant 0 : i32
    %dma_wait3A_307 = tpu.memref_slice %arg4[%dma_wait3A_305, %dma_wait3A_306] : memref<100000x768xf32, #tpu.memory_space<hbm>> -> memref<100000x768xf32, #tpu.memory_space<hbm>>
    %dma_wait3A_308 = tpu.memref_slice %arg12[%dma_wait3A_302] : memref<2x!tpu.dma_semaphore, #tpu.memory_space<semaphore_mem>> -> memref<1x!tpu.dma_semaphore, #tpu.memory_space<semaphore_mem>>
    %dma_wait3A_309 = tpu.memref_squeeze %dma_wait3A_308 : memref<1x!tpu.dma_semaphore, #tpu.memory_space<semaphore_mem>> -> memref<!tpu.dma_semaphore, #tpu.memory_space<semaphore_mem>>
    tpu.wait_indirect_dma semaphore(%dma_wait3A_309 : memref<!tpu.dma_semaphore, #tpu.memory_space<semaphore_mem>>) src(%dma_wait3A_307 : memref<100000x768xf32, #tpu.memory_space<hbm>>) dst(%arg9 : memref<32x768xf32, #tpu.memory_space<vmem>>)
    %scan3A_310 = arith.constant 0 : i32
    %scan3A_311 = arith.constant 0 : i32
    %scan3A_312 = arith.constant 8 : i32
    %scan3A_313 = arith.addi %scan3A_311, %scan3A_312 : i32
    %scan3A_314 = arith.constant 1 : i32
    %scan3A_315 = scf.for %scan3A_342 = %scan3A_311 to %scan3A_313 step %scan3A_314 iter_args(%scan3A_343 = %scan3A_310) -> (i32)  : i32 {
      %parallel_loop3A = arith.constant 0 : i32
      %parallel_loop3A_344 = arith.constant 768 : i32
      %parallel_loop3A_345 = arith.constant 16 : i32
      scf.for %parallel_loop3A_347 = %parallel_loop3A to %parallel_loop3A_344 step %parallel_loop3A_345  : i32 {
        %parallel_loop3A_348 = arith.constant 56 : i32
        %parallel_loop3A_349 = arith.addi %parallel_loop3A_348, %scan3A_342 : i32
        %parallel_loop3A_350 = arith.index_cast %parallel_loop3A_349 : i32 to index
        %parallel_loop3A_351 = arith.index_cast %parallel_loop3A_347 : i32 to index
        %parallel_loop3A_352 = tpu.vector_load %arg7[%parallel_loop3A_350, %parallel_loop3A_351] {strides = array<i32>} : memref<64x768xf32, #tpu.memory_space<vmem>>, vector<1x16xf32>,
        %parallel_loop3A_353 = vector.shape_cast %parallel_loop3A_352 : vector<1x16xf32> to vector<16xf32>
        %parallel_loop3A_354 = arith.constant 4 : i32
        %parallel_loop3A_355 = arith.muli %scan3A_342, %parallel_loop3A_354 : i32
        %parallel_loop3A_356 = arith.constant 0 : i32
        %parallel_loop3A_357 = arith.addi %parallel_loop3A_355, %parallel_loop3A_356 : i32
        %parallel_loop3A_358 = arith.index_cast %parallel_loop3A_357 : i32 to index
        %parallel_loop3A_359 = arith.index_cast %parallel_loop3A_347 : i32 to index
        %parallel_loop3A_360 = tpu.vector_load %arg9[%parallel_loop3A_358, %parallel_loop3A_359] {strides = array<i32>} : memref<32x768xf32, #tpu.memory_space<vmem>>, vector<1x16xf32>,
        %parallel_loop3A_361 = vector.shape_cast %parallel_loop3A_360 : vector<1x16xf32> to vector<16xf32>
        %parallel_loop3A_362 = arith.addf %parallel_loop3A_361, %parallel_loop3A_353 : vector<16xf32>
        %parallel_loop3A_363 = arith.index_cast %parallel_loop3A_357 : i32 to index
        %parallel_loop3A_364 = arith.index_cast %parallel_loop3A_347 : i32 to index
        %parallel_loop3A_365 = tpu.vector_load %arg9[%parallel_loop3A_363, %parallel_loop3A_364] {strides = array<i32>} : memref<32x768xf32, #tpu.memory_space<vmem>>, vector<1x16xf32>,
        %parallel_loop3A_366 = vector.shape_cast %parallel_loop3A_365 : vector<1x16xf32> to vector<16xf32>
        %parallel_loop3A_367 = vector.shape_cast %parallel_loop3A_362 : vector<16xf32> to vector<1x16xf32>
        tpu.vector_store %arg9[%parallel_loop3A_363, %parallel_loop3A_364], %parallel_loop3A_367 {strides = array<i32>} : memref<32x768xf32, #tpu.memory_space<vmem>>, vector<1x16xf32>,
        %parallel_loop3A_368 = arith.constant 4 : i32
        %parallel_loop3A_369 = arith.muli %scan3A_342, %parallel_loop3A_368 : i32
        %parallel_loop3A_370 = arith.constant 1 : i32
        %parallel_loop3A_371 = arith.addi %parallel_loop3A_369, %parallel_loop3A_370 : i32
        %parallel_loop3A_372 = arith.index_cast %parallel_loop3A_371 : i32 to index
        %parallel_loop3A_373 = arith.index_cast %parallel_loop3A_347 : i32 to index
        %parallel_loop3A_374 = tpu.vector_load %arg9[%parallel_loop3A_372, %parallel_loop3A_373] {strides = array<i32>} : memref<32x768xf32, #tpu.memory_space<vmem>>, vector<1x16xf32>,
        %parallel_loop3A_375 = vector.shape_cast %parallel_loop3A_374 : vector<1x16xf32> to vector<16xf32>
        %parallel_loop3A_376 = arith.addf %parallel_loop3A_375, %parallel_loop3A_353 : vector<16xf32>
        %parallel_loop3A_377 = arith.index_cast %parallel_loop3A_371 : i32 to index
        %parallel_loop3A_378 = arith.index_cast %parallel_loop3A_347 : i32 to index
        %parallel_loop3A_379 = tpu.vector_load %arg9[%parallel_loop3A_377, %parallel_loop3A_378] {strides = array<i32>} : memref<32x768xf32, #tpu.memory_space<vmem>>, vector<1x16xf32>,
        %parallel_loop3A_380 = vector.shape_cast %parallel_loop3A_379 : vector<1x16xf32> to vector<16xf32>
        %parallel_loop3A_381 = vector.shape_cast %parallel_loop3A_376 : vector<16xf32> to vector<1x16xf32>
        tpu.vector_store %arg9[%parallel_loop3A_377, %parallel_loop3A_378], %parallel_loop3A_381 {strides = array<i32>} : memref<32x768xf32, #tpu.memory_space<vmem>>, vector<1x16xf32>,
        %parallel_loop3A_382 = arith.constant 4 : i32
        %parallel_loop3A_383 = arith.muli %scan3A_342, %parallel_loop3A_382 : i32
        %parallel_loop3A_384 = arith.constant 2 : i32
        %parallel_loop3A_385 = arith.addi %parallel_loop3A_383, %parallel_loop3A_384 : i32
        %parallel_loop3A_386 = arith.index_cast %parallel_loop3A_385 : i32 to index
        %parallel_loop3A_387 = arith.index_cast %parallel_loop3A_347 : i32 to index
        %parallel_loop3A_388 = tpu.vector_load %arg9[%parallel_loop3A_386, %parallel_loop3A_387] {strides = array<i32>} : memref<32x768xf32, #tpu.memory_space<vmem>>, vector<1x16xf32>,
        %parallel_loop3A_389 = vector.shape_cast %parallel_loop3A_388 : vector<1x16xf32> to vector<16xf32>
        %parallel_loop3A_390 = arith.addf %parallel_loop3A_389, %parallel_loop3A_353 : vector<16xf32>
        %parallel_loop3A_391 = arith.index_cast %parallel_loop3A_385 : i32 to index
        %parallel_loop3A_392 = arith.index_cast %parallel_loop3A_347 : i32 to index
        %parallel_loop3A_393 = tpu.vector_load %arg9[%parallel_loop3A_391, %parallel_loop3A_392] {strides = array<i32>} : memref<32x768xf32, #tpu.memory_space<vmem>>, vector<1x16xf32>,
        %parallel_loop3A_394 = vector.shape_cast %parallel_loop3A_393 : vector<1x16xf32> to vector<16xf32>
        %parallel_loop3A_395 = vector.shape_cast %parallel_loop3A_390 : vector<16xf32> to vector<1x16xf32>
        tpu.vector_store %arg9[%parallel_loop3A_391, %parallel_loop3A_392], %parallel_loop3A_395 {strides = array<i32>} : memref<32x768xf32, #tpu.memory_space<vmem>>, vector<1x16xf32>,
        %parallel_loop3A_396 = arith.constant 4 : i32
        %parallel_loop3A_397 = arith.muli %scan3A_342, %parallel_loop3A_396 : i32
        %parallel_loop3A_398 = arith.constant 3 : i32
        %parallel_loop3A_399 = arith.addi %parallel_loop3A_397, %parallel_loop3A_398 : i32
        %parallel_loop3A_400 = arith.index_cast %parallel_loop3A_399 : i32 to index
        %parallel_loop3A_401 = arith.index_cast %parallel_loop3A_347 : i32 to index
        %parallel_loop3A_402 = tpu.vector_load %arg9[%parallel_loop3A_400, %parallel_loop3A_401] {strides = array<i32>} : memref<32x768xf32, #tpu.memory_space<vmem>>, vector<1x16xf32>,
        %parallel_loop3A_403 = vector.shape_cast %parallel_loop3A_402 : vector<1x16xf32> to vector<16xf32>
        %parallel_loop3A_404 = arith.addf %parallel_loop3A_403, %parallel_loop3A_353 : vector<16xf32>
        %parallel_loop3A_405 = arith.index_cast %parallel_loop3A_399 : i32 to index
        %parallel_loop3A_406 = arith.index_cast %parallel_loop3A_347 : i32 to index
        %parallel_loop3A_407 = tpu.vector_load %arg9[%parallel_loop3A_405, %parallel_loop3A_406] {strides = array<i32>} : memref<32x768xf32, #tpu.memory_space<vmem>>, vector<1x16xf32>,
        %parallel_loop3A_408 = vector.shape_cast %parallel_loop3A_407 : vector<1x16xf32> to vector<16xf32>
        %parallel_loop3A_409 = vector.shape_cast %parallel_loop3A_404 : vector<16xf32> to vector<1x16xf32>
        tpu.vector_store %arg9[%parallel_loop3A_405, %parallel_loop3A_406], %parallel_loop3A_409 {strides = array<i32>} : memref<32x768xf32, #tpu.memory_space<vmem>>, vector<1x16xf32>,
      } {sc.loop_unroll_factor = 8 : i64, sc.parallel_access}
      %scan3A_346 = arith.constant 0 : i32
      scf.yield %scan3A_346 : i32
    }
    %scan3A_316 = arith.constant 8 : i32
    %add3A_317 = arith.constant 56 : i32
    %add3A_318 = arith.addi %mul3A_2, %add3A_317 : i32
    %mul3A_319 = arith.constant 4 : i32
    %mul3A_320 = arith.muli %add3A_318, %mul3A_319 : i32
    %dma_start3A_321 = arith.constant 1 : i32
    %dma_start3A_322 = arith.constant 0 : i32
    %dma_start3A_323 = tpu.memref_slice %arg5[%mul3A_320, %dma_start3A_322] : memref<8192x768xf32, #tpu.memory_space<hbm>> -> memref<32x768xf32, #tpu.memory_space<hbm>>
    %dma_start3A_324 = tpu.memref_slice %arg13[%dma_start3A_321] : memref<2x!tpu.dma_semaphore, #tpu.memory_space<semaphore_mem>> -> memref<1x!tpu.dma_semaphore, #tpu.memory_space<semaphore_mem>>
    %dma_start3A_325 = tpu.memref_squeeze %dma_start3A_324 : memref<1x!tpu.dma_semaphore, #tpu.memory_space<semaphore_mem>> -> memref<!tpu.dma_semaphore, #tpu.memory_space<semaphore_mem>>
    %dma_start3A_326 = arith.constant 0 : i32
    %dma_start3A_327 = tpu.memref_slice %arg5[%mul3A_320, %dma_start3A_326] : memref<8192x768xf32, #tpu.memory_space<hbm>> -> memref<32x768xf32, #tpu.memory_space<hbm>>
    tpu.enqueue_dma source(%arg9 : memref<32x768xf32, #tpu.memory_space<vmem>>) target(%dma_start3A_327 : memref<32x768xf32, #tpu.memory_space<hbm>>) target_semaphore(%dma_start3A_325 : memref<!tpu.dma_semaphore, #tpu.memory_space<semaphore_mem>>)
    %dma_wait3A_328 = arith.constant 0 : i32
    %dma_wait3A_329 = arith.constant 0 : i32
    %dma_wait3A_330 = tpu.memref_slice %arg5[%mul3A_294, %dma_wait3A_329] : memref<8192x768xf32, #tpu.memory_space<hbm>> -> memref<32x768xf32, #tpu.memory_space<hbm>>
    %dma_wait3A_331 = tpu.memref_slice %arg13[%dma_wait3A_328] : memref<2x!tpu.dma_semaphore, #tpu.memory_space<semaphore_mem>> -> memref<1x!tpu.dma_semaphore, #tpu.memory_space<semaphore_mem>>
    %dma_wait3A_332 = tpu.memref_squeeze %dma_wait3A_331 : memref<1x!tpu.dma_semaphore, #tpu.memory_space<semaphore_mem>> -> memref<!tpu.dma_semaphore, #tpu.memory_space<semaphore_mem>>
    %dma_wait3A_333 = arith.constant 0 : i32
    %dma_wait3A_334 = tpu.memref_slice %arg5[%mul3A_294, %dma_wait3A_333] : memref<8192x768xf32, #tpu.memory_space<hbm>> -> memref<32x768xf32, #tpu.memory_space<hbm>>
    tpu.wait_dma2 semaphore(%dma_wait3A_332 : memref<!tpu.dma_semaphore, #tpu.memory_space<semaphore_mem>>) src(%arg8 : memref<32x768xf32, #tpu.memory_space<vmem>>) dst(%dma_wait3A_334 : memref<32x768xf32, #tpu.memory_space<hbm>>)
    %dma_wait3A_335 = arith.constant 1 : i32
    %dma_wait3A_336 = arith.constant 0 : i32
    %dma_wait3A_337 = tpu.memref_slice %arg5[%mul3A_320, %dma_wait3A_336] : memref<8192x768xf32, #tpu.memory_space<hbm>> -> memref<32x768xf32, #tpu.memory_space<hbm>>
    %dma_wait3A_338 = tpu.memref_slice %arg13[%dma_wait3A_335] : memref<2x!tpu.dma_semaphore, #tpu.memory_space<semaphore_mem>> -> memref<1x!tpu.dma_semaphore, #tpu.memory_space<semaphore_mem>>
    %dma_wait3A_339 = tpu.memref_squeeze %dma_wait3A_338 : memref<1x!tpu.dma_semaphore, #tpu.memory_space<semaphore_mem>> -> memref<!tpu.dma_semaphore, #tpu.memory_space<semaphore_mem>>
    %dma_wait3A_340 = arith.constant 0 : i32
    %dma_wait3A_341 = tpu.memref_slice %arg5[%mul3A_320, %dma_wait3A_340] : memref<8192x768xf32, #tpu.memory_space<hbm>> -> memref<32x768xf32, #tpu.memory_space<hbm>>
    tpu.wait_dma2 semaphore(%dma_wait3A_339 : memref<!tpu.dma_semaphore, #tpu.memory_space<semaphore_mem>>) src(%arg9 : memref<32x768xf32, #tpu.memory_space<vmem>>) dst(%dma_wait3A_341 : memref<32x768xf32, #tpu.memory_space<hbm>>)
    return
  }
}

</mosaic_0001>

<sc_bundles>
// kernel: kernel.3.cloned.1.call-start
scs
__scs_entry_jumppad:
0x0: {  	(pc) =	sbr.rel $0x88, $3  }
0x1: {  	(tag) =	ssettag $0x0;
	lr =	simm.s32 $0x1  }
0x2: {  	[smem:$0x3F9F] =	sst lr;
	_ =	strace $0xD0000000  }
0x3: {  	_ = 	snop  }
0x4: {  	_ = 	snop  }
0x5: {  	_ = 	snop  }
0x6: {  	_ = 	snop  }
0x7: {  	_ = 	snop  }
__scs_overlays_trampoline_lowered:
0x8: {  	[smem:$0x3FAE] =	sst s0  }
0x9: {  	[smem:$0x3FAF] =	sst s1  }
0xa: {  	[smem:$0x3FB0] =	sst s2  }
0xb: {  	[smem:$0x3FB1] =	sst s3  }
0xc: {  	[smem:$0x3FB2] =	sst s4  }
0xd: {  	[smem:$0x3FB3] =	sst s5  }
0xe: {  	[smem:$0x3FB4] =	sst s6  }
0xf: {  	[smem:$0x3FB5] =	sst s7  }
0x10: {  	[smem:$0x3FB6] =	sst s8  }
0x11: {  	[smem:$0x3FB7] =	sst s9;
	s0 =	simm.s32 @!p0 $0x0  }
0x12: {  	s1 =	sld [smem:$0x3F9D];
	s0 =	simm.s32 @p0 $0x1  }
0x13: {  	[smem:$0x3FB8] =	sst s0;
	s0 =	simm.s32 @!p1 $0x0  }
0x14: {  	s2 =	sld [smem:$0x3F9C];
	s0 =	simm.s32 @p1 $0x1  }
0x15: {  	[smem:$0x3FB9] =	sst s0;
	s0 =	simm.s32 @!p2 $0x0  }
0x16: {  	s3 =	sld [smem:$0x3FDB];
	s0 =	simm.s32 @p2 $0x1  }
0x17: {  	s4 =	simm.s32 $0x1BF5;
	[smem:$0x3FBB] =	sst s0  }
0x18: {  	s0 =	sld [smem:$0x3F9E];
	_ =	swait.ge [sflag:s4], $0x0  }
0x19: {  	s7 =	sld [smem:$0x3F9F]  }
0x1a: {  	s8 =	sadd.s32 $0xFFFFE003, lr  }
0x1b: {  	s9 =	sadd.s32 $0xFFFFFEF7, lr;
	s5 =	simm.s32 $0xFFFFFFFF;
	p2 =	slt.u32 s8, $0xFFFFF086  }
0x1c: {  	p1 =	slt.u32 s9, $0xF7A;
	s5 =	simm.s32 @!p2 $0x0  }
0x1d: {  	s5 =	simm.s32 @p1 $0x1;
	p0 =	seq.s32 s7, s2  }
0x1e: {  	s7 =	smul.u32 @!p0 $0xF7A, s2;
	p2 =	seq.s32 @!p0 s5, $0x0  }
0x1f: {  	s9 =	smul.u32 $0xF7A, s1;
	s8 =	simm.s32 @!p0 $0x1BF5;
	p2 =	por !p2, p0  }
0x20: {  	[sflag:s8] =	ssyncset.s32 @!p0 $0xFFFFF086;
	s6 =	sadd.s32 @!p0 s3, s7;
	s7 =	simm.s32 @!p0 $0x108  }
0x21: {  	s3 =	sadd.s32 s3, s9;
	s6 =	sadd.s32 @!p0 $0x88, s6;
	s7 =	simm.s32 @p2 $0x1082  }
0x22: {  	[simem:s7], [sflag:s8] =	dma.local @!p0 [hbm:s6], $0xF7A  }
0x23: {  	s9 =	sor.u32 $0xD0000000, s2;
	s6 =	simm.s32 $0x108;
	_ =	swait.ge @!p0 [sflag:s8], $0x0  }
0x24: {  	s3 =	sadd.s32 $0x88, s3;
	s6 =	simm.s32 @!p1 $0x1082;
	[sflag:s4] =	ssyncset.s32 $0xFFFFF086  }
0x25: {  	[simem:s6], [sflag:s4] =	dma.local [hbm:s3], $0xF7A  }
0x26: {  	[smem:$0x3F9F] =	sst s1;
	(tag) =	ssettag s2;
	_ =	strace s9  }
0x27: {  	s1 =	sld [smem:$0x3FAF]  }
0x28: {  	s2 =	sld [smem:$0x3FB0]  }
0x29: {  	s4 =	sld [smem:$0x3FB2]  }
0x2a: {  	p0 =	seq.s32 s5, $0x0;
	s5 =	sld [smem:$0x3FB3]  }
0x2b: {  	s6 =	sld [smem:$0x3FB4]  }
0x2c: {  	s7 =	sld [smem:$0x3FB5]  }
0x2d: {  	s3 =	simm.s32 $0x108;
	s8 =	sld [smem:$0x3FB6]  }
0x2e: {  	s3 =	simm.s32 @!p0 $0x1082;
	s9 =	sld [smem:$0x3FB7]  }
0x2f: {  	lr =	sadd.s32 s0, s3;
	s0 =	sld [smem:$0x3FAE]  }
0x30: {  	s3 =	sld [smem:$0x3FB1]  }
0x31: {  	[smem:$0x3FBA] =	sst s10  }
0x32: {  	s10 =	sld [smem:$0x3FB8];
	_ =	sdelay $0x3  }
0x33: {  	p0 =	seq.s32 s10, $0x1;
	s10 =	sld [smem:$0x3FBA];
	_ =	sdelay $0x3  }
0x34: {  	[smem:$0x3FBA] =	sst s10  }
0x35: {  	s10 =	sld [smem:$0x3FB9];
	_ =	sdelay $0x3  }
0x36: {  	p1 =	seq.s32 s10, $0x1;
	s10 =	sld [smem:$0x3FBA];
	_ =	sdelay $0x3  }
0x37: {  	[smem:$0x3FBA] =	sst s10  }
0x38: {  	s10 =	sld [smem:$0x3FBB]  }
0x39: {  	_ = 	snop;
	(pc) =	sbr.ind lr, $3  }
0x3a: {  	_ = 	snop  }
0x3b: {  	_ = 	snop  }
0x3c: {  	p2 =	seq.s32 s10, $0x1;
	s10 =	sld [smem:$0x3FBA]  }
0x3d: {  	_ =	shalt  }
0x3e: {  	_ =	shalt  }
0x3f: {  	_ =	shalt  }
0x40: {  	_ =	shalt  }
0x41: {  	_ =	shalt  }
0x42: {  	_ =	shalt  }
0x43: {  	_ =	shalt  }
0x44: {  	_ =	shalt  }
0x45: {  	_ =	shalt  }
0x46: {  	_ =	shalt  }
0x47: {  	_ =	shalt  }
0x48: {  	_ =	shalt  }
0x49: {  	_ =	shalt  }
0x4a: {  	_ =	shalt  }
0x4b: {  	_ =	shalt  }
0x4c: {  	_ =	shalt  }
0x4d: {  	_ =	shalt  }
0x4e: {  	_ =	shalt  }
0x4f: {  	_ =	shalt  }
0x50: {  	_ =	shalt  }
0x51: {  	_ =	shalt  }
0x52: {  	_ =	shalt  }
0x53: {  	_ =	shalt  }
0x54: {  	_ =	shalt  }
0x55: {  	_ =	shalt  }
0x56: {  	_ =	shalt  }
0x57: {  	_ =	shalt  }
0x58: {  	_ =	shalt  }
0x59: {  	_ =	shalt  }
0x5a: {  	_ =	shalt  }
0x5b: {  	_ =	shalt  }
0x5c: {  	_ =	shalt  }
0x5d: {  	_ =	shalt  }
0x5e: {  	_ =	shalt  }
0x5f: {  	_ =	shalt  }
0x60: {  	_ =	shalt  }
0x61: {  	_ =	shalt  }
0x62: {  	_ =	shalt  }
0x63: {  	_ =	shalt  }
0x64: {  	_ =	shalt  }
0x65: {  	_ =	shalt  }
0x66: {  	_ =	shalt  }
0x67: {  	_ =	shalt  }
0x68: {  	_ =	shalt  }
0x69: {  	_ =	shalt  }
0x6a: {  	_ =	shalt  }
0x6b: {  	_ =	shalt  }
0x6c: {  	_ =	shalt  }
0x6d: {  	_ =	shalt  }
0x6e: {  	_ =	shalt  }
0x6f: {  	_ =	shalt  }
0x70: {  	_ =	shalt  }
0x71: {  	_ =	shalt  }
0x72: {  	_ =	shalt  }
0x73: {  	_ =	shalt  }
0x74: {  	_ =	shalt  }
0x75: {  	_ =	shalt  }
0x76: {  	_ =	shalt  }
0x77: {  	_ =	shalt  }
0x78: {  	_ =	shalt  }
0x79: {  	_ =	shalt  }
0x7a: {  	_ =	shalt  }
0x7b: {  	_ =	shalt  }
0x7c: {  	_ =	shalt  }
0x7d: {  	_ =	shalt  }
0x7e: {  	_ =	shalt  }
0x7f: {  	_ =	shalt  }
0x80: {  	_ =	shalt  }
0x81: {  	_ =	shalt  }
0x82: {  	_ =	shalt  }
0x83: {  	_ =	shalt  }
0x84: {  	_ =	shalt  }
0x85: {  	_ =	shalt  }
0x86: {  	_ =	shalt  }
0x87: {  	_ =	shalt  }
.Lfunc_end0:
.L_simem_size_0:
called_computation_lowered:
.L_overlay_start_0:
0x88: {  	s2 =	sld [smem:$0x3FD9]  }
0x89: {  	s3 =	sld [smem:$0x3FFE];
	_ =	sdelay $0x1  }
0x8a: {  	s1 =	srdreg.scid  }
0x8b: {  	s0 =	sand.u32 $0x1, s1  }
0x8c: {  	s17 =	sshll.u32 s0, $0xA;
	s2 =	sadd.s32 s3, s2  }
0x8d: {  	s2 =	sadd.s32 s2, s17  }
0x8e: {  	[smem:$0x3FC6] =	sst s2  }
0x8f: {  	_ = 	snop  }
0x90: {  	s2 =	sld [smem:$0x3FC8]  }
0x91: {  	s18 =	sld [smem:$0x3FD0];
	(tm) =	ssettm $0x1  }
0x92: {  	s4 =	sld [smem:$0x3FFB];
	_ =	sdelay $0x3  }
0x93: {  	_ =	strace s4  }
0x94: {  	s4 =	sld [smem:$0x3FFC];
	_ =	sdelay $0x3  }
0x95: {  	_ =	strace s4  }
0x96: {  	s4 =	sld [smem:$0x3FFD];
	_ =	sdelay $0x3  }
0x97: {  	_ =	strace s4  }
0x98: {  	_ =	strace $0x8FFFFFFF  }
0x99: {  	s19 =	sld [smem:$0x3FDB];
	_ =	sdelay $0x1  }
0x9a: {  	s5 =	simm.s32 $_scs_section_size  }
0x9b: {  	s6 =	simm.s32 $_size__tile_overlayer_lowered;
	s7 =	simm.s32 $_tile_overlayer_lowered  }
0x9c: {  	s22 =	simm.s32 $0x1BFF;
	s21 =	sshll.u32 s7, $0x1;
	s4 =	sadd.s32 s5, s19  }
0x9d: {  	s8 =	simm.s32 $0x0;
	s20 =	sshll.u32 s6, $0x1;
	s6 =	sadd.s32 s21, s4  }
0x9e: {  	[timem:s8], [sflag:s22] =	dma.local [hbm:s6], s20  }
0x9f: {  	_ =	swait.ge [sflag:s22], s20  }
0xa0: {  	s5 =	ssub.s32 $0x0, s20;
	[sflag:s22] =	ssyncset.done $0x0  }
0xa1: {  	[sflag:s22] =	ssyncadd.s32 s5;
	_ =	sdelay $0x1  }
0xa2: {  	s23 =	simm.s32 $0x1B8B  }
0xa3: {  	_ =	swait.ge [sflag:s23], $0x1  }
0xa4: {  	[sflag:s23] =	ssyncset.done $0x0  }
0xa5: {  	s25 =	simm.s32 $0x1B8E;
	s24 =	sld [smem:$0x3FFE];
	[sflag:s23] =	ssyncadd.s32 $0xFFFFFFFF  }
0xa6: {  	s26 =	simm.s32 $execute0_lowered;
	[smem:$0x3FD2] =	sst s25  }
0xa7: {  	s6 =	sshll.u32 s26, $0x1;
	_ =	strace $0x80000046;
	[dreg:$0x1] =	wrdreg $0xFFFFFFFF  }
0xa8: {  	s28 =	simm.s32 $_size_execute0_lowered;
	s4 =	sadd.s32 s4, s6;
	[dreg:$0x0] =	wrdreg $0x0  }
0xa9: {  	s6 =	sshll.u32 s28, $0x1;
	[dreg:$0x2] =	wrdreg s4  }
0xaa: {  	[dreg:$0x3] =	wrdreg s6  }
0xab: {  	[dreg:$0x4] =	wrdreg $0xC0  }
0xac: {  	_ =	task [dreg:s8], $0x5FFFF  }
0xad: {  	[dreg:$0x1] =	wrdreg $0xFFFFFFFF  }
0xae: {  	[dreg:$0x0] =	wrdreg $0x60  }
0xaf: {  	[dreg:$0x2] =	wrdreg s24  }
0xb0: {  	[dreg:$0x3] =	wrdreg s18  }
0xb1: {  	[dreg:$0x4] =	wrdreg s2  }
0xb2: {  	[dreg:$0x5] =	wrdreg $0x9  }
0xb3: {  	_ =	task.clear_ibuf [dreg:s8], $0x6FFFF;
	_ =	strace $0x90000046  }
0xb4: {  	s29 =	simm.s32 $0x9;
	_ =	strace $0x80000048  }
0xb5: {  	_ =	swait.ge [sflag:s29], $0x1  }
0xb6: {  	[sflag:s29] =	ssyncadd.s32 $0xFFFFFFFF  }
0xb7: {  	_ =	strace $0x90000048  }
0xb8: {  	_ =	sfence  }
0xb9: {  	s30 =	sld [smem:$0x0];
	_ =	sdelay $0x2  }
0xba: {  	s31 =	sshll.u32 s1, $0xD;
	s1 =	sshrl.u32 s1, $0x2  }
0xbb: {  	s3 =	sand.u32 $0x4000, s31;
	s1 =	sadd.s32 s1, s30  }
0xbc: {  	s0 =	sor.u32 s3, s0;
	s1 =	sshll.u32 s1, $0x11  }
0xbd: {  	s0 =	sor.u32 s1, s0  }
0xbe: {  	s0 =	sadd.s32 $0x8F2B, s0  }
0xbf: {  	[sflag:s0] =	ssyncadd.remote.s32 $0x1  }
0xc0: {  	_ =	sfence.sel $0xFFFF  }
0xc1: {  	[dreg:$0x0] =	wrdreg $0xFFFFFFFF;
	(pc) =	sbr.abs _section_cstart, $3  }
0xc2: {  	[dreg:$0x1] =	wrdreg $0xFFFFFFFF  }
0xc3: {  	_ =	task.clear_ibuf [dreg:s8], $0x2FFFF;
	_ =	strace $0x9FFFFFFF  }
0xc4: {  	(tm) =	ssettm $0x7FFFFFFF  }
0xc5: {  	_ =	shalt  }
tec
execute0_lowered:
.L_overlay_start_1:
0x0: {  	(tag) =	ssettag $0x1  }
0x1: {  	s0 =	rddreg [dreg:$0x0]  }
0x2: {  	s1 =	rddreg [dreg:$0x1]  }
0x3: {  	s2 =	rddreg [dreg:$0x2];
	s4 =	srdreg.scid  }
0x4: {  	s5 =	stileid.u32;
	s3 =	simm.s32 $0x0;
	s29 =	simm.s32 $0x10900  }
0x5: {  	s30 =	simm.s32 $0x11100;
	s31 =	simm.s32 $0x11900;
	s17 =	simm.s32 $0x12900  }
0x6: {  	s10 =	simm.s32 $0x14900;
	s11 =	simm.s32 $0x15100;
	s12 =	simm.s32 $0x15900  }
0x7: {  	s13 =	simm.s32 $0x16100;
	s14 =	simm.s32 $0x16900;
	s15 =	simm.s32 $0x17100  }
0x8: {  	s16 =	simm.s32 $0x17900;
	s4 =	sand.u32 $0x1, s4;
	s5 =	sshll.u32 s5, $0x1  }
0x9: {  	s18 =	simm.s32 $0x5;
	[smem:$0x7FF] =	sst s3;
	s5 =	sor.u32 s4, s5  }
0xa: {  	_ =	strace $0x80000047;
	s4 =	ssub.s32 $0x2, s4;
	s7 =	smul.u32 $0x1800, s5  }
0xb: {  	s6 =	sshll.u32 s5, $0x5;
	s8 =	smul.u32 $0x6000, s5;
	s9 =	sshrl.u32 s4, $0x1  }
0xc: {  	s5 =	smul.u32 $0x30000, s5;
	s6 =	sadd.s32 s6, s0;
	s0 =	sadd.s32 $0x800, s0  }
0xd: {  	s4 =	ssub.s32 s4, s9;
	s9 =	simm.s32 $0x14100;
	s6 =	sadd.s32 $0x400, s6  }
0xe: {  	s1 =	sadd.s32 s1, s7;
	s19 =	sadd.s32 s0, s8;
	[dreg:$0x4] =	wrdreg s6  }
0xf: {  	s20 =	sshrl.u32 s5, $0x3;
	s8 =	sadd.s32 $0x200, s2;
	[dreg:$0x5] =	wrdreg s1  }
0x10: {  	s28 =	smax.u32 s4, $0x1;
	s4 =	simm.s32 $0x13100;
	[dreg:$0x6] =	wrdreg s19  }
0x11: {  	s5 =	simm.s32 $0x13900;
	s21 =	sadd.s32 $0xC00, s19;
	[dreg:$0xe] =	wrdreg s28  }
0x12: {  	s0 =	sadd.s32 s0, s20;
	s22 =	sadd.s32 $0x1800, s19;
	[dreg:$0x7] =	wrdreg s21  }
0x13: {  	s7 =	simm.s32 $0x3;
	[dreg:$0x8] =	wrdreg s22;
	s23 =	sadd.s32 $0x2400, s0  }
0x14: {  	s6 =	sadd.s32 $0x100, s2;
	s24 =	sadd.s32 $0x3000, s0;
	[dreg:$0x9] =	wrdreg s23  }
0x15: {  	s19 =	simm.s32 $0xC100;
	s25 =	sadd.s32 $0x3C00, s0;
	[dreg:$0xa] =	wrdreg s24  }
0x16: {  	v2 =	vlaneseq.u32;
	s1 =	simm.s32 $0x12100;
	s26 =	sadd.s32 $0x4800, s0;
	[dreg:$0xb] =	wrdreg s25  }
0x17: {  	vm0 =	vmmov $0xffff;
	v1 =	vshrl.u32 v2, $0x3;
	s20 =	simm.s32 $0x6;
	s0 =	sadd.s32 $0x5400, s0;
	[dreg:$0xc] =	wrdreg s26  }
0x18: {  	v0 =	vand.u32 $0x7, v2;
	v2 =	vor.u32 $0x8, v2;
	v1 =	vmul.u32 $0x8, v1;
	s21 =	simm.s32 $0x0;
	[dreg:$0xd] =	wrdreg s0;
	s0 =	simm.s32 $0x4  }
.LBB2_1:
0x19: {  	s22 =	rddreg [dreg:$0x4]  }
0x1a: {  	[tilespmem:s3], [sflag:$0x1] =	stream.linear.gather [hbm4b:s22+s3], $0x100, $0x38;
	[tilespmem:$0x18100] =	vst v63  }
0x1b: {  	s28 =	rddreg [dreg:$0x5];
	s23 =	simm.s32 $0x100  }
0x1c: {  	[tilespmem:s23], [sflag:$0x2] =	stream.linear.gather [hbm4b:s28+s3], $0xC000, $0x38;
	[tilespmem:$0x18100] =	vst v63  }
0x1d: {  	s23 =	simm.s32 $0x1  }
0x1e: {  	_ =	swait.ge [sflag:s23], $0x100  }
0x1f: {  	[sflag:s23] =	ssyncset.done $0x0  }
0x20: {  	[sflag:s23] =	ssyncadd.s32 $0xFFFFFF00  }
0x21: {  	v3 =	vld [tilespmem:$0x0];
	_ =	sdelay $0x4  }
0x22: {  	v4 =	vshrl.u32 v3, $0x3  }
0x23: {  	v4 =	vmul.u32 $0x30, v4  }
0x24: {  	v3 =	vand.u32 $0x7, v3  }
0x25: {  	v3 =	vor.u32 v3, v4  }
0x26: {  	v4 =	vperm.xlane v3, v0;
	_ =	sdelay $0x1  }
0x27: {  	v4 =	vadd.s32 v1, v4;
	_ =	sdelay $0x3  }
0x28: {  	v3 =	vperm.xlane v3, v2  }
0x29: {  	[tilespmem:s19], [sflag:$0x3] =	stream.indirect_vreg.gather [hbm4b:s2+s3], $0x80, v4, vm0, $0xb8;
	[tilespmem:$0x18100] =	vst v63  }
0x2a: {  	s24 =	simm.s32 $0xC900;
	v3 =	vadd.s32 v1, v3  }
0x2b: {  	[tilespmem:s24], [sflag:$0x3] =	stream.indirect_vreg.gather [hbm4b:s6+s3], $0x80, v4, vm0, $0xb8;
	[tilespmem:$0x18100] =	vst v63  }
0x2c: {  	s25 =	simm.s32 $0xD100  }
0x2d: {  	[tilespmem:s25], [sflag:$0x3] =	stream.indirect_vreg.gather [hbm4b:s8+s3], $0x80, v4, vm0, $0xb8;
	[tilespmem:$0x18100] =	vst v63  }
0x2e: {  	s26 =	simm.s32 $0xD900  }
0x2f: {  	[tilespmem:s26], [sflag:$0x3] =	stream.indirect_vreg.gather [hbm4b:s2+s3], $0x80, v3, vm0, $0xb8;
	[tilespmem:$0x18100] =	vst v63  }
0x30: {  	s28 =	simm.s32 $0xE100  }
0x31: {  	[tilespmem:s28], [sflag:$0x3] =	stream.indirect_vreg.gather [hbm4b:s6+s3], $0x80, v3, vm0, $0xb8;
	[tilespmem:$0x18100] =	vst v63  }
0x32: {  	s23 =	simm.s32 $0xE900  }
0x33: {  	[tilespmem:s23], [sflag:$0x3] =	stream.indirect_vreg.gather [hbm4b:s8+s3], $0x80, v3, vm0, $0xb8;
	[tilespmem:$0x18100] =	vst v63  }
0x34: {  	v3 =	vld [tilespmem:$0x10];
	_ =	sdelay $0x4  }
0x35: {  	v61 =	vshrl.u32 v3, $0x3  }
0x36: {  	v4 =	vmul.u32 $0x30, v61  }
0x37: {  	v3 =	vand.u32 $0x7, v3  }
0x38: {  	v3 =	vor.u32 v3, v4  }
0x39: {  	v4 =	vperm.xlane v3, v0;
	_ =	sdelay $0x1  }
0x3a: {  	v4 =	vadd.s32 v1, v4;
	_ =	sdelay $0x3  }
0x3b: {  	s24 =	simm.s32 $0xF100;
	v3 =	vperm.xlane v3, v2  }
0x3c: {  	[tilespmem:s24], [sflag:$0x3] =	stream.indirect_vreg.gather [hbm4b:s2+s3], $0x80, v4, vm0, $0xb8;
	[tilespmem:$0x18100] =	vst v63  }
0x3d: {  	s25 =	simm.s32 $0xF900;
	v3 =	vadd.s32 v1, v3  }
0x3e: {  	[tilespmem:s25], [sflag:$0x3] =	stream.indirect_vreg.gather [hbm4b:s6+s3], $0x80, v4, vm0, $0xb8;
	[tilespmem:$0x18100] =	vst v63  }
0x3f: {  	s26 =	simm.s32 $0x10100  }
0x40: {  	[tilespmem:s26], [sflag:$0x3] =	stream.indirect_vreg.gather [hbm4b:s8+s3], $0x80, v4, vm0, $0xb8;
	[tilespmem:$0x18100] =	vst v63  }
0x41: {  	_ = 	snop  }
0x42: {  	[tilespmem:s29], [sflag:$0x3] =	stream.indirect_vreg.gather [hbm4b:s2+s3], $0x80, v3, vm0, $0xb8;
	[tilespmem:$0x18100] =	vst v63  }
0x43: {  	_ = 	snop  }
0x44: {  	[tilespmem:s30], [sflag:$0x3] =	stream.indirect_vreg.gather [hbm4b:s6+s3], $0x80, v3, vm0, $0xb8;
	[tilespmem:$0x18100] =	vst v63  }
0x45: {  	s28 =	simm.s32 $0x2  }
0x46: {  	[tilespmem:s31], [sflag:$0x3] =	stream.indirect_vreg.gather [hbm4b:s8+s3], $0x80, v3, vm0, $0xb8;
	[tilespmem:$0x18100] =	vst v63  }
0x47: {  	_ =	swait.ge [sflag:s28], $0xC000  }
0x48: {  	[sflag:s28] =	ssyncset.done $0x0  }
0x49: {  	[sflag:s28] =	ssyncadd.s32 $0xFFFF4000  }
0x4a: {  	v3 =	vld [tilespmem:$0x20];
	_ =	sdelay $0x4  }
0x4b: {  	v62 =	vshrl.u32 v3, $0x3  }
0x4c: {  	v4 =	vmul.u32 $0x30, v62  }
0x4d: {  	v3 =	vand.u32 $0x7, v3  }
0x4e: {  	v3 =	vor.u32 v3, v4  }
0x4f: {  	v4 =	vperm.xlane v3, v0;
	_ =	sdelay $0x1  }
0x50: {  	v4 =	vadd.s32 v1, v4;
	_ =	sdelay $0x3  }
0x51: {  	v3 =	vperm.xlane v3, v2  }
0x52: {  	[tilespmem:s1], [sflag:$0x4] =	stream.indirect_vreg.gather [hbm4b:s2+s3], $0x80, v4, vm0, $0xb8;
	[tilespmem:$0x18100] =	vst v63  }
0x53: {  	v3 =	vadd.s32 v1, v3  }
0x54: {  	[tilespmem:s17], [sflag:$0x4] =	stream.indirect_vreg.gather [hbm4b:s6+s3], $0x80, v4, vm0, $0xb8;
	[tilespmem:$0x18100] =	vst v63  }
0x55: {  	_ = 	snop  }
0x56: {  	[tilespmem:s4], [sflag:$0x4] =	stream.indirect_vreg.gather [hbm4b:s8+s3], $0x80, v4, vm0, $0xb8;
	[tilespmem:$0x18100] =	vst v63  }
0x57: {  	_ = 	snop  }
0x58: {  	[tilespmem:s5], [sflag:$0x4] =	stream.indirect_vreg.gather [hbm4b:s2+s3], $0x80, v3, vm0, $0xb8;
	[tilespmem:$0x18100] =	vst v63  }
0x59: {  	_ = 	snop  }
0x5a: {  	[tilespmem:s9], [sflag:$0x4] =	stream.indirect_vreg.gather [hbm4b:s6+s3], $0x80, v3, vm0, $0xb8;
	[tilespmem:$0x18100] =	vst v63  }
0x5b: {  	_ = 	snop  }
0x5c: {  	[tilespmem:s10], [sflag:$0x4] =	stream.indirect_vreg.gather [hbm4b:s8+s3], $0x80, v3, vm0, $0xb8;
	[tilespmem:$0x18100] =	vst v63  }
0x5d: {  	v3 =	vld [tilespmem:$0x30];
	_ =	sdelay $0x4  }
0x5e: {  	v63 =	vshrl.u32 v3, $0x3  }
0x5f: {  	v4 =	vmul.u32 $0x30, v63  }
0x60: {  	v3 =	vand.u32 $0x7, v3  }
0x61: {  	v3 =	vor.u32 v3, v4  }
0x62: {  	v4 =	vperm.xlane v3, v0;
	_ =	sdelay $0x1  }
0x63: {  	v4 =	vadd.s32 v1, v4;
	_ =	sdelay $0x3  }
0x64: {  	v3 =	vperm.xlane v3, v2  }
0x65: {  	[tilespmem:s11], [sflag:$0x4] =	stream.indirect_vreg.gather [hbm4b:s2+s3], $0x80, v4, vm0, $0xb8;
	[tilespmem:$0x18100] =	vst v63  }
0x66: {  	v3 =	vadd.s32 v1, v3  }
0x67: {  	[tilespmem:s12], [sflag:$0x4] =	stream.indirect_vreg.gather [hbm4b:s6+s3], $0x80, v4, vm0, $0xb8;
	[tilespmem:$0x18100] =	vst v63  }
0x68: {  	_ = 	snop  }
0x69: {  	[tilespmem:s13], [sflag:$0x4] =	stream.indirect_vreg.gather [hbm4b:s8+s3], $0x80, v4, vm0, $0xb8;
	[tilespmem:$0x18100] =	vst v63  }
0x6a: {  	_ = 	snop  }
0x6b: {  	[tilespmem:s14], [sflag:$0x4] =	stream.indirect_vreg.gather [hbm4b:s2+s3], $0x80, v3, vm0, $0xb8;
	[tilespmem:$0x18100] =	vst v63  }
0x6c: {  	_ = 	snop  }
0x6d: {  	[tilespmem:s15], [sflag:$0x4] =	stream.indirect_vreg.gather [hbm4b:s6+s3], $0x80, v3, vm0, $0xb8;
	[tilespmem:$0x18100] =	vst v63  }
0x6e: {  	_ = 	snop  }
0x6f: {  	[tilespmem:s16], [sflag:$0x4] =	stream.indirect_vreg.gather [hbm4b:s8+s3], $0x80, v3, vm0, $0xb8;
	[tilespmem:$0x18100] =	vst v63  }
0x70: {  	_ =	swait.ge [sflag:s7], $0x6000  }
0x71: {  	p0 =	por $0x0, $0x0;
	[sflag:s7] =	ssyncset.done $0x0  }
0x72: {  	s22 =	simm.s32 $0x140;
	s23 =	simm.s32 $0x0;
	[sflag:s7] =	ssyncadd.s32 $0xFFFFA000  }
.LBB2_2:
0x73: {  	s24 =	sshrl.u32 s23, $0x1;
	s25 =	simm.s32 $0x1  }
0x74: {  	s24 =	smul.u32 $0x6000, s24;
	s25 =	simm.s32 @!p0 $0x0  }
0x75: {  	v4 =	vld [tilespmem:s22+$0x30];
	s25 =	sshll.u32 s25, $0xB  }
0x76: {  	v9 =	vld [tilespmem:s22+$0xFFFFFFD0];
	s24 =	sor.u32 s25, s24  }
0x77: {  	v14 =	vld [tilespmem:s22+$0xFFFFFFE0];
	s24 =	sshra.s32 s24, $0x2  }
0x78: {  	v19 =	vld [tilespmem:s22+$0xFFFFFFF0];
	s28 =	sadd.s32 $0xC200, s24  }
0x79: {  	v8 =	vld [tilespmem:s28+$0xF0]  }
0x7a: {  	v5 =	vld [tilespmem:s28+$0xFFFFFF00]  }
0x7b: {  	v6 =	vld [tilespmem:s28+$0xFFFFFF80]  }
0x7c: {  	v7 =	vld [tilespmem:s28+$0x0]  }
0x7d: {  	v3 =	vld [tilespmem:s28+$0x80]  }
0x7e: {  	v10 =	vld [tilespmem:s28+$0xFFFFFF10]  }
0x7f: {  	v11 =	vld [tilespmem:s28+$0xFFFFFF90]  }
0x80: {  	v12 =	vld [tilespmem:s28+$0x10]  }
0x81: {  	v13 =	vld [tilespmem:s28+$0x90]  }
0x82: {  	v15 =	vld [tilespmem:s28+$0xFFFFFF20]  }
0x83: {  	v16 =	vld [tilespmem:s28+$0xFFFFFFA0]  }
0x84: {  	v17 =	vld [tilespmem:s28+$0x20]  }
0x85: {  	v18 =	vld [tilespmem:s28+$0xA0];
	v8 =	vadd.f32 v8, v4  }
0x86: {  	v20 =	vld [tilespmem:s28+$0xFFFFFF30];
	v10 =	vadd.f32 v10, v9  }
0x87: {  	v63 =	vld [tilespmem:s28+$0xD0];
	[tilespmem:s28+$0xF0] =	vst v8;
	v8 =	vadd.f32 v11, v9  }
0x88: {  	v11 =	vld [tilespmem:s28+$0xFFFFFFB0];
	[tilespmem:s28+$0xFFFFFF10] =	vst v10;
	v10 =	vadd.f32 v12, v9  }
0x89: {  	v12 =	vld [tilespmem:s28+$0x30];
	[tilespmem:s28+$0xFFFFFF90] =	vst v8;
	v8 =	vadd.f32 v13, v9  }
0x8a: {  	v9 =	vld [tilespmem:s28+$0xB0];
	[tilespmem:s28+$0x10] =	vst v10;
	v10 =	vadd.f32 v15, v14  }
0x8b: {  	v13 =	vld [tilespmem:s22+$0x0];
	[tilespmem:s28+$0x90] =	vst v8;
	v8 =	vadd.f32 v16, v14  }
0x8c: {  	v15 =	vld [tilespmem:s28+$0xFFFFFF40];
	[tilespmem:s28+$0xFFFFFF20] =	vst v10;
	v10 =	vadd.f32 v17, v14  }
0x8d: {  	v16 =	vld [tilespmem:s28+$0xFFFFFFC0];
	[tilespmem:s28+$0xFFFFFFA0] =	vst v8;
	v8 =	vadd.f32 v18, v14  }
0x8e: {  	v17 =	vld [tilespmem:s28+$0xC0];
	[tilespmem:s28+$0x20] =	vst v10;
	v10 =	vadd.f32 v20, v19  }
0x8f: {  	v14 =	vld [tilespmem:s28+$0x40];
	[tilespmem:s28+$0xA0] =	vst v8;
	v8 =	vadd.f32 v11, v19  }
0x90: {  	v11 =	vld [tilespmem:s22+$0x10];
	[tilespmem:s28+$0xFFFFFF30] =	vst v10;
	v10 =	vadd.f32 v12, v19  }
0x91: {  	v12 =	vld [tilespmem:s28+$0xFFFFFF50];
	[tilespmem:s28+$0xFFFFFFB0] =	vst v8;
	v8 =	vadd.f32 v9, v19  }
0x92: {  	v9 =	vld [tilespmem:s28+$0xFFFFFFD0];
	[tilespmem:s28+$0x30] =	vst v10;
	v10 =	vadd.f32 v15, v13  }
0x93: {  	v16 =	vadd.f32 v16, v13;
	v15 =	vld [tilespmem:s28+$0x50];
	[tilespmem:s28+$0xB0] =	vst v8  }
0x94: {  	[tilespmem:s28+$0xFFFFFF40] =	vst v10;
	v10 =	vadd.f32 v14, v13;
	v8 =	vld [tilespmem:s22+$0x20]  }
0x95: {  	[tilespmem:s28+$0xFFFFFFC0] =	vst v16;
	v13 =	vadd.f32 v17, v13;
	v14 =	vld [tilespmem:s28+$0xFFFFFF60]  }
0x96: {  	v16 =	vld [tilespmem:s28+$0xFFFFFFE0];
	[tilespmem:s28+$0x40] =	vst v10;
	v10 =	vadd.f32 v12, v11  }
0x97: {  	v17 =	vld [tilespmem:s28+$0x60];
	[tilespmem:s28+$0xC0] =	vst v13;
	v9 =	vadd.f32 v9, v11  }
0x98: {  	v13 =	vld [tilespmem:s28+$0xE0];
	[tilespmem:s28+$0xFFFFFF50] =	vst v10;
	v10 =	vadd.f32 v15, v11  }
0x99: {  	[tilespmem:s28+$0xFFFFFFD0] =	vst v9;
	v9 =	vadd.f32 v63, v11;
	v11 =	vld [tilespmem:s28+$0xFFFFFF70]  }
0x9a: {  	v12 =	vld [tilespmem:s28+$0xFFFFFFF0];
	v15 =	vadd.f32 v14, v8;
	[tilespmem:s28+$0x50] =	vst v10  }
0x9b: {  	v14 =	vadd.f32 v16, v8;
	v10 =	vld [tilespmem:s28+$0x70];
	[tilespmem:s28+$0xD0] =	vst v9  }
0x9c: {  	s26 =	sadd.s32 $0x400, s22;
	s25 =	simm.s32 $0x0;
	s24 =	smov.u32 s28;
	v9 =	vld [tilespmem:s22+$0xFFFFFFC0];
	[tilespmem:s28+$0xFFFFFF60] =	vst v15;
	v15 =	vadd.f32 v17, v8  }
.LBB2_3:
0x9d: {  	v16 =	vld [tilespmem:s26+$0x30];
	[tilespmem:s28+$0xFFFFFFE0] =	vst v14;
	v8 =	vadd.f32 v13, v8;
	s24 =	sadd.s32 $0x400, s24  }
0x9e: {  	s25 =	sadd.s32 $0x80, s25;
	v13 =	vld [tilespmem:s24+$0xF0];
	[tilespmem:s28+$0x60] =	vst v15;
	v11 =	vadd.f32 v11, v4  }
0x9f: {  	p1 =	slt.u32 s25, $0x280;
	v14 =	vld [tilespmem:s24+$0xFFFFFF00];
	[tilespmem:s28+$0xE0] =	vst v8;
	v8 =	vadd.f32 v12, v4  }
0xa0: {  	v12 =	vld [tilespmem:s24+$0xFFFFFF80];
	[tilespmem:s28+$0xFFFFFF70] =	vst v11;
	v11 =	vadd.f32 v10, v4  }
0xa1: {  	v10 =	vld [tilespmem:s24+$0x0];
	v15 =	vadd.f32 v5, v9;
	v6 =	vadd.f32 v6, v9;
	[tilespmem:s28+$0xFFFFFFF0] =	vst v8  }
0xa2: {  	v7 =	vadd.f32 v7, v9;
	v8 =	vadd.f32 v3, v9;
	v3 =	vld [tilespmem:s24+$0x80];
	[tilespmem:s28+$0x70] =	vst v11;
	v4 =	vmov v16  }
0xa3: {  	v9 =	vld [tilespmem:s26+$0xFFFFFFD0];
	v11 =	vadd.f32 v13, v4;
	[tilespmem:s28+$0xFFFFFF00] =	vst v15  }
0xa4: {  	v13 =	vld [tilespmem:s24+$0xFFFFFF10];
	[tilespmem:s28+$0xFFFFFF80] =	vst v6;
	v5 =	vmov v14  }
0xa5: {  	v14 =	vld [tilespmem:s24+$0xFFFFFF90];
	[tilespmem:s24+$0xF0] =	vst v11;
	v6 =	vmov v12  }
0xa6: {  	v11 =	vld [tilespmem:s24+$0x10];
	[tilespmem:s28+$0x0] =	vst v7;
	v7 =	vmov v10  }
0xa7: {  	v10 =	vld [tilespmem:s24+$0x90];
	[tilespmem:s28+$0x80] =	vst v8;
	s28 =	smov.u32 s24  }
0xa8: {  	v8 =	vld [tilespmem:s26+$0xFFFFFFE0]  }
0xa9: {  	v12 =	vadd.f32 v13, v9;
	v13 =	vld [tilespmem:s24+$0xFFFFFF20]  }
0xaa: {  	v14 =	vadd.f32 v14, v9;
	v15 =	vld [tilespmem:s24+$0xFFFFFFA0]  }
0xab: {  	[tilespmem:s24+$0xFFFFFF10] =	vst v12;
	v11 =	vadd.f32 v11, v9;
	v12 =	vld [tilespmem:s24+$0x20]  }
0xac: {  	[tilespmem:s24+$0xFFFFFF90] =	vst v14;
	v9 =	vadd.f32 v10, v9;
	v10 =	vld [tilespmem:s24+$0xA0]  }
0xad: {  	[tilespmem:s24+$0x10] =	vst v11;
	v11 =	vld [tilespmem:s26+$0xFFFFFFF0]  }
0xae: {  	[tilespmem:s24+$0x90] =	vst v9;
	v9 =	vadd.f32 v13, v8;
	v13 =	vld [tilespmem:s24+$0xFFFFFF30]  }
0xaf: {  	v14 =	vadd.f32 v15, v8;
	v15 =	vld [tilespmem:s24+$0xFFFFFFB0]  }
0xb0: {  	[tilespmem:s24+$0xFFFFFF20] =	vst v9;
	v9 =	vadd.f32 v12, v8;
	v12 =	vld [tilespmem:s24+$0x30]  }
0xb1: {  	[tilespmem:s24+$0xFFFFFFA0] =	vst v14;
	v8 =	vadd.f32 v10, v8;
	v10 =	vld [tilespmem:s24+$0xB0]  }
0xb2: {  	[tilespmem:s24+$0x20] =	vst v9;
	v9 =	vld [tilespmem:s26+$0x0]  }
0xb3: {  	[tilespmem:s24+$0xA0] =	vst v8;
	v8 =	vadd.f32 v13, v11;
	v13 =	vld [tilespmem:s24+$0xFFFFFF40]  }
0xb4: {  	v14 =	vadd.f32 v15, v11;
	v15 =	vld [tilespmem:s24+$0xFFFFFFC0]  }
0xb5: {  	[tilespmem:s24+$0xFFFFFF30] =	vst v8;
	v8 =	vadd.f32 v12, v11;
	v12 =	vld [tilespmem:s24+$0x40]  }
0xb6: {  	[tilespmem:s24+$0xFFFFFFB0] =	vst v14;
	v10 =	vadd.f32 v10, v11;
	v11 =	vld [tilespmem:s24+$0xC0]  }
0xb7: {  	[tilespmem:s24+$0x30] =	vst v8;
	v14 =	vld [tilespmem:s26+$0x10]  }
0xb8: {  	[tilespmem:s24+$0xB0] =	vst v10;
	v8 =	vadd.f32 v13, v9;
	v10 =	vld [tilespmem:s24+$0xFFFFFF50]  }
0xb9: {  	v13 =	vadd.f32 v15, v9;
	v15 =	vld [tilespmem:s24+$0xFFFFFFD0]  }
0xba: {  	[tilespmem:s24+$0xFFFFFF40] =	vst v8;
	v8 =	vadd.f32 v12, v9;
	v12 =	vld [tilespmem:s24+$0x50]  }
0xbb: {  	[tilespmem:s24+$0xFFFFFFC0] =	vst v13;
	v9 =	vadd.f32 v11, v9;
	v11 =	vld [tilespmem:s24+$0xD0]  }
0xbc: {  	[tilespmem:s24+$0x40] =	vst v8;
	v8 =	vld [tilespmem:s26+$0x20]  }
0xbd: {  	[tilespmem:s24+$0xC0] =	vst v9;
	v9 =	vadd.f32 v10, v14;
	v10 =	vld [tilespmem:s24+$0xFFFFFF60]  }
0xbe: {  	v13 =	vadd.f32 v15, v14;
	v15 =	vld [tilespmem:s24+$0xFFFFFFE0]  }
0xbf: {  	[tilespmem:s24+$0xFFFFFF50] =	vst v9;
	v9 =	vadd.f32 v12, v14;
	v16 =	vld [tilespmem:s24+$0x60]  }
.Ltmp0:
0xc0: {  	[tilespmem:s24+$0xFFFFFFD0] =	vst v13;
	v12 =	vadd.f32 v11, v14;
	v13 =	vld [tilespmem:s24+$0xE0];
	(pc) =	sbr.rel @p1 .LBB2_3-.Ltmp0, $4  }
0xc1: {  	[tilespmem:s24+$0x50] =	vst v9;
	v11 =	vld [tilespmem:s24+$0xFFFFFF70]  }
0xc2: {  	[tilespmem:s24+$0xD0] =	vst v12;
	v17 =	vadd.f32 v10, v8;
	v12 =	vld [tilespmem:s24+$0xFFFFFFF0]  }
0xc3: {  	v14 =	vadd.f32 v15, v8;
	v10 =	vld [tilespmem:s24+$0x70]  }
0xc4: {  	v9 =	vld [tilespmem:s26+$0xFFFFFFC0];
	[tilespmem:s24+$0xFFFFFF60] =	vst v17;
	v15 =	vadd.f32 v16, v8;
	s26 =	sadd.s32 $0x400, s26  }
0xc5: {  	[tilespmem:s28+$0xFFFFFFE0] =	vst v14;
	v8 =	vadd.f32 v13, v8  }
0xc6: {  	[tilespmem:s28+$0x60] =	vst v15;
	v11 =	vadd.f32 v11, v4  }
0xc7: {  	[tilespmem:s28+$0xE0] =	vst v8;
	v61 =	vadd.f32 v12, v4  }
0xc8: {  	s23 =	sadd.s32 $0x1, s23;
	[tilespmem:s28+$0xFFFFFF70] =	vst v11;
	v62 =	vadd.f32 v10, v4  }
0xc9: {  	p1 =	sne.s32 s23, $0x8;
	v5 =	vadd.f32 v5, v9;
	[tilespmem:s28+$0xFFFFFFF0] =	vst v61  }
.Ltmp1:
0xca: {  	v6 =	vadd.f32 v6, v9;
	[tilespmem:s28+$0x70] =	vst v62;
	(pc) =	sbr.rel @p1 .LBB2_2-.Ltmp1, $4  }
0xcb: {  	v63 =	vadd.f32 v7, v9;
	[tilespmem:s28+$0xFFFFFF00] =	vst v5  }
0xcc: {  	v3 =	vadd.f32 v3, v9;
	[tilespmem:s28+$0xFFFFFF80] =	vst v6  }
0xcd: {  	[tilespmem:s28+$0x0] =	vst v63  }
0xce: {  	s22 =	sadd.s32 $0x80, s22;
	p0 =	por !p0, !p0;
	[tilespmem:s28+$0x80] =	vst v3  }
0xcf: {  	s22 =	simm.s32 $0x0;
	s23 =	rddreg [dreg:$0x6]  }
0xd0: {  	[hbm4b:s23+s22] =	stream.linear.scatter [tilespmem:s19], [sflag:$0x5], $0x6000, $0x38;
	[tilespmem:$0x18100] =	vst v63  }
0xd1: {  	_ =	swait.ge [sflag:s18], $0x6000  }
0xd2: {  	[sflag:s18] =	ssyncset.done $0x0  }
0xd3: {  	[sflag:s18] =	ssyncadd.s32 $0xFFFFA000  }
0xd4: {  	v3 =	vld [tilespmem:$0x40];
	_ =	sdelay $0x4  }
0xd5: {  	v4 =	vshrl.u32 v3, $0x3  }
0xd6: {  	v4 =	vmul.u32 $0x30, v4  }
0xd7: {  	v3 =	vand.u32 $0x7, v3  }
0xd8: {  	v3 =	vor.u32 v3, v4  }
0xd9: {  	v4 =	vperm.xlane v3, v0;
	_ =	sdelay $0x1  }
0xda: {  	v4 =	vadd.s32 v1, v4;
	_ =	sdelay $0x3  }
0xdb: {  	v3 =	vperm.xlane v3, v2  }
0xdc: {  	[tilespmem:s19], [sflag:$0x3] =	stream.indirect_vreg.gather [hbm4b:s2+s22], $0x80, v4, vm0, $0xb8;
	[tilespmem:$0x18100] =	vst v63  }
0xdd: {  	s24 =	simm.s32 $0xC900;
	v3 =	vadd.s32 v1, v3  }
0xde: {  	[tilespmem:s24], [sflag:$0x3] =	stream.indirect_vreg.gather [hbm4b:s6+s22], $0x80, v4, vm0, $0xb8;
	[tilespmem:$0x18100] =	vst v63  }
0xdf: {  	s25 =	simm.s32 $0xD100  }
0xe0: {  	[tilespmem:s25], [sflag:$0x3] =	stream.indirect_vreg.gather [hbm4b:s8+s22], $0x80, v4, vm0, $0xb8;
	[tilespmem:$0x18100] =	vst v63  }
0xe1: {  	s26 =	simm.s32 $0xD900  }
0xe2: {  	[tilespmem:s26], [sflag:$0x3] =	stream.indirect_vreg.gather [hbm4b:s2+s22], $0x80, v3, vm0, $0xb8;
	[tilespmem:$0x18100] =	vst v63  }
0xe3: {  	s28 =	simm.s32 $0xE100  }
0xe4: {  	[tilespmem:s28], [sflag:$0x3] =	stream.indirect_vreg.gather [hbm4b:s6+s22], $0x80, v3, vm0, $0xb8;
	[tilespmem:$0x18100] =	vst v63  }
0xe5: {  	s24 =	simm.s32 $0xE900  }
0xe6: {  	[tilespmem:s24], [sflag:$0x3] =	stream.indirect_vreg.gather [hbm4b:s8+s22], $0x80, v3, vm0, $0xb8;
	[tilespmem:$0x18100] =	vst v63  }
0xe7: {  	v3 =	vld [tilespmem:$0x50];
	_ =	sdelay $0x4  }
0xe8: {  	v63 =	vshrl.u32 v3, $0x3  }
0xe9: {  	v4 =	vmul.u32 $0x30, v63  }
0xea: {  	v3 =	vand.u32 $0x7, v3  }
0xeb: {  	v3 =	vor.u32 v3, v4  }
0xec: {  	v4 =	vperm.xlane v3, v0;
	_ =	sdelay $0x1  }
0xed: {  	v4 =	vadd.s32 v1, v4;
	_ =	sdelay $0x3  }
0xee: {  	s25 =	simm.s32 $0xF100;
	v3 =	vperm.xlane v3, v2  }
0xef: {  	[tilespmem:s25], [sflag:$0x3] =	stream.indirect_vreg.gather [hbm4b:s2+s22], $0x80, v4, vm0, $0xb8;
	[tilespmem:$0x18100] =	vst v63  }
0xf0: {  	s26 =	simm.s32 $0xF900;
	v3 =	vadd.s32 v1, v3  }
0xf1: {  	[tilespmem:s26], [sflag:$0x3] =	stream.indirect_vreg.gather [hbm4b:s6+s22], $0x80, v4, vm0, $0xb8;
	[tilespmem:$0x18100] =	vst v63  }
0xf2: {  	s28 =	simm.s32 $0x10100  }
0xf3: {  	[tilespmem:s28], [sflag:$0x3] =	stream.indirect_vreg.gather [hbm4b:s8+s22], $0x80, v4, vm0, $0xb8;
	[tilespmem:$0x18100] =	vst v63  }
0xf4: {  	_ = 	snop  }
0xf5: {  	[tilespmem:s29], [sflag:$0x3] =	stream.indirect_vreg.gather [hbm4b:s2+s22], $0x80, v3, vm0, $0xb8;
	[tilespmem:$0x18100] =	vst v63  }
0xf6: {  	_ = 	snop  }
0xf7: {  	[tilespmem:s30], [sflag:$0x3] =	stream.indirect_vreg.gather [hbm4b:s6+s22], $0x80, v3, vm0, $0xb8;
	[tilespmem:$0x18100] =	vst v63  }
0xf8: {  	_ = 	snop  }
0xf9: {  	[tilespmem:s31], [sflag:$0x3] =	stream.indirect_vreg.gather [hbm4b:s8+s22], $0x80, v3, vm0, $0xb8;
	[tilespmem:$0x18100] =	vst v63  }
0xfa: {  	_ =	swait.ge [sflag:s0], $0x6000  }
0xfb: {  	[sflag:s0] =	ssyncset.done $0x0  }
0xfc: {  	p0 =	por $0x0, $0x0;
	s23 =	simm.s32 $0x1970;
	[sflag:s0] =	ssyncadd.s32 $0xFFFFA000  }
.LBB2_6:
0xfd: {  	s24 =	sshrl.u32 s22, $0x1;
	s25 =	simm.s32 $0x1  }
0xfe: {  	s24 =	smul.u32 $0x6000, s24;
	s25 =	simm.s32 @!p0 $0x0  }
0xff: {  	v4 =	vld [tilespmem:s23+$0x0];
	s25 =	sshll.u32 s25, $0xB  }
0x100: {  	v9 =	vld [tilespmem:s23+$0xFFFFFFA0];
	s24 =	sor.u32 s25, s24  }
0x101: {  	v14 =	vld [tilespmem:s23+$0xFFFFFFB0];
	s24 =	sshra.s32 s24, $0x2  }
0x102: {  	v19 =	vld [tilespmem:s23+$0xFFFFFFC0];
	s24 =	sadd.s32 $0x12200, s24  }
0x103: {  	v8 =	vld [tilespmem:s24+$0xF0]  }
0x104: {  	v5 =	vld [tilespmem:s24+$0xFFFFFF00]  }
0x105: {  	v6 =	vld [tilespmem:s24+$0xFFFFFF80]  }
0x106: {  	v7 =	vld [tilespmem:s24+$0x0]  }
0x107: {  	v3 =	vld [tilespmem:s24+$0x80]  }
0x108: {  	v10 =	vld [tilespmem:s24+$0xFFFFFF10]  }
0x109: {  	v11 =	vld [tilespmem:s24+$0xFFFFFF90]  }
0x10a: {  	v12 =	vld [tilespmem:s24+$0x10]  }
0x10b: {  	v13 =	vld [tilespmem:s24+$0x90]  }
0x10c: {  	v15 =	vld [tilespmem:s24+$0xFFFFFF20]  }
0x10d: {  	v16 =	vld [tilespmem:s24+$0xFFFFFFA0]  }
0x10e: {  	v17 =	vld [tilespmem:s24+$0x20]  }
0x10f: {  	v18 =	vld [tilespmem:s24+$0xA0];
	v8 =	vadd.f32 v8, v4  }
0x110: {  	v20 =	vld [tilespmem:s24+$0xFFFFFF30];
	v10 =	vadd.f32 v10, v9  }
0x111: {  	v63 =	vld [tilespmem:s24+$0xD0];
	[tilespmem:s24+$0xF0] =	vst v8;
	v8 =	vadd.f32 v11, v9  }
0x112: {  	v11 =	vld [tilespmem:s24+$0xFFFFFFB0];
	[tilespmem:s24+$0xFFFFFF10] =	vst v10;
	v10 =	vadd.f32 v12, v9  }
0x113: {  	v12 =	vld [tilespmem:s24+$0x30];
	[tilespmem:s24+$0xFFFFFF90] =	vst v8;
	v8 =	vadd.f32 v13, v9  }
0x114: {  	v9 =	vld [tilespmem:s24+$0xB0];
	[tilespmem:s24+$0x10] =	vst v10;
	v10 =	vadd.f32 v15, v14  }
0x115: {  	v13 =	vld [tilespmem:s23+$0xFFFFFFD0];
	[tilespmem:s24+$0x90] =	vst v8;
	v8 =	vadd.f32 v16, v14  }
0x116: {  	v15 =	vld [tilespmem:s24+$0xFFFFFF40];
	[tilespmem:s24+$0xFFFFFF20] =	vst v10;
	v10 =	vadd.f32 v17, v14  }
0x117: {  	v16 =	vld [tilespmem:s24+$0xFFFFFFC0];
	[tilespmem:s24+$0xFFFFFFA0] =	vst v8;
	v8 =	vadd.f32 v18, v14  }
0x118: {  	v17 =	vld [tilespmem:s24+$0xC0];
	[tilespmem:s24+$0x20] =	vst v10;
	v10 =	vadd.f32 v20, v19  }
0x119: {  	v14 =	vld [tilespmem:s24+$0x40];
	[tilespmem:s24+$0xA0] =	vst v8;
	v8 =	vadd.f32 v11, v19  }
0x11a: {  	v11 =	vld [tilespmem:s23+$0xFFFFFFE0];
	[tilespmem:s24+$0xFFFFFF30] =	vst v10;
	v10 =	vadd.f32 v12, v19  }
0x11b: {  	v12 =	vld [tilespmem:s24+$0xFFFFFF50];
	[tilespmem:s24+$0xFFFFFFB0] =	vst v8;
	v8 =	vadd.f32 v9, v19  }
0x11c: {  	v9 =	vld [tilespmem:s24+$0xFFFFFFD0];
	[tilespmem:s24+$0x30] =	vst v10;
	v10 =	vadd.f32 v15, v13  }
0x11d: {  	v16 =	vadd.f32 v16, v13;
	v15 =	vld [tilespmem:s24+$0x50];
	[tilespmem:s24+$0xB0] =	vst v8  }
0x11e: {  	[tilespmem:s24+$0xFFFFFF40] =	vst v10;
	v10 =	vadd.f32 v14, v13;
	v8 =	vld [tilespmem:s23+$0xFFFFFFF0]  }
0x11f: {  	[tilespmem:s24+$0xFFFFFFC0] =	vst v16;
	v13 =	vadd.f32 v17, v13;
	v14 =	vld [tilespmem:s24+$0xFFFFFF60]  }
0x120: {  	v16 =	vld [tilespmem:s24+$0xFFFFFFE0];
	[tilespmem:s24+$0x40] =	vst v10;
	v10 =	vadd.f32 v12, v11  }
0x121: {  	v17 =	vld [tilespmem:s24+$0x60];
	[tilespmem:s24+$0xC0] =	vst v13;
	v9 =	vadd.f32 v9, v11  }
0x122: {  	v13 =	vld [tilespmem:s24+$0xE0];
	[tilespmem:s24+$0xFFFFFF50] =	vst v10;
	v10 =	vadd.f32 v15, v11  }
0x123: {  	[tilespmem:s24+$0xFFFFFFD0] =	vst v9;
	v9 =	vadd.f32 v63, v11;
	v11 =	vld [tilespmem:s24+$0xFFFFFF70]  }
0x124: {  	v12 =	vld [tilespmem:s24+$0xFFFFFFF0];
	v15 =	vadd.f32 v14, v8;
	[tilespmem:s24+$0x50] =	vst v10  }
0x125: {  	v14 =	vadd.f32 v16, v8;
	v10 =	vld [tilespmem:s24+$0x70];
	[tilespmem:s24+$0xD0] =	vst v9  }
0x126: {  	s26 =	sadd.s32 $0x400, s23;
	s25 =	simm.s32 $0x0;
	s28 =	smov.u32 s24;
	v9 =	vld [tilespmem:s23+$0xFFFFFF90];
	[tilespmem:s24+$0xFFFFFF60] =	vst v15;
	v15 =	vadd.f32 v17, v8  }
.LBB2_7:
0x127: {  	v16 =	vld [tilespmem:s26+$0x0];
	[tilespmem:s24+$0xFFFFFFE0] =	vst v14;
	v8 =	vadd.f32 v13, v8;
	s28 =	sadd.s32 $0x400, s28  }
0x128: {  	s25 =	sadd.s32 $0x80, s25;
	v13 =	vld [tilespmem:s28+$0xF0];
	[tilespmem:s24+$0x60] =	vst v15;
	v11 =	vadd.f32 v11, v4  }
0x129: {  	p1 =	slt.u32 s25, $0x280;
	v14 =	vld [tilespmem:s28+$0xFFFFFF00];
	[tilespmem:s24+$0xE0] =	vst v8;
	v8 =	vadd.f32 v12, v4  }
0x12a: {  	v12 =	vld [tilespmem:s28+$0xFFFFFF80];
	[tilespmem:s24+$0xFFFFFF70] =	vst v11;
	v11 =	vadd.f32 v10, v4  }
0x12b: {  	v10 =	vld [tilespmem:s28+$0x0];
	v15 =	vadd.f32 v5, v9;
	v6 =	vadd.f32 v6, v9;
	[tilespmem:s24+$0xFFFFFFF0] =	vst v8  }
0x12c: {  	v7 =	vadd.f32 v7, v9;
	v8 =	vadd.f32 v3, v9;
	v3 =	vld [tilespmem:s28+$0x80];
	[tilespmem:s24+$0x70] =	vst v11;
	v4 =	vmov v16  }
0x12d: {  	v9 =	vld [tilespmem:s26+$0xFFFFFFA0];
	v11 =	vadd.f32 v13, v4;
	[tilespmem:s24+$0xFFFFFF00] =	vst v15  }
0x12e: {  	v13 =	vld [tilespmem:s28+$0xFFFFFF10];
	[tilespmem:s24+$0xFFFFFF80] =	vst v6;
	v5 =	vmov v14  }
0x12f: {  	v14 =	vld [tilespmem:s28+$0xFFFFFF90];
	[tilespmem:s28+$0xF0] =	vst v11;
	v6 =	vmov v12  }
0x130: {  	v11 =	vld [tilespmem:s28+$0x10];
	[tilespmem:s24+$0x0] =	vst v7;
	v7 =	vmov v10  }
0x131: {  	v10 =	vld [tilespmem:s28+$0x90];
	[tilespmem:s24+$0x80] =	vst v8;
	s24 =	smov.u32 s28  }
0x132: {  	v8 =	vld [tilespmem:s26+$0xFFFFFFB0]  }
0x133: {  	v12 =	vadd.f32 v13, v9;
	v13 =	vld [tilespmem:s28+$0xFFFFFF20]  }
0x134: {  	v14 =	vadd.f32 v14, v9;
	v15 =	vld [tilespmem:s28+$0xFFFFFFA0]  }
0x135: {  	[tilespmem:s28+$0xFFFFFF10] =	vst v12;
	v11 =	vadd.f32 v11, v9;
	v12 =	vld [tilespmem:s28+$0x20]  }
0x136: {  	[tilespmem:s28+$0xFFFFFF90] =	vst v14;
	v9 =	vadd.f32 v10, v9;
	v10 =	vld [tilespmem:s28+$0xA0]  }
0x137: {  	[tilespmem:s28+$0x10] =	vst v11;
	v11 =	vld [tilespmem:s26+$0xFFFFFFC0]  }
0x138: {  	[tilespmem:s28+$0x90] =	vst v9;
	v9 =	vadd.f32 v13, v8;
	v13 =	vld [tilespmem:s28+$0xFFFFFF30]  }
0x139: {  	v14 =	vadd.f32 v15, v8;
	v15 =	vld [tilespmem:s28+$0xFFFFFFB0]  }
0x13a: {  	[tilespmem:s28+$0xFFFFFF20] =	vst v9;
	v9 =	vadd.f32 v12, v8;
	v12 =	vld [tilespmem:s28+$0x30]  }
0x13b: {  	[tilespmem:s28+$0xFFFFFFA0] =	vst v14;
	v8 =	vadd.f32 v10, v8;
	v10 =	vld [tilespmem:s28+$0xB0]  }
0x13c: {  	[tilespmem:s28+$0x20] =	vst v9;
	v9 =	vld [tilespmem:s26+$0xFFFFFFD0]  }
0x13d: {  	[tilespmem:s28+$0xA0] =	vst v8;
	v8 =	vadd.f32 v13, v11;
	v13 =	vld [tilespmem:s28+$0xFFFFFF40]  }
0x13e: {  	v14 =	vadd.f32 v15, v11;
	v15 =	vld [tilespmem:s28+$0xFFFFFFC0]  }
0x13f: {  	[tilespmem:s28+$0xFFFFFF30] =	vst v8;
	v8 =	vadd.f32 v12, v11;
	v12 =	vld [tilespmem:s28+$0x40]  }
0x140: {  	[tilespmem:s28+$0xFFFFFFB0] =	vst v14;
	v10 =	vadd.f32 v10, v11;
	v11 =	vld [tilespmem:s28+$0xC0]  }
0x141: {  	[tilespmem:s28+$0x30] =	vst v8;
	v14 =	vld [tilespmem:s26+$0xFFFFFFE0]  }
0x142: {  	[tilespmem:s28+$0xB0] =	vst v10;
	v8 =	vadd.f32 v13, v9;
	v10 =	vld [tilespmem:s28+$0xFFFFFF50]  }
0x143: {  	v13 =	vadd.f32 v15, v9;
	v15 =	vld [tilespmem:s28+$0xFFFFFFD0]  }
0x144: {  	[tilespmem:s28+$0xFFFFFF40] =	vst v8;
	v8 =	vadd.f32 v12, v9;
	v12 =	vld [tilespmem:s28+$0x50]  }
0x145: {  	[tilespmem:s28+$0xFFFFFFC0] =	vst v13;
	v9 =	vadd.f32 v11, v9;
	v11 =	vld [tilespmem:s28+$0xD0]  }
0x146: {  	[tilespmem:s28+$0x40] =	vst v8;
	v8 =	vld [tilespmem:s26+$0xFFFFFFF0]  }
0x147: {  	[tilespmem:s28+$0xC0] =	vst v9;
	v9 =	vadd.f32 v10, v14;
	v10 =	vld [tilespmem:s28+$0xFFFFFF60]  }
0x148: {  	v13 =	vadd.f32 v15, v14;
	v15 =	vld [tilespmem:s28+$0xFFFFFFE0]  }
0x149: {  	[tilespmem:s28+$0xFFFFFF50] =	vst v9;
	v9 =	vadd.f32 v12, v14;
	v16 =	vld [tilespmem:s28+$0x60]  }
.Ltmp2:
0x14a: {  	[tilespmem:s28+$0xFFFFFFD0] =	vst v13;
	v12 =	vadd.f32 v11, v14;
	v13 =	vld [tilespmem:s28+$0xE0];
	(pc) =	sbr.rel @p1 .LBB2_7-.Ltmp2, $4  }
0x14b: {  	[tilespmem:s28+$0x50] =	vst v9;
	v11 =	vld [tilespmem:s28+$0xFFFFFF70]  }
0x14c: {  	[tilespmem:s28+$0xD0] =	vst v12;
	v17 =	vadd.f32 v10, v8;
	v12 =	vld [tilespmem:s28+$0xFFFFFFF0]  }
0x14d: {  	v14 =	vadd.f32 v15, v8;
	v10 =	vld [tilespmem:s28+$0x70]  }
0x14e: {  	v9 =	vld [tilespmem:s26+$0xFFFFFF90];
	[tilespmem:s28+$0xFFFFFF60] =	vst v17;
	v15 =	vadd.f32 v16, v8;
	s26 =	sadd.s32 $0x400, s26  }
0x14f: {  	[tilespmem:s24+$0xFFFFFFE0] =	vst v14;
	v8 =	vadd.f32 v13, v8  }
0x150: {  	[tilespmem:s24+$0x60] =	vst v15;
	v11 =	vadd.f32 v11, v4  }
0x151: {  	[tilespmem:s24+$0xE0] =	vst v8;
	v61 =	vadd.f32 v12, v4  }
0x152: {  	s22 =	sadd.s32 $0x1, s22;
	[tilespmem:s24+$0xFFFFFF70] =	vst v11;
	v62 =	vadd.f32 v10, v4  }
0x153: {  	p1 =	sne.s32 s22, $0x8;
	v5 =	vadd.f32 v5, v9;
	[tilespmem:s24+$0xFFFFFFF0] =	vst v61  }
.Ltmp3:
0x154: {  	v6 =	vadd.f32 v6, v9;
	[tilespmem:s24+$0x70] =	vst v62;
	(pc) =	sbr.rel @p1 .LBB2_6-.Ltmp3, $4  }
0x155: {  	v63 =	vadd.f32 v7, v9;
	[tilespmem:s24+$0xFFFFFF00] =	vst v5  }
0x156: {  	v3 =	vadd.f32 v3, v9;
	[tilespmem:s24+$0xFFFFFF80] =	vst v6  }
0x157: {  	[tilespmem:s24+$0x0] =	vst v63  }
0x158: {  	s23 =	sadd.s32 $0x80, s23;
	p0 =	por !p0, !p0;
	[tilespmem:s24+$0x80] =	vst v3  }
0x159: {  	s22 =	simm.s32 $0x0;
	s23 =	rddreg [dreg:$0x7]  }
0x15a: {  	[hbm4b:s23+s22] =	stream.linear.scatter [tilespmem:s1], [sflag:$0x6], $0x6000, $0x38;
	[tilespmem:$0x18100] =	vst v63  }
0x15b: {  	_ =	swait.ge [sflag:s20], $0x6000  }
0x15c: {  	[sflag:s20] =	ssyncset.done $0x0  }
0x15d: {  	[sflag:s20] =	ssyncadd.s32 $0xFFFFA000  }
0x15e: {  	v3 =	vld [tilespmem:$0x60];
	_ =	sdelay $0x4  }
0x15f: {  	v4 =	vshrl.u32 v3, $0x3  }
0x160: {  	v4 =	vmul.u32 $0x30, v4  }
0x161: {  	v3 =	vand.u32 $0x7, v3  }
0x162: {  	v3 =	vor.u32 v3, v4  }
0x163: {  	v4 =	vperm.xlane v3, v0;
	_ =	sdelay $0x1  }
0x164: {  	v4 =	vadd.s32 v1, v4;
	_ =	sdelay $0x3  }
0x165: {  	v3 =	vperm.xlane v3, v2  }
0x166: {  	[tilespmem:s1], [sflag:$0x4] =	stream.indirect_vreg.gather [hbm4b:s2+s22], $0x80, v4, vm0, $0xb8;
	[tilespmem:$0x18100] =	vst v63  }
0x167: {  	v3 =	vadd.s32 v1, v3  }
0x168: {  	[tilespmem:s17], [sflag:$0x4] =	stream.indirect_vreg.gather [hbm4b:s6+s22], $0x80, v4, vm0, $0xb8;
	[tilespmem:$0x18100] =	vst v63  }
0x169: {  	_ = 	snop  }
0x16a: {  	[tilespmem:s4], [sflag:$0x4] =	stream.indirect_vreg.gather [hbm4b:s8+s22], $0x80, v4, vm0, $0xb8;
	[tilespmem:$0x18100] =	vst v63  }
0x16b: {  	_ = 	snop  }
0x16c: {  	[tilespmem:s5], [sflag:$0x4] =	stream.indirect_vreg.gather [hbm4b:s2+s22], $0x80, v3, vm0, $0xb8;
	[tilespmem:$0x18100] =	vst v63  }
0x16d: {  	_ = 	snop  }
0x16e: {  	[tilespmem:s9], [sflag:$0x4] =	stream.indirect_vreg.gather [hbm4b:s6+s22], $0x80, v3, vm0, $0xb8;
	[tilespmem:$0x18100] =	vst v63  }
0x16f: {  	_ = 	snop  }
0x170: {  	[tilespmem:s10], [sflag:$0x4] =	stream.indirect_vreg.gather [hbm4b:s8+s22], $0x80, v3, vm0, $0xb8;
	[tilespmem:$0x18100] =	vst v63  }
0x171: {  	v3 =	vld [tilespmem:$0x70];
	_ =	sdelay $0x4  }
0x172: {  	v63 =	vshrl.u32 v3, $0x3  }
0x173: {  	v4 =	vmul.u32 $0x30, v63  }
0x174: {  	v3 =	vand.u32 $0x7, v3  }
0x175: {  	v3 =	vor.u32 v3, v4  }
0x176: {  	v4 =	vperm.xlane v3, v0;
	_ =	sdelay $0x1  }
0x177: {  	v4 =	vadd.s32 v1, v4;
	_ =	sdelay $0x3  }
0x178: {  	v3 =	vperm.xlane v3, v2  }
0x179: {  	[tilespmem:s11], [sflag:$0x4] =	stream.indirect_vreg.gather [hbm4b:s2+s22], $0x80, v4, vm0, $0xb8;
	[tilespmem:$0x18100] =	vst v63  }
0x17a: {  	v3 =	vadd.s32 v1, v3  }
0x17b: {  	[tilespmem:s12], [sflag:$0x4] =	stream.indirect_vreg.gather [hbm4b:s6+s22], $0x80, v4, vm0, $0xb8;
	[tilespmem:$0x18100] =	vst v63  }
0x17c: {  	_ = 	snop  }
0x17d: {  	[tilespmem:s13], [sflag:$0x4] =	stream.indirect_vreg.gather [hbm4b:s8+s22], $0x80, v4, vm0, $0xb8;
	[tilespmem:$0x18100] =	vst v63  }
0x17e: {  	_ = 	snop  }
0x17f: {  	[tilespmem:s14], [sflag:$0x4] =	stream.indirect_vreg.gather [hbm4b:s2+s22], $0x80, v3, vm0, $0xb8;
	[tilespmem:$0x18100] =	vst v63  }
0x180: {  	_ = 	snop  }
0x181: {  	[tilespmem:s15], [sflag:$0x4] =	stream.indirect_vreg.gather [hbm4b:s6+s22], $0x80, v3, vm0, $0xb8;
	[tilespmem:$0x18100] =	vst v63  }
0x182: {  	_ = 	snop  }
0x183: {  	[tilespmem:s16], [sflag:$0x4] =	stream.indirect_vreg.gather [hbm4b:s8+s22], $0x80, v3, vm0, $0xb8;
	[tilespmem:$0x18100] =	vst v63  }
0x184: {  	_ =	swait.ge [sflag:s7], $0x6000  }
0x185: {  	[sflag:s7] =	ssyncset.done $0x0  }
0x186: {  	p0 =	por $0x0, $0x0;
	s23 =	simm.s32 $0x3170;
	[sflag:s7] =	ssyncadd.s32 $0xFFFFA000  }
.LBB2_10:
0x187: {  	s24 =	sshrl.u32 s22, $0x1;
	s25 =	simm.s32 $0x1  }
0x188: {  	s24 =	smul.u32 $0x6000, s24;
	s25 =	simm.s32 @!p0 $0x0  }
0x189: {  	v4 =	vld [tilespmem:s23+$0x0];
	s25 =	sshll.u32 s25, $0xB  }
0x18a: {  	v9 =	vld [tilespmem:s23+$0xFFFFFFA0];
	s24 =	sor.u32 s25, s24  }
0x18b: {  	v14 =	vld [tilespmem:s23+$0xFFFFFFB0];
	s24 =	sshra.s32 s24, $0x2  }
0x18c: {  	v19 =	vld [tilespmem:s23+$0xFFFFFFC0];
	s24 =	sadd.s32 $0xC200, s24  }
0x18d: {  	v8 =	vld [tilespmem:s24+$0xF0]  }
0x18e: {  	v5 =	vld [tilespmem:s24+$0xFFFFFF00]  }
0x18f: {  	v6 =	vld [tilespmem:s24+$0xFFFFFF80]  }
0x190: {  	v7 =	vld [tilespmem:s24+$0x0]  }
0x191: {  	v3 =	vld [tilespmem:s24+$0x80]  }
0x192: {  	v10 =	vld [tilespmem:s24+$0xFFFFFF10]  }
0x193: {  	v11 =	vld [tilespmem:s24+$0xFFFFFF90]  }
0x194: {  	v12 =	vld [tilespmem:s24+$0x10]  }
0x195: {  	v13 =	vld [tilespmem:s24+$0x90]  }
0x196: {  	v15 =	vld [tilespmem:s24+$0xFFFFFF20]  }
0x197: {  	v16 =	vld [tilespmem:s24+$0xFFFFFFA0]  }
0x198: {  	v17 =	vld [tilespmem:s24+$0x20]  }
0x199: {  	v18 =	vld [tilespmem:s24+$0xA0];
	v8 =	vadd.f32 v8, v4  }
0x19a: {  	v20 =	vld [tilespmem:s24+$0xFFFFFF30];
	v10 =	vadd.f32 v10, v9  }
0x19b: {  	v63 =	vld [tilespmem:s24+$0xD0];
	[tilespmem:s24+$0xF0] =	vst v8;
	v8 =	vadd.f32 v11, v9  }
0x19c: {  	v11 =	vld [tilespmem:s24+$0xFFFFFFB0];
	[tilespmem:s24+$0xFFFFFF10] =	vst v10;
	v10 =	vadd.f32 v12, v9  }
0x19d: {  	v12 =	vld [tilespmem:s24+$0x30];
	[tilespmem:s24+$0xFFFFFF90] =	vst v8;
	v8 =	vadd.f32 v13, v9  }
0x19e: {  	v9 =	vld [tilespmem:s24+$0xB0];
	[tilespmem:s24+$0x10] =	vst v10;
	v10 =	vadd.f32 v15, v14  }
0x19f: {  	v13 =	vld [tilespmem:s23+$0xFFFFFFD0];
	[tilespmem:s24+$0x90] =	vst v8;
	v8 =	vadd.f32 v16, v14  }
0x1a0: {  	v15 =	vld [tilespmem:s24+$0xFFFFFF40];
	[tilespmem:s24+$0xFFFFFF20] =	vst v10;
	v10 =	vadd.f32 v17, v14  }
0x1a1: {  	v16 =	vld [tilespmem:s24+$0xFFFFFFC0];
	[tilespmem:s24+$0xFFFFFFA0] =	vst v8;
	v8 =	vadd.f32 v18, v14  }
0x1a2: {  	v17 =	vld [tilespmem:s24+$0xC0];
	[tilespmem:s24+$0x20] =	vst v10;
	v10 =	vadd.f32 v20, v19  }
0x1a3: {  	v14 =	vld [tilespmem:s24+$0x40];
	[tilespmem:s24+$0xA0] =	vst v8;
	v8 =	vadd.f32 v11, v19  }
0x1a4: {  	v11 =	vld [tilespmem:s23+$0xFFFFFFE0];
	[tilespmem:s24+$0xFFFFFF30] =	vst v10;
	v10 =	vadd.f32 v12, v19  }
0x1a5: {  	v12 =	vld [tilespmem:s24+$0xFFFFFF50];
	[tilespmem:s24+$0xFFFFFFB0] =	vst v8;
	v8 =	vadd.f32 v9, v19  }
0x1a6: {  	v9 =	vld [tilespmem:s24+$0xFFFFFFD0];
	[tilespmem:s24+$0x30] =	vst v10;
	v10 =	vadd.f32 v15, v13  }
0x1a7: {  	v16 =	vadd.f32 v16, v13;
	v15 =	vld [tilespmem:s24+$0x50];
	[tilespmem:s24+$0xB0] =	vst v8  }
0x1a8: {  	[tilespmem:s24+$0xFFFFFF40] =	vst v10;
	v10 =	vadd.f32 v14, v13;
	v8 =	vld [tilespmem:s23+$0xFFFFFFF0]  }
0x1a9: {  	[tilespmem:s24+$0xFFFFFFC0] =	vst v16;
	v13 =	vadd.f32 v17, v13;
	v14 =	vld [tilespmem:s24+$0xFFFFFF60]  }
0x1aa: {  	v16 =	vld [tilespmem:s24+$0xFFFFFFE0];
	[tilespmem:s24+$0x40] =	vst v10;
	v10 =	vadd.f32 v12, v11  }
0x1ab: {  	v17 =	vld [tilespmem:s24+$0x60];
	[tilespmem:s24+$0xC0] =	vst v13;
	v9 =	vadd.f32 v9, v11  }
0x1ac: {  	v13 =	vld [tilespmem:s24+$0xE0];
	[tilespmem:s24+$0xFFFFFF50] =	vst v10;
	v10 =	vadd.f32 v15, v11  }
0x1ad: {  	[tilespmem:s24+$0xFFFFFFD0] =	vst v9;
	v9 =	vadd.f32 v63, v11;
	v11 =	vld [tilespmem:s24+$0xFFFFFF70]  }
0x1ae: {  	v12 =	vld [tilespmem:s24+$0xFFFFFFF0];
	v15 =	vadd.f32 v14, v8;
	[tilespmem:s24+$0x50] =	vst v10  }
0x1af: {  	v14 =	vadd.f32 v16, v8;
	v10 =	vld [tilespmem:s24+$0x70];
	[tilespmem:s24+$0xD0] =	vst v9  }
0x1b0: {  	s26 =	sadd.s32 $0x400, s23;
	s25 =	simm.s32 $0x0;
	s28 =	smov.u32 s24;
	v9 =	vld [tilespmem:s23+$0xFFFFFF90];
	[tilespmem:s24+$0xFFFFFF60] =	vst v15;
	v15 =	vadd.f32 v17, v8  }
.LBB2_11:
0x1b1: {  	v16 =	vld [tilespmem:s26+$0x0];
	[tilespmem:s24+$0xFFFFFFE0] =	vst v14;
	v8 =	vadd.f32 v13, v8;
	s28 =	sadd.s32 $0x400, s28  }
0x1b2: {  	s25 =	sadd.s32 $0x80, s25;
	v13 =	vld [tilespmem:s28+$0xF0];
	[tilespmem:s24+$0x60] =	vst v15;
	v11 =	vadd.f32 v11, v4  }
0x1b3: {  	p1 =	slt.u32 s25, $0x280;
	v14 =	vld [tilespmem:s28+$0xFFFFFF00];
	[tilespmem:s24+$0xE0] =	vst v8;
	v8 =	vadd.f32 v12, v4  }
0x1b4: {  	v12 =	vld [tilespmem:s28+$0xFFFFFF80];
	[tilespmem:s24+$0xFFFFFF70] =	vst v11;
	v11 =	vadd.f32 v10, v4  }
0x1b5: {  	v10 =	vld [tilespmem:s28+$0x0];
	v15 =	vadd.f32 v5, v9;
	v6 =	vadd.f32 v6, v9;
	[tilespmem:s24+$0xFFFFFFF0] =	vst v8  }
0x1b6: {  	v7 =	vadd.f32 v7, v9;
	v8 =	vadd.f32 v3, v9;
	v3 =	vld [tilespmem:s28+$0x80];
	[tilespmem:s24+$0x70] =	vst v11;
	v4 =	vmov v16  }
0x1b7: {  	v9 =	vld [tilespmem:s26+$0xFFFFFFA0];
	v11 =	vadd.f32 v13, v4;
	[tilespmem:s24+$0xFFFFFF00] =	vst v15  }
0x1b8: {  	v13 =	vld [tilespmem:s28+$0xFFFFFF10];
	[tilespmem:s24+$0xFFFFFF80] =	vst v6;
	v5 =	vmov v14  }
0x1b9: {  	v14 =	vld [tilespmem:s28+$0xFFFFFF90];
	[tilespmem:s28+$0xF0] =	vst v11;
	v6 =	vmov v12  }
0x1ba: {  	v11 =	vld [tilespmem:s28+$0x10];
	[tilespmem:s24+$0x0] =	vst v7;
	v7 =	vmov v10  }
0x1bb: {  	v10 =	vld [tilespmem:s28+$0x90];
	[tilespmem:s24+$0x80] =	vst v8;
	s24 =	smov.u32 s28  }
0x1bc: {  	v8 =	vld [tilespmem:s26+$0xFFFFFFB0]  }
0x1bd: {  	v12 =	vadd.f32 v13, v9;
	v13 =	vld [tilespmem:s28+$0xFFFFFF20]  }
0x1be: {  	v14 =	vadd.f32 v14, v9;
	v15 =	vld [tilespmem:s28+$0xFFFFFFA0]  }
0x1bf: {  	[tilespmem:s28+$0xFFFFFF10] =	vst v12;
	v11 =	vadd.f32 v11, v9;
	v12 =	vld [tilespmem:s28+$0x20]  }
0x1c0: {  	[tilespmem:s28+$0xFFFFFF90] =	vst v14;
	v9 =	vadd.f32 v10, v9;
	v10 =	vld [tilespmem:s28+$0xA0]  }
0x1c1: {  	[tilespmem:s28+$0x10] =	vst v11;
	v11 =	vld [tilespmem:s26+$0xFFFFFFC0]  }
0x1c2: {  	[tilespmem:s28+$0x90] =	vst v9;
	v9 =	vadd.f32 v13, v8;
	v13 =	vld [tilespmem:s28+$0xFFFFFF30]  }
0x1c3: {  	v14 =	vadd.f32 v15, v8;
	v15 =	vld [tilespmem:s28+$0xFFFFFFB0]  }
0x1c4: {  	[tilespmem:s28+$0xFFFFFF20] =	vst v9;
	v9 =	vadd.f32 v12, v8;
	v12 =	vld [tilespmem:s28+$0x30]  }
0x1c5: {  	[tilespmem:s28+$0xFFFFFFA0] =	vst v14;
	v8 =	vadd.f32 v10, v8;
	v10 =	vld [tilespmem:s28+$0xB0]  }
0x1c6: {  	[tilespmem:s28+$0x20] =	vst v9;
	v9 =	vld [tilespmem:s26+$0xFFFFFFD0]  }
0x1c7: {  	[tilespmem:s28+$0xA0] =	vst v8;
	v8 =	vadd.f32 v13, v11;
	v13 =	vld [tilespmem:s28+$0xFFFFFF40]  }
0x1c8: {  	v14 =	vadd.f32 v15, v11;
	v15 =	vld [tilespmem:s28+$0xFFFFFFC0]  }
0x1c9: {  	[tilespmem:s28+$0xFFFFFF30] =	vst v8;
	v8 =	vadd.f32 v12, v11;
	v12 =	vld [tilespmem:s28+$0x40]  }
0x1ca: {  	[tilespmem:s28+$0xFFFFFFB0] =	vst v14;
	v10 =	vadd.f32 v10, v11;
	v11 =	vld [tilespmem:s28+$0xC0]  }
0x1cb: {  	[tilespmem:s28+$0x30] =	vst v8;
	v14 =	vld [tilespmem:s26+$0xFFFFFFE0]  }
0x1cc: {  	[tilespmem:s28+$0xB0] =	vst v10;
	v8 =	vadd.f32 v13, v9;
	v10 =	vld [tilespmem:s28+$0xFFFFFF50]  }
0x1cd: {  	v13 =	vadd.f32 v15, v9;
	v15 =	vld [tilespmem:s28+$0xFFFFFFD0]  }
0x1ce: {  	[tilespmem:s28+$0xFFFFFF40] =	vst v8;
	v8 =	vadd.f32 v12, v9;
	v12 =	vld [tilespmem:s28+$0x50]  }
0x1cf: {  	[tilespmem:s28+$0xFFFFFFC0] =	vst v13;
	v9 =	vadd.f32 v11, v9;
	v11 =	vld [tilespmem:s28+$0xD0]  }
0x1d0: {  	[tilespmem:s28+$0x40] =	vst v8;
	v8 =	vld [tilespmem:s26+$0xFFFFFFF0]  }
0x1d1: {  	[tilespmem:s28+$0xC0] =	vst v9;
	v9 =	vadd.f32 v10, v14;
	v10 =	vld [tilespmem:s28+$0xFFFFFF60]  }
0x1d2: {  	v13 =	vadd.f32 v15, v14;
	v15 =	vld [tilespmem:s28+$0xFFFFFFE0]  }
0x1d3: {  	[tilespmem:s28+$0xFFFFFF50] =	vst v9;
	v9 =	vadd.f32 v12, v14;
	v16 =	vld [tilespmem:s28+$0x60]  }
.Ltmp4:
0x1d4: {  	[tilespmem:s28+$0xFFFFFFD0] =	vst v13;
	v12 =	vadd.f32 v11, v14;
	v13 =	vld [tilespmem:s28+$0xE0];
	(pc) =	sbr.rel @p1 .LBB2_11-.Ltmp4, $4  }
0x1d5: {  	[tilespmem:s28+$0x50] =	vst v9;
	v11 =	vld [tilespmem:s28+$0xFFFFFF70]  }
0x1d6: {  	[tilespmem:s28+$0xD0] =	vst v12;
	v17 =	vadd.f32 v10, v8;
	v12 =	vld [tilespmem:s28+$0xFFFFFFF0]  }
0x1d7: {  	v14 =	vadd.f32 v15, v8;
	v10 =	vld [tilespmem:s28+$0x70]  }
0x1d8: {  	v9 =	vld [tilespmem:s26+$0xFFFFFF90];
	[tilespmem:s28+$0xFFFFFF60] =	vst v17;
	v15 =	vadd.f32 v16, v8;
	s26 =	sadd.s32 $0x400, s26  }
0x1d9: {  	[tilespmem:s24+$0xFFFFFFE0] =	vst v14;
	v8 =	vadd.f32 v13, v8  }
0x1da: {  	[tilespmem:s24+$0x60] =	vst v15;
	v11 =	vadd.f32 v11, v4  }
0x1db: {  	[tilespmem:s24+$0xE0] =	vst v8;
	v61 =	vadd.f32 v12, v4  }
0x1dc: {  	s22 =	sadd.s32 $0x1, s22;
	[tilespmem:s24+$0xFFFFFF70] =	vst v11;
	v62 =	vadd.f32 v10, v4  }
0x1dd: {  	p1 =	sne.s32 s22, $0x8;
	v5 =	vadd.f32 v5, v9;
	[tilespmem:s24+$0xFFFFFFF0] =	vst v61  }
.Ltmp5:
0x1de: {  	v6 =	vadd.f32 v6, v9;
	[tilespmem:s24+$0x70] =	vst v62;
	(pc) =	sbr.rel @p1 .LBB2_10-.Ltmp5, $4  }
0x1df: {  	v63 =	vadd.f32 v7, v9;
	[tilespmem:s24+$0xFFFFFF00] =	vst v5  }
0x1e0: {  	v3 =	vadd.f32 v3, v9;
	[tilespmem:s24+$0xFFFFFF80] =	vst v6  }
0x1e1: {  	[tilespmem:s24+$0x0] =	vst v63  }
0x1e2: {  	s23 =	sadd.s32 $0x80, s23;
	p0 =	por !p0, !p0;
	[tilespmem:s24+$0x80] =	vst v3  }
0x1e3: {  	s22 =	simm.s32 $0x0;
	s23 =	rddreg [dreg:$0x8]  }
0x1e4: {  	[hbm4b:s23+s22] =	stream.linear.scatter [tilespmem:s19], [sflag:$0x5], $0x6000, $0x38;
	[tilespmem:$0x18100] =	vst v63  }
0x1e5: {  	_ =	swait.ge [sflag:s18], $0x6000  }
0x1e6: {  	[sflag:s18] =	ssyncset.done $0x0  }
0x1e7: {  	[sflag:s18] =	ssyncadd.s32 $0xFFFFA000  }
0x1e8: {  	v3 =	vld [tilespmem:$0x80];
	_ =	sdelay $0x4  }
0x1e9: {  	v4 =	vshrl.u32 v3, $0x3  }
0x1ea: {  	v4 =	vmul.u32 $0x30, v4  }
0x1eb: {  	v3 =	vand.u32 $0x7, v3  }
0x1ec: {  	v3 =	vor.u32 v3, v4  }
0x1ed: {  	v4 =	vperm.xlane v3, v0;
	_ =	sdelay $0x1  }
0x1ee: {  	v4 =	vadd.s32 v1, v4;
	_ =	sdelay $0x3  }
0x1ef: {  	v3 =	vperm.xlane v3, v2  }
0x1f0: {  	[tilespmem:s19], [sflag:$0x3] =	stream.indirect_vreg.gather [hbm4b:s2+s22], $0x80, v4, vm0, $0xb8;
	[tilespmem:$0x18100] =	vst v63  }
0x1f1: {  	s24 =	simm.s32 $0xC900;
	v3 =	vadd.s32 v1, v3  }
0x1f2: {  	[tilespmem:s24], [sflag:$0x3] =	stream.indirect_vreg.gather [hbm4b:s6+s22], $0x80, v4, vm0, $0xb8;
	[tilespmem:$0x18100] =	vst v63  }
0x1f3: {  	s25 =	simm.s32 $0xD100  }
0x1f4: {  	[tilespmem:s25], [sflag:$0x3] =	stream.indirect_vreg.gather [hbm4b:s8+s22], $0x80, v4, vm0, $0xb8;
	[tilespmem:$0x18100] =	vst v63  }
0x1f5: {  	s26 =	simm.s32 $0xD900  }
0x1f6: {  	[tilespmem:s26], [sflag:$0x3] =	stream.indirect_vreg.gather [hbm4b:s2+s22], $0x80, v3, vm0, $0xb8;
	[tilespmem:$0x18100] =	vst v63  }
0x1f7: {  	s28 =	simm.s32 $0xE100  }
0x1f8: {  	[tilespmem:s28], [sflag:$0x3] =	stream.indirect_vreg.gather [hbm4b:s6+s22], $0x80, v3, vm0, $0xb8;
	[tilespmem:$0x18100] =	vst v63  }
0x1f9: {  	s24 =	simm.s32 $0xE900  }
0x1fa: {  	[tilespmem:s24], [sflag:$0x3] =	stream.indirect_vreg.gather [hbm4b:s8+s22], $0x80, v3, vm0, $0xb8;
	[tilespmem:$0x18100] =	vst v63  }
0x1fb: {  	v3 =	vld [tilespmem:$0x90];
	_ =	sdelay $0x4  }
0x1fc: {  	v63 =	vshrl.u32 v3, $0x3  }
0x1fd: {  	v4 =	vmul.u32 $0x30, v63  }
0x1fe: {  	v3 =	vand.u32 $0x7, v3  }
0x1ff: {  	v3 =	vor.u32 v3, v4  }
0x200: {  	v4 =	vperm.xlane v3, v0;
	_ =	sdelay $0x1  }
0x201: {  	v4 =	vadd.s32 v1, v4;
	_ =	sdelay $0x3  }
0x202: {  	s25 =	simm.s32 $0xF100;
	v3 =	vperm.xlane v3, v2  }
0x203: {  	[tilespmem:s25], [sflag:$0x3] =	stream.indirect_vreg.gather [hbm4b:s2+s22], $0x80, v4, vm0, $0xb8;
	[tilespmem:$0x18100] =	vst v63  }
0x204: {  	s26 =	simm.s32 $0xF900;
	v3 =	vadd.s32 v1, v3  }
0x205: {  	[tilespmem:s26], [sflag:$0x3] =	stream.indirect_vreg.gather [hbm4b:s6+s22], $0x80, v4, vm0, $0xb8;
	[tilespmem:$0x18100] =	vst v63  }
0x206: {  	s28 =	simm.s32 $0x10100  }
0x207: {  	[tilespmem:s28], [sflag:$0x3] =	stream.indirect_vreg.gather [hbm4b:s8+s22], $0x80, v4, vm0, $0xb8;
	[tilespmem:$0x18100] =	vst v63  }
0x208: {  	_ = 	snop  }
0x209: {  	[tilespmem:s29], [sflag:$0x3] =	stream.indirect_vreg.gather [hbm4b:s2+s22], $0x80, v3, vm0, $0xb8;
	[tilespmem:$0x18100] =	vst v63  }
0x20a: {  	_ = 	snop  }
0x20b: {  	[tilespmem:s30], [sflag:$0x3] =	stream.indirect_vreg.gather [hbm4b:s6+s22], $0x80, v3, vm0, $0xb8;
	[tilespmem:$0x18100] =	vst v63  }
0x20c: {  	_ = 	snop  }
0x20d: {  	[tilespmem:s31], [sflag:$0x3] =	stream.indirect_vreg.gather [hbm4b:s8+s22], $0x80, v3, vm0, $0xb8;
	[tilespmem:$0x18100] =	vst v63  }
0x20e: {  	_ =	swait.ge [sflag:s0], $0x6000  }
0x20f: {  	[sflag:s0] =	ssyncset.done $0x0  }
0x210: {  	p0 =	por $0x0, $0x0;
	s23 =	simm.s32 $0x100;
	[sflag:s0] =	ssyncadd.s32 $0xFFFFA000  }
.LBB2_14:
0x211: {  	s24 =	sshrl.u32 s22, $0x1;
	s25 =	simm.s32 $0x1  }
0x212: {  	s24 =	smul.u32 $0x6000, s24;
	s25 =	simm.s32 @!p0 $0x0  }
0x213: {  	v5 =	vmov s23;
	s25 =	sshll.u32 s25, $0xB  }
0x214: {  	s24 =	sor.u32 s25, s24  }
0x215: {  	s24 =	sshra.s32 s24, $0x2  }
0x216: {  	s24 =	sadd.s32 $0x12200, s24  }
0x217: {  	v3 =	vmov s24;
	s24 =	simm.s32 $0x0  }
0x218: {  	v4 =	vld.idx.msk [tilespmem:v5+s24+$0x4870 ss:$0x1], $0xffff  }
0x219: {  	v7 =	vld.idx.msk [tilespmem:v5+s24+$0x4800 ss:$0x1], $0xffff  }
0x21a: {  	v12 =	vld.idx.msk [tilespmem:v5+s24+$0x4810 ss:$0x1], $0xffff  }
0x21b: {  	v17 =	vld.idx.msk [tilespmem:v5+s24+$0x4820 ss:$0x1], $0xffff  }
0x21c: {  	v6 =	vld.idx.msk [tilespmem:v3+s24+$0xF0 ss:$0x1], $0xffff  }
0x21d: {  	v8 =	vld.idx.msk [tilespmem:v3+s24+$0xFFFFFF00 ss:$0x1], $0xffff  }
0x21e: {  	v9 =	vld.idx.msk [tilespmem:v3+s24+$0xFFFFFF80 ss:$0x1], $0xffff  }
0x21f: {  	v10 =	vld.idx.msk [tilespmem:v3+s24+$0x0 ss:$0x1], $0xffff  }
0x220: {  	v11 =	vld.idx.msk [tilespmem:v3+s24+$0x80 ss:$0x1], $0xffff  }
0x221: {  	v13 =	vld.idx.msk [tilespmem:v3+s24+$0xFFFFFF10 ss:$0x1], $0xffff  }
0x222: {  	v14 =	vld.idx.msk [tilespmem:v3+s24+$0xFFFFFF90 ss:$0x1], $0xffff  }
0x223: {  	v15 =	vld.idx.msk [tilespmem:v3+s24+$0x10 ss:$0x1], $0xffff  }
0x224: {  	v16 =	vld.idx.msk [tilespmem:v3+s24+$0x90 ss:$0x1], $0xffff  }
0x225: {  	v18 =	vld.idx.msk [tilespmem:v3+s24+$0xFFFFFF20 ss:$0x1], $0xffff;
	v6 =	vadd.f32 v6, v4  }
0x226: {  	v19 =	vld.idx.msk [tilespmem:v3+s24+$0xFFFFFFA0 ss:$0x1], $0xffff;
	v8 =	vadd.f32 v8, v7  }
0x227: {  	v62 =	vld.idx.msk [tilespmem:v3+s24+$0xFFFFFF40 ss:$0x1], $0xffff;
	[tilespmem:v3+s24+$0xF0 ss:$0x1] =	vst.idx.msk $0xffff, v6;
	v6 =	vadd.f32 v9, v7  }
0x228: {  	v63 =	vld.idx.msk [tilespmem:v3+s24+$0xD0 ss:$0x1], $0xffff;
	[tilespmem:v3+s24+$0xFFFFFF00 ss:$0x1] =	vst.idx.msk $0xffff, v8;
	v8 =	vadd.f32 v10, v7  }
0x229: {  	v9 =	vld.idx.msk [tilespmem:v3+s24+$0x20 ss:$0x1], $0xffff;
	[tilespmem:v3+s24+$0xFFFFFF80 ss:$0x1] =	vst.idx.msk $0xffff, v6;
	v6 =	vadd.f32 v11, v7  }
0x22a: {  	v10 =	vld.idx.msk [tilespmem:v3+s24+$0xA0 ss:$0x1], $0xffff;
	[tilespmem:v3+s24+$0x0 ss:$0x1] =	vst.idx.msk $0xffff, v8;
	v8 =	vadd.f32 v13, v12  }
0x22b: {  	v7 =	vld.idx.msk [tilespmem:v5+s24+$0x4830 ss:$0x1], $0xffff;
	[tilespmem:v3+s24+$0x80 ss:$0x1] =	vst.idx.msk $0xffff, v6;
	v6 =	vadd.f32 v14, v12  }
0x22c: {  	v11 =	vld.idx.msk [tilespmem:v3+s24+$0xFFFFFF30 ss:$0x1], $0xffff;
	[tilespmem:v3+s24+$0xFFFFFF10 ss:$0x1] =	vst.idx.msk $0xffff, v8;
	v8 =	vadd.f32 v15, v12  }
0x22d: {  	v13 =	vld.idx.msk [tilespmem:v3+s24+$0xFFFFFFB0 ss:$0x1], $0xffff;
	[tilespmem:v3+s24+$0xFFFFFF90 ss:$0x1] =	vst.idx.msk $0xffff, v6;
	v6 =	vadd.f32 v16, v12  }
0x22e: {  	v14 =	vld.idx.msk [tilespmem:v3+s24+$0x30 ss:$0x1], $0xffff;
	[tilespmem:v3+s24+$0x10 ss:$0x1] =	vst.idx.msk $0xffff, v8;
	v8 =	vadd.f32 v18, v17  }
0x22f: {  	v15 =	vld.idx.msk [tilespmem:v5+s24+$0x4840 ss:$0x1], $0xffff;
	[tilespmem:v3+s24+$0x90 ss:$0x1] =	vst.idx.msk $0xffff, v6;
	v6 =	vadd.f32 v19, v17  }
0x230: {  	v12 =	vld.idx.msk [tilespmem:v3+s24+$0xB0 ss:$0x1], $0xffff;
	[tilespmem:v3+s24+$0xFFFFFF20 ss:$0x1] =	vst.idx.msk $0xffff, v8;
	v8 =	vadd.f32 v9, v17  }
0x231: {  	v9 =	vld.idx.msk [tilespmem:v3+s24+$0xFFFFFFC0 ss:$0x1], $0xffff;
	[tilespmem:v3+s24+$0xFFFFFFA0 ss:$0x1] =	vst.idx.msk $0xffff, v6;
	v6 =	vadd.f32 v10, v17  }
0x232: {  	v10 =	vld.idx.msk [tilespmem:v3+s24+$0x40 ss:$0x1], $0xffff;
	[tilespmem:v3+s24+$0x20 ss:$0x1] =	vst.idx.msk $0xffff, v8;
	v8 =	vadd.f32 v11, v7  }
0x233: {  	v11 =	vld.idx.msk [tilespmem:v3+s24+$0xC0 ss:$0x1], $0xffff;
	[tilespmem:v3+s24+$0xA0 ss:$0x1] =	vst.idx.msk $0xffff, v6;
	v6 =	vadd.f32 v13, v7  }
0x234: {  	v13 =	vld.idx.msk [tilespmem:v5+s24+$0x4850 ss:$0x1], $0xffff;
	[tilespmem:v3+s24+$0xFFFFFF30 ss:$0x1] =	vst.idx.msk $0xffff, v8;
	v8 =	vadd.f32 v14, v7  }
0x235: {  	v14 =	vld.idx.msk [tilespmem:v3+s24+$0xFFFFFF50 ss:$0x1], $0xffff;
	[tilespmem:v3+s24+$0xFFFFFFB0 ss:$0x1] =	vst.idx.msk $0xffff, v6;
	v6 =	vadd.f32 v12, v7  }
0x236: {  	v7 =	vld.idx.msk [tilespmem:v3+s24+$0xFFFFFFD0 ss:$0x1], $0xffff;
	[tilespmem:v3+s24+$0x30 ss:$0x1] =	vst.idx.msk $0xffff, v8;
	v8 =	vadd.f32 v62, v15  }
0x237: {  	v12 =	vld.idx.msk [tilespmem:v3+s24+$0x50 ss:$0x1], $0xffff;
	v9 =	vadd.f32 v9, v15;
	[tilespmem:v3+s24+$0xB0 ss:$0x1] =	vst.idx.msk $0xffff, v6  }
0x238: {  	v6 =	vld.idx.msk [tilespmem:v5+s24+$0x4860 ss:$0x1], $0xffff;
	[tilespmem:v3+s24+$0xFFFFFF40 ss:$0x1] =	vst.idx.msk $0xffff, v8;
	v8 =	vadd.f32 v10, v15  }
0x239: {  	[tilespmem:v3+s24+$0xFFFFFFC0 ss:$0x1] =	vst.idx.msk $0xffff, v9;
	v9 =	vadd.f32 v11, v15;
	v11 =	vld.idx.msk [tilespmem:v3+s24+$0xFFFFFF60 ss:$0x1], $0xffff  }
0x23a: {  	v10 =	vadd.f32 v14, v13;
	[tilespmem:v3+s24+$0x40 ss:$0x1] =	vst.idx.msk $0xffff, v8;
	v8 =	vld.idx.msk [tilespmem:v3+s24+$0xFFFFFFE0 ss:$0x1], $0xffff  }
0x23b: {  	v14 =	vadd.f32 v7, v13;
	v7 =	vld.idx.msk [tilespmem:v3+s24+$0x60 ss:$0x1], $0xffff;
	[tilespmem:v3+s24+$0xC0 ss:$0x1] =	vst.idx.msk $0xffff, v9  }
0x23c: {  	v12 =	vadd.f32 v12, v13;
	[tilespmem:v3+s24+$0xFFFFFF50 ss:$0x1] =	vst.idx.msk $0xffff, v10;
	v9 =	vld.idx.msk [tilespmem:v3+s24+$0xE0 ss:$0x1], $0xffff  }
0x23d: {  	v13 =	vadd.f32 v63, v13;
	v10 =	vld.idx.msk [tilespmem:v3+s24+$0xFFFFFF70 ss:$0x1], $0xffff;
	[tilespmem:v3+s24+$0xFFFFFFD0 ss:$0x1] =	vst.idx.msk $0xffff, v14  }
0x23e: {  	s26 =	simm.s32 $0x1000;
	s25 =	simm.s32 $0x0;
	[tilespmem:v3+s24+$0x50 ss:$0x1] =	vst.idx.msk $0xffff, v12;
	v12 =	vld.idx.msk [tilespmem:v3+s24+$0xFFFFFFF0 ss:$0x1], $0xffff  }
.LBB2_15:
0x23f: {  	s28 =	sshra.s32 s26, $0x2;
	[tilespmem:v3+s24+$0xD0 ss:$0x1] =	vst.idx.msk $0xffff, v13;
	v11 =	vadd.f32 v11, v6;
	v13 =	vld.idx.msk [tilespmem:v3+s24+$0x70 ss:$0x1], $0xffff  }
0x240: {  	s25 =	sadd.s32 $0x80, s25;
	v8 =	vadd.f32 v8, v6;
	v14 =	vld.idx.msk [tilespmem:v5+s28+$0x4870 ss:$0x1], $0xffff  }
0x241: {  	p1 =	slt.u32 s25, $0x280;
	v7 =	vadd.f32 v7, v6;
	v15 =	vld.idx.msk [tilespmem:v3+s28+$0xF0 ss:$0x1], $0xffff;
	[tilespmem:v3+s24+$0xFFFFFF60 ss:$0x1] =	vst.idx.msk $0xffff, v11  }
0x242: {  	v6 =	vadd.f32 v9, v6;
	v11 =	vld.idx.msk [tilespmem:v5+s28+$0x4800 ss:$0x1], $0xffff;
	[tilespmem:v3+s24+$0xFFFFFFE0 ss:$0x1] =	vst.idx.msk $0xffff, v8  }
0x243: {  	v8 =	vld.idx.msk [tilespmem:v3+s28+$0xFFFFFF00 ss:$0x1], $0xffff;
	[tilespmem:v3+s24+$0x60 ss:$0x1] =	vst.idx.msk $0xffff, v7;
	v7 =	vadd.f32 v10, v4  }
0x244: {  	v9 =	vld.idx.msk [tilespmem:v3+s28+$0xFFFFFF80 ss:$0x1], $0xffff;
	[tilespmem:v3+s24+$0xE0 ss:$0x1] =	vst.idx.msk $0xffff, v6;
	v6 =	vadd.f32 v12, v4  }
0x245: {  	v10 =	vld.idx.msk [tilespmem:v3+s28+$0x0 ss:$0x1], $0xffff;
	[tilespmem:v3+s24+$0xFFFFFF70 ss:$0x1] =	vst.idx.msk $0xffff, v7;
	v7 =	vadd.f32 v13, v4  }
0x246: {  	v4 =	vmov v14;
	v12 =	vld.idx.msk [tilespmem:v3+s28+$0x80 ss:$0x1], $0xffff;
	[tilespmem:v3+s24+$0xFFFFFFF0 ss:$0x1] =	vst.idx.msk $0xffff, v6  }
0x247: {  	v13 =	vadd.f32 v15, v4;
	v6 =	vld.idx.msk [tilespmem:v5+s28+$0x4810 ss:$0x1], $0xffff;
	[tilespmem:v3+s24+$0x70 ss:$0x1] =	vst.idx.msk $0xffff, v7;
	s24 =	smov.u32 s28  }
0x248: {  	v7 =	vld.idx.msk [tilespmem:v3+s24+$0xFFFFFF10 ss:$0x1], $0xffff  }
0x249: {  	v8 =	vadd.f32 v8, v11;
	v14 =	vld.idx.msk [tilespmem:v3+s24+$0xFFFFFF90 ss:$0x1], $0xffff;
	[tilespmem:v3+s24+$0xF0 ss:$0x1] =	vst.idx.msk $0xffff, v13  }
0x24a: {  	v9 =	vadd.f32 v9, v11;
	v13 =	vld.idx.msk [tilespmem:v3+s24+$0x10 ss:$0x1], $0xffff  }
0x24b: {  	[tilespmem:v3+s24+$0xFFFFFF00 ss:$0x1] =	vst.idx.msk $0xffff, v8;
	v8 =	vadd.f32 v10, v11;
	v10 =	vld.idx.msk [tilespmem:v3+s24+$0x90 ss:$0x1], $0xffff  }
0x24c: {  	[tilespmem:v3+s24+$0xFFFFFF80 ss:$0x1] =	vst.idx.msk $0xffff, v9;
	v9 =	vadd.f32 v12, v11;
	v11 =	vld.idx.msk [tilespmem:v5+s24+$0x4820 ss:$0x1], $0xffff  }
0x24d: {  	[tilespmem:v3+s24+$0x0 ss:$0x1] =	vst.idx.msk $0xffff, v8;
	v8 =	vld.idx.msk [tilespmem:v3+s24+$0xFFFFFF20 ss:$0x1], $0xffff  }
0x24e: {  	v7 =	vadd.f32 v7, v6;
	[tilespmem:v3+s24+$0x80 ss:$0x1] =	vst.idx.msk $0xffff, v9;
	v9 =	vld.idx.msk [tilespmem:v3+s24+$0xFFFFFFA0 ss:$0x1], $0xffff  }
0x24f: {  	v12 =	vadd.f32 v14, v6;
	v14 =	vld.idx.msk [tilespmem:v3+s24+$0x20 ss:$0x1], $0xffff  }
0x250: {  	[tilespmem:v3+s24+$0xFFFFFF10 ss:$0x1] =	vst.idx.msk $0xffff, v7;
	v7 =	vadd.f32 v13, v6;
	v13 =	vld.idx.msk [tilespmem:v3+s24+$0xA0 ss:$0x1], $0xffff  }
0x251: {  	v6 =	vadd.f32 v10, v6;
	[tilespmem:v3+s24+$0xFFFFFF90 ss:$0x1] =	vst.idx.msk $0xffff, v12;
	v10 =	vld.idx.msk [tilespmem:v5+s24+$0x4830 ss:$0x1], $0xffff  }
0x252: {  	[tilespmem:v3+s24+$0x10 ss:$0x1] =	vst.idx.msk $0xffff, v7;
	v7 =	vld.idx.msk [tilespmem:v3+s24+$0xFFFFFF30 ss:$0x1], $0xffff  }
0x253: {  	[tilespmem:v3+s24+$0x90 ss:$0x1] =	vst.idx.msk $0xffff, v6;
	v6 =	vadd.f32 v8, v11;
	v8 =	vld.idx.msk [tilespmem:v3+s24+$0xFFFFFFB0 ss:$0x1], $0xffff  }
0x254: {  	v9 =	vadd.f32 v9, v11;
	v12 =	vld.idx.msk [tilespmem:v3+s24+$0x30 ss:$0x1], $0xffff  }
0x255: {  	[tilespmem:v3+s24+$0xFFFFFF20 ss:$0x1] =	vst.idx.msk $0xffff, v6;
	v6 =	vadd.f32 v14, v11;
	v14 =	vld.idx.msk [tilespmem:v3+s24+$0xB0 ss:$0x1], $0xffff  }
0x256: {  	[tilespmem:v3+s24+$0xFFFFFFA0 ss:$0x1] =	vst.idx.msk $0xffff, v9;
	v9 =	vadd.f32 v13, v11;
	v11 =	vld.idx.msk [tilespmem:v5+s24+$0x4840 ss:$0x1], $0xffff  }
0x257: {  	[tilespmem:v3+s24+$0x20 ss:$0x1] =	vst.idx.msk $0xffff, v6;
	v6 =	vld.idx.msk [tilespmem:v3+s24+$0xFFFFFF40 ss:$0x1], $0xffff  }
0x258: {  	v7 =	vadd.f32 v7, v10;
	[tilespmem:v3+s24+$0xA0 ss:$0x1] =	vst.idx.msk $0xffff, v9;
	v9 =	vld.idx.msk [tilespmem:v3+s24+$0xFFFFFFC0 ss:$0x1], $0xffff  }
0x259: {  	v8 =	vadd.f32 v8, v10;
	v13 =	vld.idx.msk [tilespmem:v3+s24+$0x40 ss:$0x1], $0xffff  }
0x25a: {  	[tilespmem:v3+s24+$0xFFFFFF30 ss:$0x1] =	vst.idx.msk $0xffff, v7;
	v7 =	vadd.f32 v12, v10;
	v12 =	vld.idx.msk [tilespmem:v3+s24+$0xC0 ss:$0x1], $0xffff  }
0x25b: {  	[tilespmem:v3+s24+$0xFFFFFFB0 ss:$0x1] =	vst.idx.msk $0xffff, v8;
	v8 =	vadd.f32 v14, v10;
	v10 =	vld.idx.msk [tilespmem:v5+s24+$0x4850 ss:$0x1], $0xffff  }
0x25c: {  	[tilespmem:v3+s24+$0x30 ss:$0x1] =	vst.idx.msk $0xffff, v7;
	v7 =	vld.idx.msk [tilespmem:v3+s24+$0xFFFFFF50 ss:$0x1], $0xffff  }
0x25d: {  	v6 =	vadd.f32 v6, v11;
	[tilespmem:v3+s24+$0xB0 ss:$0x1] =	vst.idx.msk $0xffff, v8;
	v14 =	vld.idx.msk [tilespmem:v3+s24+$0xFFFFFFD0 ss:$0x1], $0xffff  }
0x25e: {  	v8 =	vadd.f32 v9, v11;
	v9 =	vld.idx.msk [tilespmem:v3+s24+$0x50 ss:$0x1], $0xffff  }
0x25f: {  	v13 =	vadd.f32 v13, v11;
	[tilespmem:v3+s24+$0xFFFFFF40 ss:$0x1] =	vst.idx.msk $0xffff, v6;
	v15 =	vld.idx.msk [tilespmem:v3+s24+$0xD0 ss:$0x1], $0xffff  }
0x260: {  	[tilespmem:v3+s24+$0xFFFFFFC0 ss:$0x1] =	vst.idx.msk $0xffff, v8;
	v8 =	vadd.f32 v12, v11;
	v6 =	vld.idx.msk [tilespmem:v5+s24+$0x4860 ss:$0x1], $0xffff  }
0x261: {  	[tilespmem:v3+s24+$0x40 ss:$0x1] =	vst.idx.msk $0xffff, v13;
	v11 =	vld.idx.msk [tilespmem:v3+s24+$0xFFFFFF60 ss:$0x1], $0xffff  }
.Ltmp6:
0x262: {  	v12 =	vadd.f32 v7, v10;
	[tilespmem:v3+s24+$0xC0 ss:$0x1] =	vst.idx.msk $0xffff, v8;
	v8 =	vld.idx.msk [tilespmem:v3+s24+$0xFFFFFFE0 ss:$0x1], $0xffff;
	(pc) =	sbr.rel @p1 .LBB2_15-.Ltmp6, $4  }
0x263: {  	v13 =	vadd.f32 v14, v10;
	v7 =	vld.idx.msk [tilespmem:v3+s24+$0x60 ss:$0x1], $0xffff  }
0x264: {  	[tilespmem:v3+s24+$0xFFFFFF50 ss:$0x1] =	vst.idx.msk $0xffff, v12;
	v12 =	vadd.f32 v9, v10;
	v9 =	vld.idx.msk [tilespmem:v3+s24+$0xE0 ss:$0x1], $0xffff  }
0x265: {  	[tilespmem:v3+s24+$0xFFFFFFD0 ss:$0x1] =	vst.idx.msk $0xffff, v13;
	v13 =	vadd.f32 v15, v10;
	v10 =	vld.idx.msk [tilespmem:v3+s24+$0xFFFFFF70 ss:$0x1], $0xffff  }
0x266: {  	s26 =	sadd.s32 $0x1000, s26;
	[tilespmem:v3+s24+$0x50 ss:$0x1] =	vst.idx.msk $0xffff, v12;
	v12 =	vld.idx.msk [tilespmem:v3+s24+$0xFFFFFFF0 ss:$0x1], $0xffff  }
0x267: {  	_ =	sdelay $0x2  }
0x268: {  	v5 =	vadd.f32 v11, v6  }
0x269: {  	[tilespmem:v3+s24+$0xD0 ss:$0x1] =	vst.idx.msk $0xffff, v13;
	v58 =	vld.idx.msk [tilespmem:v3+s24+$0x70 ss:$0x1], $0xffff;
	v8 =	vadd.f32 v8, v6  }
0x26a: {  	s22 =	sadd.s32 $0x1, s22;
	v59 =	vadd.f32 v7, v6;
	[tilespmem:v3+s24+$0xFFFFFF60 ss:$0x1] =	vst.idx.msk $0xffff, v5  }
0x26b: {  	p1 =	sne.s32 s22, $0x8;
	v60 =	vadd.f32 v9, v6;
	[tilespmem:v3+s24+$0xFFFFFFE0 ss:$0x1] =	vst.idx.msk $0xffff, v8  }
.Ltmp7:
0x26c: {  	v61 =	vadd.f32 v10, v4;
	[tilespmem:v3+s24+$0x60 ss:$0x1] =	vst.idx.msk $0xffff, v59;
	(pc) =	sbr.rel @p1 .LBB2_14-.Ltmp7, $4  }
0x26d: {  	v62 =	vadd.f32 v12, v4;
	[tilespmem:v3+s24+$0xE0 ss:$0x1] =	vst.idx.msk $0xffff, v60  }
0x26e: {  	[tilespmem:v3+s24+$0xFFFFFF70 ss:$0x1] =	vst.idx.msk $0xffff, v61;
	v63 =	vadd.f32 v58, v4  }
0x26f: {  	[tilespmem:v3+s24+$0xFFFFFFF0 ss:$0x1] =	vst.idx.msk $0xffff, v62  }
0x270: {  	s23 =	sadd.s32 $0x80, s23;
	p0 =	por !p0, !p0;
	[tilespmem:v3+s24+$0x70 ss:$0x1] =	vst.idx.msk $0xffff, v63  }
0x271: {  	s22 =	simm.s32 $0x0;
	s23 =	rddreg [dreg:$0x9]  }
0x272: {  	[hbm4b:s23+s22] =	stream.linear.scatter [tilespmem:s1], [sflag:$0x6], $0x6000, $0x38;
	[tilespmem:$0x18100] =	vst v63  }
0x273: {  	_ =	swait.ge [sflag:s20], $0x6000  }
0x274: {  	[sflag:s20] =	ssyncset.done $0x0  }
0x275: {  	[sflag:s20] =	ssyncadd.s32 $0xFFFFA000  }
0x276: {  	v3 =	vld [tilespmem:$0xA0];
	_ =	sdelay $0x4  }
0x277: {  	v4 =	vshrl.u32 v3, $0x3  }
0x278: {  	v4 =	vmul.u32 $0x30, v4  }
0x279: {  	v3 =	vand.u32 $0x7, v3  }
0x27a: {  	v3 =	vor.u32 v3, v4  }
0x27b: {  	v4 =	vperm.xlane v3, v0;
	_ =	sdelay $0x1  }
0x27c: {  	v4 =	vadd.s32 v1, v4;
	_ =	sdelay $0x3  }
0x27d: {  	v3 =	vperm.xlane v3, v2  }
0x27e: {  	[tilespmem:s1], [sflag:$0x4] =	stream.indirect_vreg.gather [hbm4b:s2+s22], $0x80, v4, vm0, $0xb8;
	[tilespmem:$0x18100] =	vst v63  }
0x27f: {  	v3 =	vadd.s32 v1, v3  }
0x280: {  	[tilespmem:s17], [sflag:$0x4] =	stream.indirect_vreg.gather [hbm4b:s6+s22], $0x80, v4, vm0, $0xb8;
	[tilespmem:$0x18100] =	vst v63  }
0x281: {  	_ = 	snop  }
0x282: {  	[tilespmem:s4], [sflag:$0x4] =	stream.indirect_vreg.gather [hbm4b:s8+s22], $0x80, v4, vm0, $0xb8;
	[tilespmem:$0x18100] =	vst v63  }
0x283: {  	_ = 	snop  }
0x284: {  	[tilespmem:s5], [sflag:$0x4] =	stream.indirect_vreg.gather [hbm4b:s2+s22], $0x80, v3, vm0, $0xb8;
	[tilespmem:$0x18100] =	vst v63  }
0x285: {  	_ = 	snop  }
0x286: {  	[tilespmem:s9], [sflag:$0x4] =	stream.indirect_vreg.gather [hbm4b:s6+s22], $0x80, v3, vm0, $0xb8;
	[tilespmem:$0x18100] =	vst v63  }
0x287: {  	_ = 	snop  }
0x288: {  	[tilespmem:s10], [sflag:$0x4] =	stream.indirect_vreg.gather [hbm4b:s8+s22], $0x80, v3, vm0, $0xb8;
	[tilespmem:$0x18100] =	vst v63  }
0x289: {  	v3 =	vld [tilespmem:$0xB0];
	_ =	sdelay $0x4  }
0x28a: {  	v63 =	vshrl.u32 v3, $0x3  }
0x28b: {  	v4 =	vmul.u32 $0x30, v63  }
0x28c: {  	v3 =	vand.u32 $0x7, v3  }
0x28d: {  	v3 =	vor.u32 v3, v4  }
0x28e: {  	v4 =	vperm.xlane v3, v0;
	_ =	sdelay $0x1  }
0x28f: {  	v4 =	vadd.s32 v1, v4;
	_ =	sdelay $0x3  }
0x290: {  	v3 =	vperm.xlane v3, v2  }
0x291: {  	[tilespmem:s11], [sflag:$0x4] =	stream.indirect_vreg.gather [hbm4b:s2+s22], $0x80, v4, vm0, $0xb8;
	[tilespmem:$0x18100] =	vst v63  }
0x292: {  	v3 =	vadd.s32 v1, v3  }
0x293: {  	[tilespmem:s12], [sflag:$0x4] =	stream.indirect_vreg.gather [hbm4b:s6+s22], $0x80, v4, vm0, $0xb8;
	[tilespmem:$0x18100] =	vst v63  }
0x294: {  	_ = 	snop  }
0x295: {  	[tilespmem:s13], [sflag:$0x4] =	stream.indirect_vreg.gather [hbm4b:s8+s22], $0x80, v4, vm0, $0xb8;
	[tilespmem:$0x18100] =	vst v63  }
0x296: {  	_ = 	snop  }
0x297: {  	[tilespmem:s14], [sflag:$0x4] =	stream.indirect_vreg.gather [hbm4b:s2+s22], $0x80, v3, vm0, $0xb8;
	[tilespmem:$0x18100] =	vst v63  }
0x298: {  	_ = 	snop  }
0x299: {  	[tilespmem:s15], [sflag:$0x4] =	stream.indirect_vreg.gather [hbm4b:s6+s22], $0x80, v3, vm0, $0xb8;
	[tilespmem:$0x18100] =	vst v63  }
0x29a: {  	_ = 	snop  }
0x29b: {  	[tilespmem:s16], [sflag:$0x4] =	stream.indirect_vreg.gather [hbm4b:s8+s22], $0x80, v3, vm0, $0xb8;
	[tilespmem:$0x18100] =	vst v63  }
0x29c: {  	_ =	swait.ge [sflag:s7], $0x6000  }
0x29d: {  	[sflag:s7] =	ssyncset.done $0x0  }
0x29e: {  	p0 =	por $0x0, $0x0;
	s23 =	simm.s32 $0x100;
	[sflag:s7] =	ssyncadd.s32 $0xFFFFA000  }
.LBB2_18:
0x29f: {  	s24 =	sshrl.u32 s22, $0x1;
	s25 =	simm.s32 $0x1  }
0x2a0: {  	s24 =	smul.u32 $0x6000, s24;
	s25 =	simm.s32 @!p0 $0x0  }
0x2a1: {  	v5 =	vmov s23;
	s25 =	sshll.u32 s25, $0xB  }
0x2a2: {  	s24 =	sor.u32 s25, s24  }
0x2a3: {  	s24 =	sshra.s32 s24, $0x2  }
0x2a4: {  	s24 =	sadd.s32 $0xC200, s24  }
0x2a5: {  	v3 =	vmov s24;
	s24 =	simm.s32 $0x0  }
0x2a6: {  	v4 =	vld.idx.msk [tilespmem:v5+s24+$0x6070 ss:$0x1], $0xffff  }
0x2a7: {  	v7 =	vld.idx.msk [tilespmem:v5+s24+$0x6000 ss:$0x1], $0xffff  }
0x2a8: {  	v12 =	vld.idx.msk [tilespmem:v5+s24+$0x6010 ss:$0x1], $0xffff  }
0x2a9: {  	v17 =	vld.idx.msk [tilespmem:v5+s24+$0x6020 ss:$0x1], $0xffff  }
0x2aa: {  	v6 =	vld.idx.msk [tilespmem:v3+s24+$0xF0 ss:$0x1], $0xffff  }
0x2ab: {  	v8 =	vld.idx.msk [tilespmem:v3+s24+$0xFFFFFF00 ss:$0x1], $0xffff  }
0x2ac: {  	v9 =	vld.idx.msk [tilespmem:v3+s24+$0xFFFFFF80 ss:$0x1], $0xffff  }
0x2ad: {  	v10 =	vld.idx.msk [tilespmem:v3+s24+$0x0 ss:$0x1], $0xffff  }
0x2ae: {  	v11 =	vld.idx.msk [tilespmem:v3+s24+$0x80 ss:$0x1], $0xffff  }
0x2af: {  	v13 =	vld.idx.msk [tilespmem:v3+s24+$0xFFFFFF10 ss:$0x1], $0xffff  }
0x2b0: {  	v14 =	vld.idx.msk [tilespmem:v3+s24+$0xFFFFFF90 ss:$0x1], $0xffff  }
0x2b1: {  	v15 =	vld.idx.msk [tilespmem:v3+s24+$0x10 ss:$0x1], $0xffff  }
0x2b2: {  	v16 =	vld.idx.msk [tilespmem:v3+s24+$0x90 ss:$0x1], $0xffff  }
0x2b3: {  	v18 =	vld.idx.msk [tilespmem:v3+s24+$0xFFFFFF20 ss:$0x1], $0xffff;
	v6 =	vadd.f32 v6, v4  }
0x2b4: {  	v19 =	vld.idx.msk [tilespmem:v3+s24+$0xFFFFFFA0 ss:$0x1], $0xffff;
	v8 =	vadd.f32 v8, v7  }
0x2b5: {  	v62 =	vld.idx.msk [tilespmem:v3+s24+$0xFFFFFF40 ss:$0x1], $0xffff;
	[tilespmem:v3+s24+$0xF0 ss:$0x1] =	vst.idx.msk $0xffff, v6;
	v6 =	vadd.f32 v9, v7  }
0x2b6: {  	v63 =	vld.idx.msk [tilespmem:v3+s24+$0xD0 ss:$0x1], $0xffff;
	[tilespmem:v3+s24+$0xFFFFFF00 ss:$0x1] =	vst.idx.msk $0xffff, v8;
	v8 =	vadd.f32 v10, v7  }
0x2b7: {  	v9 =	vld.idx.msk [tilespmem:v3+s24+$0x20 ss:$0x1], $0xffff;
	[tilespmem:v3+s24+$0xFFFFFF80 ss:$0x1] =	vst.idx.msk $0xffff, v6;
	v6 =	vadd.f32 v11, v7  }
0x2b8: {  	v10 =	vld.idx.msk [tilespmem:v3+s24+$0xA0 ss:$0x1], $0xffff;
	[tilespmem:v3+s24+$0x0 ss:$0x1] =	vst.idx.msk $0xffff, v8;
	v8 =	vadd.f32 v13, v12  }
0x2b9: {  	v7 =	vld.idx.msk [tilespmem:v5+s24+$0x6030 ss:$0x1], $0xffff;
	[tilespmem:v3+s24+$0x80 ss:$0x1] =	vst.idx.msk $0xffff, v6;
	v6 =	vadd.f32 v14, v12  }
0x2ba: {  	v11 =	vld.idx.msk [tilespmem:v3+s24+$0xFFFFFF30 ss:$0x1], $0xffff;
	[tilespmem:v3+s24+$0xFFFFFF10 ss:$0x1] =	vst.idx.msk $0xffff, v8;
	v8 =	vadd.f32 v15, v12  }
0x2bb: {  	v13 =	vld.idx.msk [tilespmem:v3+s24+$0xFFFFFFB0 ss:$0x1], $0xffff;
	[tilespmem:v3+s24+$0xFFFFFF90 ss:$0x1] =	vst.idx.msk $0xffff, v6;
	v6 =	vadd.f32 v16, v12  }
0x2bc: {  	v14 =	vld.idx.msk [tilespmem:v3+s24+$0x30 ss:$0x1], $0xffff;
	[tilespmem:v3+s24+$0x10 ss:$0x1] =	vst.idx.msk $0xffff, v8;
	v8 =	vadd.f32 v18, v17  }
0x2bd: {  	v15 =	vld.idx.msk [tilespmem:v5+s24+$0x6040 ss:$0x1], $0xffff;
	[tilespmem:v3+s24+$0x90 ss:$0x1] =	vst.idx.msk $0xffff, v6;
	v6 =	vadd.f32 v19, v17  }
0x2be: {  	v12 =	vld.idx.msk [tilespmem:v3+s24+$0xB0 ss:$0x1], $0xffff;
	[tilespmem:v3+s24+$0xFFFFFF20 ss:$0x1] =	vst.idx.msk $0xffff, v8;
	v8 =	vadd.f32 v9, v17  }
0x2bf: {  	v9 =	vld.idx.msk [tilespmem:v3+s24+$0xFFFFFFC0 ss:$0x1], $0xffff;
	[tilespmem:v3+s24+$0xFFFFFFA0 ss:$0x1] =	vst.idx.msk $0xffff, v6;
	v6 =	vadd.f32 v10, v17  }
0x2c0: {  	v10 =	vld.idx.msk [tilespmem:v3+s24+$0x40 ss:$0x1], $0xffff;
	[tilespmem:v3+s24+$0x20 ss:$0x1] =	vst.idx.msk $0xffff, v8;
	v8 =	vadd.f32 v11, v7  }
0x2c1: {  	v11 =	vld.idx.msk [tilespmem:v3+s24+$0xC0 ss:$0x1], $0xffff;
	[tilespmem:v3+s24+$0xA0 ss:$0x1] =	vst.idx.msk $0xffff, v6;
	v6 =	vadd.f32 v13, v7  }
0x2c2: {  	v13 =	vld.idx.msk [tilespmem:v5+s24+$0x6050 ss:$0x1], $0xffff;
	[tilespmem:v3+s24+$0xFFFFFF30 ss:$0x1] =	vst.idx.msk $0xffff, v8;
	v8 =	vadd.f32 v14, v7  }
0x2c3: {  	v14 =	vld.idx.msk [tilespmem:v3+s24+$0xFFFFFF50 ss:$0x1], $0xffff;
	[tilespmem:v3+s24+$0xFFFFFFB0 ss:$0x1] =	vst.idx.msk $0xffff, v6;
	v6 =	vadd.f32 v12, v7  }
0x2c4: {  	v7 =	vld.idx.msk [tilespmem:v3+s24+$0xFFFFFFD0 ss:$0x1], $0xffff;
	[tilespmem:v3+s24+$0x30 ss:$0x1] =	vst.idx.msk $0xffff, v8;
	v8 =	vadd.f32 v62, v15  }
0x2c5: {  	v12 =	vld.idx.msk [tilespmem:v3+s24+$0x50 ss:$0x1], $0xffff;
	v9 =	vadd.f32 v9, v15;
	[tilespmem:v3+s24+$0xB0 ss:$0x1] =	vst.idx.msk $0xffff, v6  }
0x2c6: {  	v6 =	vld.idx.msk [tilespmem:v5+s24+$0x6060 ss:$0x1], $0xffff;
	[tilespmem:v3+s24+$0xFFFFFF40 ss:$0x1] =	vst.idx.msk $0xffff, v8;
	v8 =	vadd.f32 v10, v15  }
0x2c7: {  	[tilespmem:v3+s24+$0xFFFFFFC0 ss:$0x1] =	vst.idx.msk $0xffff, v9;
	v9 =	vadd.f32 v11, v15;
	v11 =	vld.idx.msk [tilespmem:v3+s24+$0xFFFFFF60 ss:$0x1], $0xffff  }
0x2c8: {  	v10 =	vadd.f32 v14, v13;
	[tilespmem:v3+s24+$0x40 ss:$0x1] =	vst.idx.msk $0xffff, v8;
	v8 =	vld.idx.msk [tilespmem:v3+s24+$0xFFFFFFE0 ss:$0x1], $0xffff  }
0x2c9: {  	v14 =	vadd.f32 v7, v13;
	v7 =	vld.idx.msk [tilespmem:v3+s24+$0x60 ss:$0x1], $0xffff;
	[tilespmem:v3+s24+$0xC0 ss:$0x1] =	vst.idx.msk $0xffff, v9  }
0x2ca: {  	v12 =	vadd.f32 v12, v13;
	[tilespmem:v3+s24+$0xFFFFFF50 ss:$0x1] =	vst.idx.msk $0xffff, v10;
	v9 =	vld.idx.msk [tilespmem:v3+s24+$0xE0 ss:$0x1], $0xffff  }
0x2cb: {  	v13 =	vadd.f32 v63, v13;
	v10 =	vld.idx.msk [tilespmem:v3+s24+$0xFFFFFF70 ss:$0x1], $0xffff;
	[tilespmem:v3+s24+$0xFFFFFFD0 ss:$0x1] =	vst.idx.msk $0xffff, v14  }
0x2cc: {  	s26 =	simm.s32 $0x1000;
	s25 =	simm.s32 $0x0;
	[tilespmem:v3+s24+$0x50 ss:$0x1] =	vst.idx.msk $0xffff, v12;
	v12 =	vld.idx.msk [tilespmem:v3+s24+$0xFFFFFFF0 ss:$0x1], $0xffff  }
.LBB2_19:
0x2cd: {  	s28 =	sshra.s32 s26, $0x2;
	[tilespmem:v3+s24+$0xD0 ss:$0x1] =	vst.idx.msk $0xffff, v13;
	v11 =	vadd.f32 v11, v6;
	v13 =	vld.idx.msk [tilespmem:v3+s24+$0x70 ss:$0x1], $0xffff  }
0x2ce: {  	s25 =	sadd.s32 $0x80, s25;
	v8 =	vadd.f32 v8, v6;
	v14 =	vld.idx.msk [tilespmem:v5+s28+$0x6070 ss:$0x1], $0xffff  }
0x2cf: {  	p1 =	slt.u32 s25, $0x280;
	v7 =	vadd.f32 v7, v6;
	v15 =	vld.idx.msk [tilespmem:v3+s28+$0xF0 ss:$0x1], $0xffff;
	[tilespmem:v3+s24+$0xFFFFFF60 ss:$0x1] =	vst.idx.msk $0xffff, v11  }
0x2d0: {  	v6 =	vadd.f32 v9, v6;
	v11 =	vld.idx.msk [tilespmem:v5+s28+$0x6000 ss:$0x1], $0xffff;
	[tilespmem:v3+s24+$0xFFFFFFE0 ss:$0x1] =	vst.idx.msk $0xffff, v8  }
0x2d1: {  	v8 =	vld.idx.msk [tilespmem:v3+s28+$0xFFFFFF00 ss:$0x1], $0xffff;
	[tilespmem:v3+s24+$0x60 ss:$0x1] =	vst.idx.msk $0xffff, v7;
	v7 =	vadd.f32 v10, v4  }
0x2d2: {  	v9 =	vld.idx.msk [tilespmem:v3+s28+$0xFFFFFF80 ss:$0x1], $0xffff;
	[tilespmem:v3+s24+$0xE0 ss:$0x1] =	vst.idx.msk $0xffff, v6;
	v6 =	vadd.f32 v12, v4  }
0x2d3: {  	v10 =	vld.idx.msk [tilespmem:v3+s28+$0x0 ss:$0x1], $0xffff;
	[tilespmem:v3+s24+$0xFFFFFF70 ss:$0x1] =	vst.idx.msk $0xffff, v7;
	v7 =	vadd.f32 v13, v4  }
0x2d4: {  	v4 =	vmov v14;
	v12 =	vld.idx.msk [tilespmem:v3+s28+$0x80 ss:$0x1], $0xffff;
	[tilespmem:v3+s24+$0xFFFFFFF0 ss:$0x1] =	vst.idx.msk $0xffff, v6  }
0x2d5: {  	v13 =	vadd.f32 v15, v4;
	v6 =	vld.idx.msk [tilespmem:v5+s28+$0x6010 ss:$0x1], $0xffff;
	[tilespmem:v3+s24+$0x70 ss:$0x1] =	vst.idx.msk $0xffff, v7;
	s24 =	smov.u32 s28  }
0x2d6: {  	v7 =	vld.idx.msk [tilespmem:v3+s24+$0xFFFFFF10 ss:$0x1], $0xffff  }
0x2d7: {  	v8 =	vadd.f32 v8, v11;
	v14 =	vld.idx.msk [tilespmem:v3+s24+$0xFFFFFF90 ss:$0x1], $0xffff;
	[tilespmem:v3+s24+$0xF0 ss:$0x1] =	vst.idx.msk $0xffff, v13  }
0x2d8: {  	v9 =	vadd.f32 v9, v11;
	v13 =	vld.idx.msk [tilespmem:v3+s24+$0x10 ss:$0x1], $0xffff  }
0x2d9: {  	[tilespmem:v3+s24+$0xFFFFFF00 ss:$0x1] =	vst.idx.msk $0xffff, v8;
	v8 =	vadd.f32 v10, v11;
	v10 =	vld.idx.msk [tilespmem:v3+s24+$0x90 ss:$0x1], $0xffff  }
0x2da: {  	[tilespmem:v3+s24+$0xFFFFFF80 ss:$0x1] =	vst.idx.msk $0xffff, v9;
	v9 =	vadd.f32 v12, v11;
	v11 =	vld.idx.msk [tilespmem:v5+s24+$0x6020 ss:$0x1], $0xffff  }
0x2db: {  	[tilespmem:v3+s24+$0x0 ss:$0x1] =	vst.idx.msk $0xffff, v8;
	v8 =	vld.idx.msk [tilespmem:v3+s24+$0xFFFFFF20 ss:$0x1], $0xffff  }
0x2dc: {  	v7 =	vadd.f32 v7, v6;
	[tilespmem:v3+s24+$0x80 ss:$0x1] =	vst.idx.msk $0xffff, v9;
	v9 =	vld.idx.msk [tilespmem:v3+s24+$0xFFFFFFA0 ss:$0x1], $0xffff  }
0x2dd: {  	v12 =	vadd.f32 v14, v6;
	v14 =	vld.idx.msk [tilespmem:v3+s24+$0x20 ss:$0x1], $0xffff  }
0x2de: {  	[tilespmem:v3+s24+$0xFFFFFF10 ss:$0x1] =	vst.idx.msk $0xffff, v7;
	v7 =	vadd.f32 v13, v6;
	v13 =	vld.idx.msk [tilespmem:v3+s24+$0xA0 ss:$0x1], $0xffff  }
0x2df: {  	v6 =	vadd.f32 v10, v6;
	[tilespmem:v3+s24+$0xFFFFFF90 ss:$0x1] =	vst.idx.msk $0xffff, v12;
	v10 =	vld.idx.msk [tilespmem:v5+s24+$0x6030 ss:$0x1], $0xffff  }
0x2e0: {  	[tilespmem:v3+s24+$0x10 ss:$0x1] =	vst.idx.msk $0xffff, v7;
	v7 =	vld.idx.msk [tilespmem:v3+s24+$0xFFFFFF30 ss:$0x1], $0xffff  }
0x2e1: {  	[tilespmem:v3+s24+$0x90 ss:$0x1] =	vst.idx.msk $0xffff, v6;
	v6 =	vadd.f32 v8, v11;
	v8 =	vld.idx.msk [tilespmem:v3+s24+$0xFFFFFFB0 ss:$0x1], $0xffff  }
0x2e2: {  	v9 =	vadd.f32 v9, v11;
	v12 =	vld.idx.msk [tilespmem:v3+s24+$0x30 ss:$0x1], $0xffff  }
0x2e3: {  	[tilespmem:v3+s24+$0xFFFFFF20 ss:$0x1] =	vst.idx.msk $0xffff, v6;
	v6 =	vadd.f32 v14, v11;
	v14 =	vld.idx.msk [tilespmem:v3+s24+$0xB0 ss:$0x1], $0xffff  }
0x2e4: {  	[tilespmem:v3+s24+$0xFFFFFFA0 ss:$0x1] =	vst.idx.msk $0xffff, v9;
	v9 =	vadd.f32 v13, v11;
	v11 =	vld.idx.msk [tilespmem:v5+s24+$0x6040 ss:$0x1], $0xffff  }
0x2e5: {  	[tilespmem:v3+s24+$0x20 ss:$0x1] =	vst.idx.msk $0xffff, v6;
	v6 =	vld.idx.msk [tilespmem:v3+s24+$0xFFFFFF40 ss:$0x1], $0xffff  }
0x2e6: {  	v7 =	vadd.f32 v7, v10;
	[tilespmem:v3+s24+$0xA0 ss:$0x1] =	vst.idx.msk $0xffff, v9;
	v9 =	vld.idx.msk [tilespmem:v3+s24+$0xFFFFFFC0 ss:$0x1], $0xffff  }
0x2e7: {  	v8 =	vadd.f32 v8, v10;
	v13 =	vld.idx.msk [tilespmem:v3+s24+$0x40 ss:$0x1], $0xffff  }
0x2e8: {  	[tilespmem:v3+s24+$0xFFFFFF30 ss:$0x1] =	vst.idx.msk $0xffff, v7;
	v7 =	vadd.f32 v12, v10;
	v12 =	vld.idx.msk [tilespmem:v3+s24+$0xC0 ss:$0x1], $0xffff  }
0x2e9: {  	[tilespmem:v3+s24+$0xFFFFFFB0 ss:$0x1] =	vst.idx.msk $0xffff, v8;
	v8 =	vadd.f32 v14, v10;
	v10 =	vld.idx.msk [tilespmem:v5+s24+$0x6050 ss:$0x1], $0xffff  }
0x2ea: {  	[tilespmem:v3+s24+$0x30 ss:$0x1] =	vst.idx.msk $0xffff, v7;
	v7 =	vld.idx.msk [tilespmem:v3+s24+$0xFFFFFF50 ss:$0x1], $0xffff  }
0x2eb: {  	v6 =	vadd.f32 v6, v11;
	[tilespmem:v3+s24+$0xB0 ss:$0x1] =	vst.idx.msk $0xffff, v8;
	v14 =	vld.idx.msk [tilespmem:v3+s24+$0xFFFFFFD0 ss:$0x1], $0xffff  }
0x2ec: {  	v8 =	vadd.f32 v9, v11;
	v9 =	vld.idx.msk [tilespmem:v3+s24+$0x50 ss:$0x1], $0xffff  }
0x2ed: {  	v13 =	vadd.f32 v13, v11;
	[tilespmem:v3+s24+$0xFFFFFF40 ss:$0x1] =	vst.idx.msk $0xffff, v6;
	v15 =	vld.idx.msk [tilespmem:v3+s24+$0xD0 ss:$0x1], $0xffff  }
0x2ee: {  	[tilespmem:v3+s24+$0xFFFFFFC0 ss:$0x1] =	vst.idx.msk $0xffff, v8;
	v8 =	vadd.f32 v12, v11;
	v6 =	vld.idx.msk [tilespmem:v5+s24+$0x6060 ss:$0x1], $0xffff  }
0x2ef: {  	[tilespmem:v3+s24+$0x40 ss:$0x1] =	vst.idx.msk $0xffff, v13;
	v11 =	vld.idx.msk [tilespmem:v3+s24+$0xFFFFFF60 ss:$0x1], $0xffff  }
.Ltmp8:
0x2f0: {  	v12 =	vadd.f32 v7, v10;
	[tilespmem:v3+s24+$0xC0 ss:$0x1] =	vst.idx.msk $0xffff, v8;
	v8 =	vld.idx.msk [tilespmem:v3+s24+$0xFFFFFFE0 ss:$0x1], $0xffff;
	(pc) =	sbr.rel @p1 .LBB2_19-.Ltmp8, $4  }
0x2f1: {  	v13 =	vadd.f32 v14, v10;
	v7 =	vld.idx.msk [tilespmem:v3+s24+$0x60 ss:$0x1], $0xffff  }
0x2f2: {  	[tilespmem:v3+s24+$0xFFFFFF50 ss:$0x1] =	vst.idx.msk $0xffff, v12;
	v12 =	vadd.f32 v9, v10;
	v9 =	vld.idx.msk [tilespmem:v3+s24+$0xE0 ss:$0x1], $0xffff  }
0x2f3: {  	[tilespmem:v3+s24+$0xFFFFFFD0 ss:$0x1] =	vst.idx.msk $0xffff, v13;
	v13 =	vadd.f32 v15, v10;
	v10 =	vld.idx.msk [tilespmem:v3+s24+$0xFFFFFF70 ss:$0x1], $0xffff  }
0x2f4: {  	s26 =	sadd.s32 $0x1000, s26;
	[tilespmem:v3+s24+$0x50 ss:$0x1] =	vst.idx.msk $0xffff, v12;
	v12 =	vld.idx.msk [tilespmem:v3+s24+$0xFFFFFFF0 ss:$0x1], $0xffff  }
0x2f5: {  	_ =	sdelay $0x2  }
0x2f6: {  	v5 =	vadd.f32 v11, v6  }
0x2f7: {  	[tilespmem:v3+s24+$0xD0 ss:$0x1] =	vst.idx.msk $0xffff, v13;
	v58 =	vld.idx.msk [tilespmem:v3+s24+$0x70 ss:$0x1], $0xffff;
	v8 =	vadd.f32 v8, v6  }
0x2f8: {  	s22 =	sadd.s32 $0x1, s22;
	v59 =	vadd.f32 v7, v6;
	[tilespmem:v3+s24+$0xFFFFFF60 ss:$0x1] =	vst.idx.msk $0xffff, v5  }
0x2f9: {  	p1 =	sne.s32 s22, $0x8;
	v60 =	vadd.f32 v9, v6;
	[tilespmem:v3+s24+$0xFFFFFFE0 ss:$0x1] =	vst.idx.msk $0xffff, v8  }
.Ltmp9:
0x2fa: {  	v61 =	vadd.f32 v10, v4;
	[tilespmem:v3+s24+$0x60 ss:$0x1] =	vst.idx.msk $0xffff, v59;
	(pc) =	sbr.rel @p1 .LBB2_18-.Ltmp9, $4  }
0x2fb: {  	v62 =	vadd.f32 v12, v4;
	[tilespmem:v3+s24+$0xE0 ss:$0x1] =	vst.idx.msk $0xffff, v60  }
0x2fc: {  	[tilespmem:v3+s24+$0xFFFFFF70 ss:$0x1] =	vst.idx.msk $0xffff, v61;
	v63 =	vadd.f32 v58, v4  }
0x2fd: {  	[tilespmem:v3+s24+$0xFFFFFFF0 ss:$0x1] =	vst.idx.msk $0xffff, v62  }
0x2fe: {  	s23 =	sadd.s32 $0x80, s23;
	p0 =	por !p0, !p0;
	[tilespmem:v3+s24+$0x70 ss:$0x1] =	vst.idx.msk $0xffff, v63  }
0x2ff: {  	s22 =	simm.s32 $0x0;
	s23 =	rddreg [dreg:$0xa]  }
0x300: {  	[hbm4b:s23+s22] =	stream.linear.scatter [tilespmem:s19], [sflag:$0x5], $0x6000, $0x38;
	[tilespmem:$0x18100] =	vst v63  }
0x301: {  	_ =	swait.ge [sflag:s18], $0x6000  }
0x302: {  	[sflag:s18] =	ssyncset.done $0x0  }
0x303: {  	[sflag:s18] =	ssyncadd.s32 $0xFFFFA000  }
0x304: {  	v3 =	vld [tilespmem:$0xC0];
	_ =	sdelay $0x4  }
0x305: {  	v4 =	vshrl.u32 v3, $0x3  }
0x306: {  	v4 =	vmul.u32 $0x30, v4  }
0x307: {  	v3 =	vand.u32 $0x7, v3  }
0x308: {  	v3 =	vor.u32 v3, v4  }
0x309: {  	v4 =	vperm.xlane v3, v0;
	_ =	sdelay $0x1  }
0x30a: {  	v4 =	vadd.s32 v1, v4;
	_ =	sdelay $0x3  }
0x30b: {  	v3 =	vperm.xlane v3, v2  }
0x30c: {  	[tilespmem:s19], [sflag:$0x3] =	stream.indirect_vreg.gather [hbm4b:s2+s22], $0x80, v4, vm0, $0xb8;
	[tilespmem:$0x18100] =	vst v63  }
0x30d: {  	s24 =	simm.s32 $0xC900;
	v3 =	vadd.s32 v1, v3  }
0x30e: {  	[tilespmem:s24], [sflag:$0x3] =	stream.indirect_vreg.gather [hbm4b:s6+s22], $0x80, v4, vm0, $0xb8;
	[tilespmem:$0x18100] =	vst v63  }
0x30f: {  	s25 =	simm.s32 $0xD100  }
0x310: {  	[tilespmem:s25], [sflag:$0x3] =	stream.indirect_vreg.gather [hbm4b:s8+s22], $0x80, v4, vm0, $0xb8;
	[tilespmem:$0x18100] =	vst v63  }
0x311: {  	s26 =	simm.s32 $0xD900  }
0x312: {  	[tilespmem:s26], [sflag:$0x3] =	stream.indirect_vreg.gather [hbm4b:s2+s22], $0x80, v3, vm0, $0xb8;
	[tilespmem:$0x18100] =	vst v63  }
0x313: {  	s28 =	simm.s32 $0xE100  }
0x314: {  	[tilespmem:s28], [sflag:$0x3] =	stream.indirect_vreg.gather [hbm4b:s6+s22], $0x80, v3, vm0, $0xb8;
	[tilespmem:$0x18100] =	vst v63  }
0x315: {  	s24 =	simm.s32 $0xE900  }
0x316: {  	[tilespmem:s24], [sflag:$0x3] =	stream.indirect_vreg.gather [hbm4b:s8+s22], $0x80, v3, vm0, $0xb8;
	[tilespmem:$0x18100] =	vst v63  }
0x317: {  	v3 =	vld [tilespmem:$0xD0];
	_ =	sdelay $0x4  }
0x318: {  	v63 =	vshrl.u32 v3, $0x3  }
0x319: {  	v4 =	vmul.u32 $0x30, v63  }
0x31a: {  	v3 =	vand.u32 $0x7, v3  }
0x31b: {  	v3 =	vor.u32 v3, v4  }
0x31c: {  	v4 =	vperm.xlane v3, v0;
	_ =	sdelay $0x1  }
0x31d: {  	v4 =	vadd.s32 v1, v4;
	_ =	sdelay $0x3  }
0x31e: {  	s25 =	simm.s32 $0xF100;
	v3 =	vperm.xlane v3, v2  }
0x31f: {  	[tilespmem:s25], [sflag:$0x3] =	stream.indirect_vreg.gather [hbm4b:s2+s22], $0x80, v4, vm0, $0xb8;
	[tilespmem:$0x18100] =	vst v63  }
0x320: {  	s26 =	simm.s32 $0xF900;
	v3 =	vadd.s32 v1, v3  }
0x321: {  	[tilespmem:s26], [sflag:$0x3] =	stream.indirect_vreg.gather [hbm4b:s6+s22], $0x80, v4, vm0, $0xb8;
	[tilespmem:$0x18100] =	vst v63  }
0x322: {  	s28 =	simm.s32 $0x10100  }
0x323: {  	[tilespmem:s28], [sflag:$0x3] =	stream.indirect_vreg.gather [hbm4b:s8+s22], $0x80, v4, vm0, $0xb8;
	[tilespmem:$0x18100] =	vst v63  }
0x324: {  	_ = 	snop  }
0x325: {  	[tilespmem:s29], [sflag:$0x3] =	stream.indirect_vreg.gather [hbm4b:s2+s22], $0x80, v3, vm0, $0xb8;
	[tilespmem:$0x18100] =	vst v63  }
0x326: {  	_ = 	snop  }
0x327: {  	[tilespmem:s30], [sflag:$0x3] =	stream.indirect_vreg.gather [hbm4b:s6+s22], $0x80, v3, vm0, $0xb8;
	[tilespmem:$0x18100] =	vst v63  }
0x328: {  	_ = 	snop  }
0x329: {  	[tilespmem:s31], [sflag:$0x3] =	stream.indirect_vreg.gather [hbm4b:s8+s22], $0x80, v3, vm0, $0xb8;
	[tilespmem:$0x18100] =	vst v63  }
0x32a: {  	_ =	swait.ge [sflag:s0], $0x6000  }
0x32b: {  	[sflag:s0] =	ssyncset.done $0x0  }
0x32c: {  	p0 =	por $0x0, $0x0;
	s23 =	simm.s32 $0x100;
	[sflag:s0] =	ssyncadd.s32 $0xFFFFA000  }
.LBB2_22:
0x32d: {  	s24 =	sshrl.u32 s22, $0x1;
	s25 =	simm.s32 $0x1  }
0x32e: {  	s24 =	smul.u32 $0x6000, s24;
	s25 =	simm.s32 @!p0 $0x0  }
0x32f: {  	v5 =	vmov s23;
	s25 =	sshll.u32 s25, $0xB  }
0x330: {  	s24 =	sor.u32 s25, s24  }
0x331: {  	s24 =	sshra.s32 s24, $0x2  }
0x332: {  	s24 =	sadd.s32 $0x12200, s24  }
0x333: {  	v3 =	vmov s24;
	s24 =	simm.s32 $0x0  }
0x334: {  	v4 =	vld.idx.msk [tilespmem:v5+s24+$0x7870 ss:$0x1], $0xffff  }
0x335: {  	v7 =	vld.idx.msk [tilespmem:v5+s24+$0x7800 ss:$0x1], $0xffff  }
0x336: {  	v12 =	vld.idx.msk [tilespmem:v5+s24+$0x7810 ss:$0x1], $0xffff  }
0x337: {  	v17 =	vld.idx.msk [tilespmem:v5+s24+$0x7820 ss:$0x1], $0xffff  }
0x338: {  	v6 =	vld.idx.msk [tilespmem:v3+s24+$0xF0 ss:$0x1], $0xffff  }
0x339: {  	v8 =	vld.idx.msk [tilespmem:v3+s24+$0xFFFFFF00 ss:$0x1], $0xffff  }
0x33a: {  	v9 =	vld.idx.msk [tilespmem:v3+s24+$0xFFFFFF80 ss:$0x1], $0xffff  }
0x33b: {  	v10 =	vld.idx.msk [tilespmem:v3+s24+$0x0 ss:$0x1], $0xffff  }
0x33c: {  	v11 =	vld.idx.msk [tilespmem:v3+s24+$0x80 ss:$0x1], $0xffff  }
0x33d: {  	v13 =	vld.idx.msk [tilespmem:v3+s24+$0xFFFFFF10 ss:$0x1], $0xffff  }
0x33e: {  	v14 =	vld.idx.msk [tilespmem:v3+s24+$0xFFFFFF90 ss:$0x1], $0xffff  }
0x33f: {  	v15 =	vld.idx.msk [tilespmem:v3+s24+$0x10 ss:$0x1], $0xffff  }
0x340: {  	v16 =	vld.idx.msk [tilespmem:v3+s24+$0x90 ss:$0x1], $0xffff  }
0x341: {  	v18 =	vld.idx.msk [tilespmem:v3+s24+$0xFFFFFF20 ss:$0x1], $0xffff;
	v6 =	vadd.f32 v6, v4  }
0x342: {  	v19 =	vld.idx.msk [tilespmem:v3+s24+$0xFFFFFFA0 ss:$0x1], $0xffff;
	v8 =	vadd.f32 v8, v7  }
0x343: {  	v62 =	vld.idx.msk [tilespmem:v3+s24+$0xFFFFFF40 ss:$0x1], $0xffff;
	[tilespmem:v3+s24+$0xF0 ss:$0x1] =	vst.idx.msk $0xffff, v6;
	v6 =	vadd.f32 v9, v7  }
0x344: {  	v63 =	vld.idx.msk [tilespmem:v3+s24+$0xD0 ss:$0x1], $0xffff;
	[tilespmem:v3+s24+$0xFFFFFF00 ss:$0x1] =	vst.idx.msk $0xffff, v8;
	v8 =	vadd.f32 v10, v7  }
0x345: {  	v9 =	vld.idx.msk [tilespmem:v3+s24+$0x20 ss:$0x1], $0xffff;
	[tilespmem:v3+s24+$0xFFFFFF80 ss:$0x1] =	vst.idx.msk $0xffff, v6;
	v6 =	vadd.f32 v11, v7  }
0x346: {  	v10 =	vld.idx.msk [tilespmem:v3+s24+$0xA0 ss:$0x1], $0xffff;
	[tilespmem:v3+s24+$0x0 ss:$0x1] =	vst.idx.msk $0xffff, v8;
	v8 =	vadd.f32 v13, v12  }
0x347: {  	v7 =	vld.idx.msk [tilespmem:v5+s24+$0x7830 ss:$0x1], $0xffff;
	[tilespmem:v3+s24+$0x80 ss:$0x1] =	vst.idx.msk $0xffff, v6;
	v6 =	vadd.f32 v14, v12  }
0x348: {  	v11 =	vld.idx.msk [tilespmem:v3+s24+$0xFFFFFF30 ss:$0x1], $0xffff;
	[tilespmem:v3+s24+$0xFFFFFF10 ss:$0x1] =	vst.idx.msk $0xffff, v8;
	v8 =	vadd.f32 v15, v12  }
0x349: {  	v13 =	vld.idx.msk [tilespmem:v3+s24+$0xFFFFFFB0 ss:$0x1], $0xffff;
	[tilespmem:v3+s24+$0xFFFFFF90 ss:$0x1] =	vst.idx.msk $0xffff, v6;
	v6 =	vadd.f32 v16, v12  }
0x34a: {  	v14 =	vld.idx.msk [tilespmem:v3+s24+$0x30 ss:$0x1], $0xffff;
	[tilespmem:v3+s24+$0x10 ss:$0x1] =	vst.idx.msk $0xffff, v8;
	v8 =	vadd.f32 v18, v17  }
0x34b: {  	v15 =	vld.idx.msk [tilespmem:v5+s24+$0x7840 ss:$0x1], $0xffff;
	[tilespmem:v3+s24+$0x90 ss:$0x1] =	vst.idx.msk $0xffff, v6;
	v6 =	vadd.f32 v19, v17  }
0x34c: {  	v12 =	vld.idx.msk [tilespmem:v3+s24+$0xB0 ss:$0x1], $0xffff;
	[tilespmem:v3+s24+$0xFFFFFF20 ss:$0x1] =	vst.idx.msk $0xffff, v8;
	v8 =	vadd.f32 v9, v17  }
0x34d: {  	v9 =	vld.idx.msk [tilespmem:v3+s24+$0xFFFFFFC0 ss:$0x1], $0xffff;
	[tilespmem:v3+s24+$0xFFFFFFA0 ss:$0x1] =	vst.idx.msk $0xffff, v6;
	v6 =	vadd.f32 v10, v17  }
0x34e: {  	v10 =	vld.idx.msk [tilespmem:v3+s24+$0x40 ss:$0x1], $0xffff;
	[tilespmem:v3+s24+$0x20 ss:$0x1] =	vst.idx.msk $0xffff, v8;
	v8 =	vadd.f32 v11, v7  }
0x34f: {  	v11 =	vld.idx.msk [tilespmem:v3+s24+$0xC0 ss:$0x1], $0xffff;
	[tilespmem:v3+s24+$0xA0 ss:$0x1] =	vst.idx.msk $0xffff, v6;
	v6 =	vadd.f32 v13, v7  }
0x350: {  	v13 =	vld.idx.msk [tilespmem:v5+s24+$0x7850 ss:$0x1], $0xffff;
	[tilespmem:v3+s24+$0xFFFFFF30 ss:$0x1] =	vst.idx.msk $0xffff, v8;
	v8 =	vadd.f32 v14, v7  }
0x351: {  	v14 =	vld.idx.msk [tilespmem:v3+s24+$0xFFFFFF50 ss:$0x1], $0xffff;
	[tilespmem:v3+s24+$0xFFFFFFB0 ss:$0x1] =	vst.idx.msk $0xffff, v6;
	v6 =	vadd.f32 v12, v7  }
0x352: {  	v7 =	vld.idx.msk [tilespmem:v3+s24+$0xFFFFFFD0 ss:$0x1], $0xffff;
	[tilespmem:v3+s24+$0x30 ss:$0x1] =	vst.idx.msk $0xffff, v8;
	v8 =	vadd.f32 v62, v15  }
0x353: {  	v12 =	vld.idx.msk [tilespmem:v3+s24+$0x50 ss:$0x1], $0xffff;
	v9 =	vadd.f32 v9, v15;
	[tilespmem:v3+s24+$0xB0 ss:$0x1] =	vst.idx.msk $0xffff, v6  }
0x354: {  	v6 =	vld.idx.msk [tilespmem:v5+s24+$0x7860 ss:$0x1], $0xffff;
	[tilespmem:v3+s24+$0xFFFFFF40 ss:$0x1] =	vst.idx.msk $0xffff, v8;
	v8 =	vadd.f32 v10, v15  }
0x355: {  	[tilespmem:v3+s24+$0xFFFFFFC0 ss:$0x1] =	vst.idx.msk $0xffff, v9;
	v9 =	vadd.f32 v11, v15;
	v11 =	vld.idx.msk [tilespmem:v3+s24+$0xFFFFFF60 ss:$0x1], $0xffff  }
0x356: {  	v10 =	vadd.f32 v14, v13;
	[tilespmem:v3+s24+$0x40 ss:$0x1] =	vst.idx.msk $0xffff, v8;
	v8 =	vld.idx.msk [tilespmem:v3+s24+$0xFFFFFFE0 ss:$0x1], $0xffff  }
0x357: {  	v14 =	vadd.f32 v7, v13;
	v7 =	vld.idx.msk [tilespmem:v3+s24+$0x60 ss:$0x1], $0xffff;
	[tilespmem:v3+s24+$0xC0 ss:$0x1] =	vst.idx.msk $0xffff, v9  }
0x358: {  	v12 =	vadd.f32 v12, v13;
	[tilespmem:v3+s24+$0xFFFFFF50 ss:$0x1] =	vst.idx.msk $0xffff, v10;
	v9 =	vld.idx.msk [tilespmem:v3+s24+$0xE0 ss:$0x1], $0xffff  }
0x359: {  	v13 =	vadd.f32 v63, v13;
	v10 =	vld.idx.msk [tilespmem:v3+s24+$0xFFFFFF70 ss:$0x1], $0xffff;
	[tilespmem:v3+s24+$0xFFFFFFD0 ss:$0x1] =	vst.idx.msk $0xffff, v14  }
0x35a: {  	s26 =	simm.s32 $0x1000;
	s25 =	simm.s32 $0x0;
	[tilespmem:v3+s24+$0x50 ss:$0x1] =	vst.idx.msk $0xffff, v12;
	v12 =	vld.idx.msk [tilespmem:v3+s24+$0xFFFFFFF0 ss:$0x1], $0xffff  }
.LBB2_23:
0x35b: {  	s28 =	sshra.s32 s26, $0x2;
	[tilespmem:v3+s24+$0xD0 ss:$0x1] =	vst.idx.msk $0xffff, v13;
	v11 =	vadd.f32 v11, v6;
	v13 =	vld.idx.msk [tilespmem:v3+s24+$0x70 ss:$0x1], $0xffff  }
0x35c: {  	s25 =	sadd.s32 $0x80, s25;
	v8 =	vadd.f32 v8, v6;
	v14 =	vld.idx.msk [tilespmem:v5+s28+$0x7870 ss:$0x1], $0xffff  }
0x35d: {  	p1 =	slt.u32 s25, $0x280;
	v7 =	vadd.f32 v7, v6;
	v15 =	vld.idx.msk [tilespmem:v3+s28+$0xF0 ss:$0x1], $0xffff;
	[tilespmem:v3+s24+$0xFFFFFF60 ss:$0x1] =	vst.idx.msk $0xffff, v11  }
0x35e: {  	v6 =	vadd.f32 v9, v6;
	v11 =	vld.idx.msk [tilespmem:v5+s28+$0x7800 ss:$0x1], $0xffff;
	[tilespmem:v3+s24+$0xFFFFFFE0 ss:$0x1] =	vst.idx.msk $0xffff, v8  }
0x35f: {  	v8 =	vld.idx.msk [tilespmem:v3+s28+$0xFFFFFF00 ss:$0x1], $0xffff;
	[tilespmem:v3+s24+$0x60 ss:$0x1] =	vst.idx.msk $0xffff, v7;
	v7 =	vadd.f32 v10, v4  }
0x360: {  	v9 =	vld.idx.msk [tilespmem:v3+s28+$0xFFFFFF80 ss:$0x1], $0xffff;
	[tilespmem:v3+s24+$0xE0 ss:$0x1] =	vst.idx.msk $0xffff, v6;
	v6 =	vadd.f32 v12, v4  }
0x361: {  	v10 =	vld.idx.msk [tilespmem:v3+s28+$0x0 ss:$0x1], $0xffff;
	[tilespmem:v3+s24+$0xFFFFFF70 ss:$0x1] =	vst.idx.msk $0xffff, v7;
	v7 =	vadd.f32 v13, v4  }
0x362: {  	v4 =	vmov v14;
	v12 =	vld.idx.msk [tilespmem:v3+s28+$0x80 ss:$0x1], $0xffff;
	[tilespmem:v3+s24+$0xFFFFFFF0 ss:$0x1] =	vst.idx.msk $0xffff, v6  }
0x363: {  	v13 =	vadd.f32 v15, v4;
	v6 =	vld.idx.msk [tilespmem:v5+s28+$0x7810 ss:$0x1], $0xffff;
	[tilespmem:v3+s24+$0x70 ss:$0x1] =	vst.idx.msk $0xffff, v7;
	s24 =	smov.u32 s28  }
0x364: {  	v7 =	vld.idx.msk [tilespmem:v3+s24+$0xFFFFFF10 ss:$0x1], $0xffff  }
0x365: {  	v8 =	vadd.f32 v8, v11;
	v14 =	vld.idx.msk [tilespmem:v3+s24+$0xFFFFFF90 ss:$0x1], $0xffff;
	[tilespmem:v3+s24+$0xF0 ss:$0x1] =	vst.idx.msk $0xffff, v13  }
0x366: {  	v9 =	vadd.f32 v9, v11;
	v13 =	vld.idx.msk [tilespmem:v3+s24+$0x10 ss:$0x1], $0xffff  }
0x367: {  	[tilespmem:v3+s24+$0xFFFFFF00 ss:$0x1] =	vst.idx.msk $0xffff, v8;
	v8 =	vadd.f32 v10, v11;
	v10 =	vld.idx.msk [tilespmem:v3+s24+$0x90 ss:$0x1], $0xffff  }
0x368: {  	[tilespmem:v3+s24+$0xFFFFFF80 ss:$0x1] =	vst.idx.msk $0xffff, v9;
	v9 =	vadd.f32 v12, v11;
	v11 =	vld.idx.msk [tilespmem:v5+s24+$0x7820 ss:$0x1], $0xffff  }
0x369: {  	[tilespmem:v3+s24+$0x0 ss:$0x1] =	vst.idx.msk $0xffff, v8;
	v8 =	vld.idx.msk [tilespmem:v3+s24+$0xFFFFFF20 ss:$0x1], $0xffff  }
0x36a: {  	v7 =	vadd.f32 v7, v6;
	[tilespmem:v3+s24+$0x80 ss:$0x1] =	vst.idx.msk $0xffff, v9;
	v9 =	vld.idx.msk [tilespmem:v3+s24+$0xFFFFFFA0 ss:$0x1], $0xffff  }
0x36b: {  	v12 =	vadd.f32 v14, v6;
	v14 =	vld.idx.msk [tilespmem:v3+s24+$0x20 ss:$0x1], $0xffff  }
0x36c: {  	[tilespmem:v3+s24+$0xFFFFFF10 ss:$0x1] =	vst.idx.msk $0xffff, v7;
	v7 =	vadd.f32 v13, v6;
	v13 =	vld.idx.msk [tilespmem:v3+s24+$0xA0 ss:$0x1], $0xffff  }
0x36d: {  	v6 =	vadd.f32 v10, v6;
	[tilespmem:v3+s24+$0xFFFFFF90 ss:$0x1] =	vst.idx.msk $0xffff, v12;
	v10 =	vld.idx.msk [tilespmem:v5+s24+$0x7830 ss:$0x1], $0xffff  }
0x36e: {  	[tilespmem:v3+s24+$0x10 ss:$0x1] =	vst.idx.msk $0xffff, v7;
	v7 =	vld.idx.msk [tilespmem:v3+s24+$0xFFFFFF30 ss:$0x1], $0xffff  }
0x36f: {  	[tilespmem:v3+s24+$0x90 ss:$0x1] =	vst.idx.msk $0xffff, v6;
	v6 =	vadd.f32 v8, v11;
	v8 =	vld.idx.msk [tilespmem:v3+s24+$0xFFFFFFB0 ss:$0x1], $0xffff  }
0x370: {  	v9 =	vadd.f32 v9, v11;
	v12 =	vld.idx.msk [tilespmem:v3+s24+$0x30 ss:$0x1], $0xffff  }
0x371: {  	[tilespmem:v3+s24+$0xFFFFFF20 ss:$0x1] =	vst.idx.msk $0xffff, v6;
	v6 =	vadd.f32 v14, v11;
	v14 =	vld.idx.msk [tilespmem:v3+s24+$0xB0 ss:$0x1], $0xffff  }
0x372: {  	[tilespmem:v3+s24+$0xFFFFFFA0 ss:$0x1] =	vst.idx.msk $0xffff, v9;
	v9 =	vadd.f32 v13, v11;
	v11 =	vld.idx.msk [tilespmem:v5+s24+$0x7840 ss:$0x1], $0xffff  }
0x373: {  	[tilespmem:v3+s24+$0x20 ss:$0x1] =	vst.idx.msk $0xffff, v6;
	v6 =	vld.idx.msk [tilespmem:v3+s24+$0xFFFFFF40 ss:$0x1], $0xffff  }
0x374: {  	v7 =	vadd.f32 v7, v10;
	[tilespmem:v3+s24+$0xA0 ss:$0x1] =	vst.idx.msk $0xffff, v9;
	v9 =	vld.idx.msk [tilespmem:v3+s24+$0xFFFFFFC0 ss:$0x1], $0xffff  }
0x375: {  	v8 =	vadd.f32 v8, v10;
	v13 =	vld.idx.msk [tilespmem:v3+s24+$0x40 ss:$0x1], $0xffff  }
0x376: {  	[tilespmem:v3+s24+$0xFFFFFF30 ss:$0x1] =	vst.idx.msk $0xffff, v7;
	v7 =	vadd.f32 v12, v10;
	v12 =	vld.idx.msk [tilespmem:v3+s24+$0xC0 ss:$0x1], $0xffff  }
0x377: {  	[tilespmem:v3+s24+$0xFFFFFFB0 ss:$0x1] =	vst.idx.msk $0xffff, v8;
	v8 =	vadd.f32 v14, v10;
	v10 =	vld.idx.msk [tilespmem:v5+s24+$0x7850 ss:$0x1], $0xffff  }
0x378: {  	[tilespmem:v3+s24+$0x30 ss:$0x1] =	vst.idx.msk $0xffff, v7;
	v7 =	vld.idx.msk [tilespmem:v3+s24+$0xFFFFFF50 ss:$0x1], $0xffff  }
0x379: {  	v6 =	vadd.f32 v6, v11;
	[tilespmem:v3+s24+$0xB0 ss:$0x1] =	vst.idx.msk $0xffff, v8;
	v14 =	vld.idx.msk [tilespmem:v3+s24+$0xFFFFFFD0 ss:$0x1], $0xffff  }
0x37a: {  	v8 =	vadd.f32 v9, v11;
	v9 =	vld.idx.msk [tilespmem:v3+s24+$0x50 ss:$0x1], $0xffff  }
0x37b: {  	v13 =	vadd.f32 v13, v11;
	[tilespmem:v3+s24+$0xFFFFFF40 ss:$0x1] =	vst.idx.msk $0xffff, v6;
	v15 =	vld.idx.msk [tilespmem:v3+s24+$0xD0 ss:$0x1], $0xffff  }
0x37c: {  	[tilespmem:v3+s24+$0xFFFFFFC0 ss:$0x1] =	vst.idx.msk $0xffff, v8;
	v8 =	vadd.f32 v12, v11;
	v6 =	vld.idx.msk [tilespmem:v5+s24+$0x7860 ss:$0x1], $0xffff  }
0x37d: {  	[tilespmem:v3+s24+$0x40 ss:$0x1] =	vst.idx.msk $0xffff, v13;
	v11 =	vld.idx.msk [tilespmem:v3+s24+$0xFFFFFF60 ss:$0x1], $0xffff  }
.Ltmp10:
0x37e: {  	v12 =	vadd.f32 v7, v10;
	[tilespmem:v3+s24+$0xC0 ss:$0x1] =	vst.idx.msk $0xffff, v8;
	v8 =	vld.idx.msk [tilespmem:v3+s24+$0xFFFFFFE0 ss:$0x1], $0xffff;
	(pc) =	sbr.rel @p1 .LBB2_23-.Ltmp10, $4  }
0x37f: {  	v13 =	vadd.f32 v14, v10;
	v7 =	vld.idx.msk [tilespmem:v3+s24+$0x60 ss:$0x1], $0xffff  }
0x380: {  	[tilespmem:v3+s24+$0xFFFFFF50 ss:$0x1] =	vst.idx.msk $0xffff, v12;
	v12 =	vadd.f32 v9, v10;
	v9 =	vld.idx.msk [tilespmem:v3+s24+$0xE0 ss:$0x1], $0xffff  }
0x381: {  	[tilespmem:v3+s24+$0xFFFFFFD0 ss:$0x1] =	vst.idx.msk $0xffff, v13;
	v13 =	vadd.f32 v15, v10;
	v10 =	vld.idx.msk [tilespmem:v3+s24+$0xFFFFFF70 ss:$0x1], $0xffff  }
0x382: {  	s26 =	sadd.s32 $0x1000, s26;
	[tilespmem:v3+s24+$0x50 ss:$0x1] =	vst.idx.msk $0xffff, v12;
	v12 =	vld.idx.msk [tilespmem:v3+s24+$0xFFFFFFF0 ss:$0x1], $0xffff  }
0x383: {  	_ =	sdelay $0x2  }
0x384: {  	v5 =	vadd.f32 v11, v6  }
0x385: {  	[tilespmem:v3+s24+$0xD0 ss:$0x1] =	vst.idx.msk $0xffff, v13;
	v58 =	vld.idx.msk [tilespmem:v3+s24+$0x70 ss:$0x1], $0xffff;
	v8 =	vadd.f32 v8, v6  }
0x386: {  	s22 =	sadd.s32 $0x1, s22;
	v59 =	vadd.f32 v7, v6;
	[tilespmem:v3+s24+$0xFFFFFF60 ss:$0x1] =	vst.idx.msk $0xffff, v5  }
0x387: {  	p1 =	sne.s32 s22, $0x8;
	v60 =	vadd.f32 v9, v6;
	[tilespmem:v3+s24+$0xFFFFFFE0 ss:$0x1] =	vst.idx.msk $0xffff, v8  }
.Ltmp11:
0x388: {  	v61 =	vadd.f32 v10, v4;
	[tilespmem:v3+s24+$0x60 ss:$0x1] =	vst.idx.msk $0xffff, v59;
	(pc) =	sbr.rel @p1 .LBB2_22-.Ltmp11, $4  }
0x389: {  	v62 =	vadd.f32 v12, v4;
	[tilespmem:v3+s24+$0xE0 ss:$0x1] =	vst.idx.msk $0xffff, v60  }
0x38a: {  	[tilespmem:v3+s24+$0xFFFFFF70 ss:$0x1] =	vst.idx.msk $0xffff, v61;
	v63 =	vadd.f32 v58, v4  }
0x38b: {  	[tilespmem:v3+s24+$0xFFFFFFF0 ss:$0x1] =	vst.idx.msk $0xffff, v62  }
0x38c: {  	s23 =	sadd.s32 $0x80, s23;
	p0 =	por !p0, !p0;
	[tilespmem:v3+s24+$0x70 ss:$0x1] =	vst.idx.msk $0xffff, v63  }
0x38d: {  	s22 =	simm.s32 $0x0;
	s23 =	rddreg [dreg:$0xb]  }
0x38e: {  	[hbm4b:s23+s22] =	stream.linear.scatter [tilespmem:s1], [sflag:$0x6], $0x6000, $0x38;
	[tilespmem:$0x18100] =	vst v63  }
0x38f: {  	_ =	swait.ge [sflag:s20], $0x6000  }
0x390: {  	[sflag:s20] =	ssyncset.done $0x0  }
0x391: {  	[sflag:s20] =	ssyncadd.s32 $0xFFFFA000  }
0x392: {  	v3 =	vld [tilespmem:$0xE0];
	_ =	sdelay $0x4  }
0x393: {  	v4 =	vshrl.u32 v3, $0x3  }
0x394: {  	v4 =	vmul.u32 $0x30, v4  }
0x395: {  	v3 =	vand.u32 $0x7, v3  }
0x396: {  	v3 =	vor.u32 v3, v4  }
0x397: {  	v4 =	vperm.xlane v3, v0;
	_ =	sdelay $0x1  }
0x398: {  	v4 =	vadd.s32 v1, v4;
	_ =	sdelay $0x3  }
0x399: {  	v3 =	vperm.xlane v3, v2  }
0x39a: {  	[tilespmem:s1], [sflag:$0x4] =	stream.indirect_vreg.gather [hbm4b:s2+s22], $0x80, v4, vm0, $0xb8;
	[tilespmem:$0x18100] =	vst v63  }
0x39b: {  	v3 =	vadd.s32 v1, v3  }
0x39c: {  	[tilespmem:s17], [sflag:$0x4] =	stream.indirect_vreg.gather [hbm4b:s6+s22], $0x80, v4, vm0, $0xb8;
	[tilespmem:$0x18100] =	vst v63  }
0x39d: {  	_ = 	snop  }
0x39e: {  	[tilespmem:s4], [sflag:$0x4] =	stream.indirect_vreg.gather [hbm4b:s8+s22], $0x80, v4, vm0, $0xb8;
	[tilespmem:$0x18100] =	vst v63  }
0x39f: {  	_ = 	snop  }
0x3a0: {  	[tilespmem:s5], [sflag:$0x4] =	stream.indirect_vreg.gather [hbm4b:s2+s22], $0x80, v3, vm0, $0xb8;
	[tilespmem:$0x18100] =	vst v63  }
0x3a1: {  	_ = 	snop  }
0x3a2: {  	[tilespmem:s9], [sflag:$0x4] =	stream.indirect_vreg.gather [hbm4b:s6+s22], $0x80, v3, vm0, $0xb8;
	[tilespmem:$0x18100] =	vst v63  }
0x3a3: {  	_ = 	snop  }
0x3a4: {  	[tilespmem:s10], [sflag:$0x4] =	stream.indirect_vreg.gather [hbm4b:s8+s22], $0x80, v3, vm0, $0xb8;
	[tilespmem:$0x18100] =	vst v63  }
0x3a5: {  	v3 =	vld [tilespmem:$0xF0];
	_ =	sdelay $0x4  }
0x3a6: {  	v63 =	vshrl.u32 v3, $0x3  }
0x3a7: {  	v4 =	vmul.u32 $0x30, v63  }
0x3a8: {  	v3 =	vand.u32 $0x7, v3  }
0x3a9: {  	v3 =	vor.u32 v3, v4  }
0x3aa: {  	v4 =	vperm.xlane v3, v0;
	_ =	sdelay $0x1  }
0x3ab: {  	v4 =	vadd.s32 v1, v4;
	_ =	sdelay $0x3  }
0x3ac: {  	v3 =	vperm.xlane v3, v2  }
0x3ad: {  	[tilespmem:s11], [sflag:$0x4] =	stream.indirect_vreg.gather [hbm4b:s2+s22], $0x80, v4, vm0, $0xb8;
	[tilespmem:$0x18100] =	vst v63  }
0x3ae: {  	v3 =	vadd.s32 v1, v3  }
0x3af: {  	[tilespmem:s12], [sflag:$0x4] =	stream.indirect_vreg.gather [hbm4b:s6+s22], $0x80, v4, vm0, $0xb8;
	[tilespmem:$0x18100] =	vst v63  }
0x3b0: {  	_ = 	snop  }
0x3b1: {  	[tilespmem:s13], [sflag:$0x4] =	stream.indirect_vreg.gather [hbm4b:s8+s22], $0x80, v4, vm0, $0xb8;
	[tilespmem:$0x18100] =	vst v63  }
0x3b2: {  	_ = 	snop  }
0x3b3: {  	[tilespmem:s14], [sflag:$0x4] =	stream.indirect_vreg.gather [hbm4b:s2+s22], $0x80, v3, vm0, $0xb8;
	[tilespmem:$0x18100] =	vst v63  }
0x3b4: {  	_ = 	snop  }
0x3b5: {  	[tilespmem:s15], [sflag:$0x4] =	stream.indirect_vreg.gather [hbm4b:s6+s22], $0x80, v3, vm0, $0xb8;
	[tilespmem:$0x18100] =	vst v63  }
0x3b6: {  	_ = 	snop  }
0x3b7: {  	[tilespmem:s16], [sflag:$0x4] =	stream.indirect_vreg.gather [hbm4b:s8+s22], $0x80, v3, vm0, $0xb8;
	[tilespmem:$0x18100] =	vst v63  }
0x3b8: {  	_ =	swait.ge [sflag:s7], $0x6000  }
0x3b9: {  	[sflag:s7] =	ssyncset.done $0x0  }
0x3ba: {  	p0 =	por $0x0, $0x0;
	s23 =	simm.s32 $0x100;
	[sflag:s7] =	ssyncadd.s32 $0xFFFFA000  }
.LBB2_26:
0x3bb: {  	s24 =	sshrl.u32 s22, $0x1;
	s25 =	simm.s32 $0x1  }
0x3bc: {  	s24 =	smul.u32 $0x6000, s24;
	s25 =	simm.s32 @!p0 $0x0  }
0x3bd: {  	v5 =	vmov s23;
	s25 =	sshll.u32 s25, $0xB  }
0x3be: {  	s24 =	sor.u32 s25, s24  }
0x3bf: {  	s24 =	sshra.s32 s24, $0x2  }
0x3c0: {  	s24 =	sadd.s32 $0xC200, s24  }
0x3c1: {  	v3 =	vmov s24;
	s24 =	simm.s32 $0x0  }
0x3c2: {  	v4 =	vld.idx.msk [tilespmem:v5+s24+$0x9070 ss:$0x1], $0xffff  }
0x3c3: {  	v7 =	vld.idx.msk [tilespmem:v5+s24+$0x9000 ss:$0x1], $0xffff  }
0x3c4: {  	v12 =	vld.idx.msk [tilespmem:v5+s24+$0x9010 ss:$0x1], $0xffff  }
0x3c5: {  	v17 =	vld.idx.msk [tilespmem:v5+s24+$0x9020 ss:$0x1], $0xffff  }
0x3c6: {  	v6 =	vld.idx.msk [tilespmem:v3+s24+$0xF0 ss:$0x1], $0xffff  }
0x3c7: {  	v8 =	vld.idx.msk [tilespmem:v3+s24+$0xFFFFFF00 ss:$0x1], $0xffff  }
0x3c8: {  	v9 =	vld.idx.msk [tilespmem:v3+s24+$0xFFFFFF80 ss:$0x1], $0xffff  }
0x3c9: {  	v10 =	vld.idx.msk [tilespmem:v3+s24+$0x0 ss:$0x1], $0xffff  }
0x3ca: {  	v11 =	vld.idx.msk [tilespmem:v3+s24+$0x80 ss:$0x1], $0xffff  }
0x3cb: {  	v13 =	vld.idx.msk [tilespmem:v3+s24+$0xFFFFFF10 ss:$0x1], $0xffff  }
0x3cc: {  	v14 =	vld.idx.msk [tilespmem:v3+s24+$0xFFFFFF90 ss:$0x1], $0xffff  }
0x3cd: {  	v15 =	vld.idx.msk [tilespmem:v3+s24+$0x10 ss:$0x1], $0xffff  }
0x3ce: {  	v16 =	vld.idx.msk [tilespmem:v3+s24+$0x90 ss:$0x1], $0xffff  }
0x3cf: {  	v18 =	vld.idx.msk [tilespmem:v3+s24+$0xFFFFFF20 ss:$0x1], $0xffff;
	v6 =	vadd.f32 v6, v4  }
0x3d0: {  	v19 =	vld.idx.msk [tilespmem:v3+s24+$0xFFFFFFA0 ss:$0x1], $0xffff;
	v8 =	vadd.f32 v8, v7  }
0x3d1: {  	v62 =	vld.idx.msk [tilespmem:v3+s24+$0xFFFFFF40 ss:$0x1], $0xffff;
	[tilespmem:v3+s24+$0xF0 ss:$0x1] =	vst.idx.msk $0xffff, v6;
	v6 =	vadd.f32 v9, v7  }
0x3d2: {  	v63 =	vld.idx.msk [tilespmem:v3+s24+$0xD0 ss:$0x1], $0xffff;
	[tilespmem:v3+s24+$0xFFFFFF00 ss:$0x1] =	vst.idx.msk $0xffff, v8;
	v8 =	vadd.f32 v10, v7  }
0x3d3: {  	v9 =	vld.idx.msk [tilespmem:v3+s24+$0x20 ss:$0x1], $0xffff;
	[tilespmem:v3+s24+$0xFFFFFF80 ss:$0x1] =	vst.idx.msk $0xffff, v6;
	v6 =	vadd.f32 v11, v7  }
0x3d4: {  	v10 =	vld.idx.msk [tilespmem:v3+s24+$0xA0 ss:$0x1], $0xffff;
	[tilespmem:v3+s24+$0x0 ss:$0x1] =	vst.idx.msk $0xffff, v8;
	v8 =	vadd.f32 v13, v12  }
0x3d5: {  	v7 =	vld.idx.msk [tilespmem:v5+s24+$0x9030 ss:$0x1], $0xffff;
	[tilespmem:v3+s24+$0x80 ss:$0x1] =	vst.idx.msk $0xffff, v6;
	v6 =	vadd.f32 v14, v12  }
0x3d6: {  	v11 =	vld.idx.msk [tilespmem:v3+s24+$0xFFFFFF30 ss:$0x1], $0xffff;
	[tilespmem:v3+s24+$0xFFFFFF10 ss:$0x1] =	vst.idx.msk $0xffff, v8;
	v8 =	vadd.f32 v15, v12  }
0x3d7: {  	v13 =	vld.idx.msk [tilespmem:v3+s24+$0xFFFFFFB0 ss:$0x1], $0xffff;
	[tilespmem:v3+s24+$0xFFFFFF90 ss:$0x1] =	vst.idx.msk $0xffff, v6;
	v6 =	vadd.f32 v16, v12  }
0x3d8: {  	v14 =	vld.idx.msk [tilespmem:v3+s24+$0x30 ss:$0x1], $0xffff;
	[tilespmem:v3+s24+$0x10 ss:$0x1] =	vst.idx.msk $0xffff, v8;
	v8 =	vadd.f32 v18, v17  }
0x3d9: {  	v15 =	vld.idx.msk [tilespmem:v5+s24+$0x9040 ss:$0x1], $0xffff;
	[tilespmem:v3+s24+$0x90 ss:$0x1] =	vst.idx.msk $0xffff, v6;
	v6 =	vadd.f32 v19, v17  }
0x3da: {  	v12 =	vld.idx.msk [tilespmem:v3+s24+$0xB0 ss:$0x1], $0xffff;
	[tilespmem:v3+s24+$0xFFFFFF20 ss:$0x1] =	vst.idx.msk $0xffff, v8;
	v8 =	vadd.f32 v9, v17  }
0x3db: {  	v9 =	vld.idx.msk [tilespmem:v3+s24+$0xFFFFFFC0 ss:$0x1], $0xffff;
	[tilespmem:v3+s24+$0xFFFFFFA0 ss:$0x1] =	vst.idx.msk $0xffff, v6;
	v6 =	vadd.f32 v10, v17  }
0x3dc: {  	v10 =	vld.idx.msk [tilespmem:v3+s24+$0x40 ss:$0x1], $0xffff;
	[tilespmem:v3+s24+$0x20 ss:$0x1] =	vst.idx.msk $0xffff, v8;
	v8 =	vadd.f32 v11, v7  }
0x3dd: {  	v11 =	vld.idx.msk [tilespmem:v3+s24+$0xC0 ss:$0x1], $0xffff;
	[tilespmem:v3+s24+$0xA0 ss:$0x1] =	vst.idx.msk $0xffff, v6;
	v6 =	vadd.f32 v13, v7  }
0x3de: {  	v13 =	vld.idx.msk [tilespmem:v5+s24+$0x9050 ss:$0x1], $0xffff;
	[tilespmem:v3+s24+$0xFFFFFF30 ss:$0x1] =	vst.idx.msk $0xffff, v8;
	v8 =	vadd.f32 v14, v7  }
0x3df: {  	v14 =	vld.idx.msk [tilespmem:v3+s24+$0xFFFFFF50 ss:$0x1], $0xffff;
	[tilespmem:v3+s24+$0xFFFFFFB0 ss:$0x1] =	vst.idx.msk $0xffff, v6;
	v6 =	vadd.f32 v12, v7  }
0x3e0: {  	v7 =	vld.idx.msk [tilespmem:v3+s24+$0xFFFFFFD0 ss:$0x1], $0xffff;
	[tilespmem:v3+s24+$0x30 ss:$0x1] =	vst.idx.msk $0xffff, v8;
	v8 =	vadd.f32 v62, v15  }
0x3e1: {  	v12 =	vld.idx.msk [tilespmem:v3+s24+$0x50 ss:$0x1], $0xffff;
	v9 =	vadd.f32 v9, v15;
	[tilespmem:v3+s24+$0xB0 ss:$0x1] =	vst.idx.msk $0xffff, v6  }
0x3e2: {  	v6 =	vld.idx.msk [tilespmem:v5+s24+$0x9060 ss:$0x1], $0xffff;
	[tilespmem:v3+s24+$0xFFFFFF40 ss:$0x1] =	vst.idx.msk $0xffff, v8;
	v8 =	vadd.f32 v10, v15  }
0x3e3: {  	[tilespmem:v3+s24+$0xFFFFFFC0 ss:$0x1] =	vst.idx.msk $0xffff, v9;
	v9 =	vadd.f32 v11, v15;
	v11 =	vld.idx.msk [tilespmem:v3+s24+$0xFFFFFF60 ss:$0x1], $0xffff  }
0x3e4: {  	v10 =	vadd.f32 v14, v13;
	[tilespmem:v3+s24+$0x40 ss:$0x1] =	vst.idx.msk $0xffff, v8;
	v8 =	vld.idx.msk [tilespmem:v3+s24+$0xFFFFFFE0 ss:$0x1], $0xffff  }
0x3e5: {  	v14 =	vadd.f32 v7, v13;
	v7 =	vld.idx.msk [tilespmem:v3+s24+$0x60 ss:$0x1], $0xffff;
	[tilespmem:v3+s24+$0xC0 ss:$0x1] =	vst.idx.msk $0xffff, v9  }
0x3e6: {  	v12 =	vadd.f32 v12, v13;
	[tilespmem:v3+s24+$0xFFFFFF50 ss:$0x1] =	vst.idx.msk $0xffff, v10;
	v9 =	vld.idx.msk [tilespmem:v3+s24+$0xE0 ss:$0x1], $0xffff  }
0x3e7: {  	v13 =	vadd.f32 v63, v13;
	v10 =	vld.idx.msk [tilespmem:v3+s24+$0xFFFFFF70 ss:$0x1], $0xffff;
	[tilespmem:v3+s24+$0xFFFFFFD0 ss:$0x1] =	vst.idx.msk $0xffff, v14  }
0x3e8: {  	s26 =	simm.s32 $0x1000;
	s25 =	simm.s32 $0x0;
	[tilespmem:v3+s24+$0x50 ss:$0x1] =	vst.idx.msk $0xffff, v12;
	v12 =	vld.idx.msk [tilespmem:v3+s24+$0xFFFFFFF0 ss:$0x1], $0xffff  }
.LBB2_27:
0x3e9: {  	s28 =	sshra.s32 s26, $0x2;
	[tilespmem:v3+s24+$0xD0 ss:$0x1] =	vst.idx.msk $0xffff, v13;
	v11 =	vadd.f32 v11, v6;
	v13 =	vld.idx.msk [tilespmem:v3+s24+$0x70 ss:$0x1], $0xffff  }
0x3ea: {  	s25 =	sadd.s32 $0x80, s25;
	v8 =	vadd.f32 v8, v6;
	v14 =	vld.idx.msk [tilespmem:v5+s28+$0x9070 ss:$0x1], $0xffff  }
0x3eb: {  	p1 =	slt.u32 s25, $0x280;
	v7 =	vadd.f32 v7, v6;
	v15 =	vld.idx.msk [tilespmem:v3+s28+$0xF0 ss:$0x1], $0xffff;
	[tilespmem:v3+s24+$0xFFFFFF60 ss:$0x1] =	vst.idx.msk $0xffff, v11  }
0x3ec: {  	v6 =	vadd.f32 v9, v6;
	v11 =	vld.idx.msk [tilespmem:v5+s28+$0x9000 ss:$0x1], $0xffff;
	[tilespmem:v3+s24+$0xFFFFFFE0 ss:$0x1] =	vst.idx.msk $0xffff, v8  }
0x3ed: {  	v8 =	vld.idx.msk [tilespmem:v3+s28+$0xFFFFFF00 ss:$0x1], $0xffff;
	[tilespmem:v3+s24+$0x60 ss:$0x1] =	vst.idx.msk $0xffff, v7;
	v7 =	vadd.f32 v10, v4  }
0x3ee: {  	v9 =	vld.idx.msk [tilespmem:v3+s28+$0xFFFFFF80 ss:$0x1], $0xffff;
	[tilespmem:v3+s24+$0xE0 ss:$0x1] =	vst.idx.msk $0xffff, v6;
	v6 =	vadd.f32 v12, v4  }
0x3ef: {  	v10 =	vld.idx.msk [tilespmem:v3+s28+$0x0 ss:$0x1], $0xffff;
	[tilespmem:v3+s24+$0xFFFFFF70 ss:$0x1] =	vst.idx.msk $0xffff, v7;
	v7 =	vadd.f32 v13, v4  }
0x3f0: {  	v4 =	vmov v14;
	v12 =	vld.idx.msk [tilespmem:v3+s28+$0x80 ss:$0x1], $0xffff;
	[tilespmem:v3+s24+$0xFFFFFFF0 ss:$0x1] =	vst.idx.msk $0xffff, v6  }
0x3f1: {  	v13 =	vadd.f32 v15, v4;
	v6 =	vld.idx.msk [tilespmem:v5+s28+$0x9010 ss:$0x1], $0xffff;
	[tilespmem:v3+s24+$0x70 ss:$0x1] =	vst.idx.msk $0xffff, v7;
	s24 =	smov.u32 s28  }
0x3f2: {  	v7 =	vld.idx.msk [tilespmem:v3+s24+$0xFFFFFF10 ss:$0x1], $0xffff  }
0x3f3: {  	v8 =	vadd.f32 v8, v11;
	v14 =	vld.idx.msk [tilespmem:v3+s24+$0xFFFFFF90 ss:$0x1], $0xffff;
	[tilespmem:v3+s24+$0xF0 ss:$0x1] =	vst.idx.msk $0xffff, v13  }
0x3f4: {  	v9 =	vadd.f32 v9, v11;
	v13 =	vld.idx.msk [tilespmem:v3+s24+$0x10 ss:$0x1], $0xffff  }
0x3f5: {  	[tilespmem:v3+s24+$0xFFFFFF00 ss:$0x1] =	vst.idx.msk $0xffff, v8;
	v8 =	vadd.f32 v10, v11;
	v10 =	vld.idx.msk [tilespmem:v3+s24+$0x90 ss:$0x1], $0xffff  }
0x3f6: {  	[tilespmem:v3+s24+$0xFFFFFF80 ss:$0x1] =	vst.idx.msk $0xffff, v9;
	v9 =	vadd.f32 v12, v11;
	v11 =	vld.idx.msk [tilespmem:v5+s24+$0x9020 ss:$0x1], $0xffff  }
0x3f7: {  	[tilespmem:v3+s24+$0x0 ss:$0x1] =	vst.idx.msk $0xffff, v8;
	v8 =	vld.idx.msk [tilespmem:v3+s24+$0xFFFFFF20 ss:$0x1], $0xffff  }
0x3f8: {  	v7 =	vadd.f32 v7, v6;
	[tilespmem:v3+s24+$0x80 ss:$0x1] =	vst.idx.msk $0xffff, v9;
	v9 =	vld.idx.msk [tilespmem:v3+s24+$0xFFFFFFA0 ss:$0x1], $0xffff  }
0x3f9: {  	v12 =	vadd.f32 v14, v6;
	v14 =	vld.idx.msk [tilespmem:v3+s24+$0x20 ss:$0x1], $0xffff  }
0x3fa: {  	[tilespmem:v3+s24+$0xFFFFFF10 ss:$0x1] =	vst.idx.msk $0xffff, v7;
	v7 =	vadd.f32 v13, v6;
	v13 =	vld.idx.msk [tilespmem:v3+s24+$0xA0 ss:$0x1], $0xffff  }
0x3fb: {  	v6 =	vadd.f32 v10, v6;
	[tilespmem:v3+s24+$0xFFFFFF90 ss:$0x1] =	vst.idx.msk $0xffff, v12;
	v10 =	vld.idx.msk [tilespmem:v5+s24+$0x9030 ss:$0x1], $0xffff  }
0x3fc: {  	[tilespmem:v3+s24+$0x10 ss:$0x1] =	vst.idx.msk $0xffff, v7;
	v7 =	vld.idx.msk [tilespmem:v3+s24+$0xFFFFFF30 ss:$0x1], $0xffff  }
0x3fd: {  	[tilespmem:v3+s24+$0x90 ss:$0x1] =	vst.idx.msk $0xffff, v6;
	v6 =	vadd.f32 v8, v11;
	v8 =	vld.idx.msk [tilespmem:v3+s24+$0xFFFFFFB0 ss:$0x1], $0xffff  }
0x3fe: {  	v9 =	vadd.f32 v9, v11;
	v12 =	vld.idx.msk [tilespmem:v3+s24+$0x30 ss:$0x1], $0xffff  }
0x3ff: {  	[tilespmem:v3+s24+$0xFFFFFF20 ss:$0x1] =	vst.idx.msk $0xffff, v6;
	v6 =	vadd.f32 v14, v11;
	v14 =	vld.idx.msk [tilespmem:v3+s24+$0xB0 ss:$0x1], $0xffff  }
0x400: {  	[tilespmem:v3+s24+$0xFFFFFFA0 ss:$0x1] =	vst.idx.msk $0xffff, v9;
	v9 =	vadd.f32 v13, v11;
	v11 =	vld.idx.msk [tilespmem:v5+s24+$0x9040 ss:$0x1], $0xffff  }
0x401: {  	[tilespmem:v3+s24+$0x20 ss:$0x1] =	vst.idx.msk $0xffff, v6;
	v6 =	vld.idx.msk [tilespmem:v3+s24+$0xFFFFFF40 ss:$0x1], $0xffff  }
0x402: {  	v7 =	vadd.f32 v7, v10;
	[tilespmem:v3+s24+$0xA0 ss:$0x1] =	vst.idx.msk $0xffff, v9;
	v9 =	vld.idx.msk [tilespmem:v3+s24+$0xFFFFFFC0 ss:$0x1], $0xffff  }
0x403: {  	v8 =	vadd.f32 v8, v10;
	v13 =	vld.idx.msk [tilespmem:v3+s24+$0x40 ss:$0x1], $0xffff  }
0x404: {  	[tilespmem:v3+s24+$0xFFFFFF30 ss:$0x1] =	vst.idx.msk $0xffff, v7;
	v7 =	vadd.f32 v12, v10;
	v12 =	vld.idx.msk [tilespmem:v3+s24+$0xC0 ss:$0x1], $0xffff  }
0x405: {  	[tilespmem:v3+s24+$0xFFFFFFB0 ss:$0x1] =	vst.idx.msk $0xffff, v8;
	v8 =	vadd.f32 v14, v10;
	v10 =	vld.idx.msk [tilespmem:v5+s24+$0x9050 ss:$0x1], $0xffff  }
0x406: {  	[tilespmem:v3+s24+$0x30 ss:$0x1] =	vst.idx.msk $0xffff, v7;
	v7 =	vld.idx.msk [tilespmem:v3+s24+$0xFFFFFF50 ss:$0x1], $0xffff  }
0x407: {  	v6 =	vadd.f32 v6, v11;
	[tilespmem:v3+s24+$0xB0 ss:$0x1] =	vst.idx.msk $0xffff, v8;
	v14 =	vld.idx.msk [tilespmem:v3+s24+$0xFFFFFFD0 ss:$0x1], $0xffff  }
0x408: {  	v8 =	vadd.f32 v9, v11;
	v9 =	vld.idx.msk [tilespmem:v3+s24+$0x50 ss:$0x1], $0xffff  }
0x409: {  	v13 =	vadd.f32 v13, v11;
	[tilespmem:v3+s24+$0xFFFFFF40 ss:$0x1] =	vst.idx.msk $0xffff, v6;
	v15 =	vld.idx.msk [tilespmem:v3+s24+$0xD0 ss:$0x1], $0xffff  }
0x40a: {  	[tilespmem:v3+s24+$0xFFFFFFC0 ss:$0x1] =	vst.idx.msk $0xffff, v8;
	v8 =	vadd.f32 v12, v11;
	v6 =	vld.idx.msk [tilespmem:v5+s24+$0x9060 ss:$0x1], $0xffff  }
0x40b: {  	[tilespmem:v3+s24+$0x40 ss:$0x1] =	vst.idx.msk $0xffff, v13;
	v11 =	vld.idx.msk [tilespmem:v3+s24+$0xFFFFFF60 ss:$0x1], $0xffff  }
.Ltmp12:
0x40c: {  	v12 =	vadd.f32 v7, v10;
	[tilespmem:v3+s24+$0xC0 ss:$0x1] =	vst.idx.msk $0xffff, v8;
	v8 =	vld.idx.msk [tilespmem:v3+s24+$0xFFFFFFE0 ss:$0x1], $0xffff;
	(pc) =	sbr.rel @p1 .LBB2_27-.Ltmp12, $4  }
0x40d: {  	v13 =	vadd.f32 v14, v10;
	v7 =	vld.idx.msk [tilespmem:v3+s24+$0x60 ss:$0x1], $0xffff  }
0x40e: {  	[tilespmem:v3+s24+$0xFFFFFF50 ss:$0x1] =	vst.idx.msk $0xffff, v12;
	v12 =	vadd.f32 v9, v10;
	v9 =	vld.idx.msk [tilespmem:v3+s24+$0xE0 ss:$0x1], $0xffff  }
0x40f: {  	[tilespmem:v3+s24+$0xFFFFFFD0 ss:$0x1] =	vst.idx.msk $0xffff, v13;
	v13 =	vadd.f32 v15, v10;
	v10 =	vld.idx.msk [tilespmem:v3+s24+$0xFFFFFF70 ss:$0x1], $0xffff  }
0x410: {  	s26 =	sadd.s32 $0x1000, s26;
	[tilespmem:v3+s24+$0x50 ss:$0x1] =	vst.idx.msk $0xffff, v12;
	v12 =	vld.idx.msk [tilespmem:v3+s24+$0xFFFFFFF0 ss:$0x1], $0xffff  }
0x411: {  	_ =	sdelay $0x2  }
0x412: {  	v5 =	vadd.f32 v11, v6  }
0x413: {  	[tilespmem:v3+s24+$0xD0 ss:$0x1] =	vst.idx.msk $0xffff, v13;
	v58 =	vld.idx.msk [tilespmem:v3+s24+$0x70 ss:$0x1], $0xffff;
	v8 =	vadd.f32 v8, v6  }
0x414: {  	s22 =	sadd.s32 $0x1, s22;
	v59 =	vadd.f32 v7, v6;
	[tilespmem:v3+s24+$0xFFFFFF60 ss:$0x1] =	vst.idx.msk $0xffff, v5  }
0x415: {  	p1 =	sne.s32 s22, $0x8;
	v60 =	vadd.f32 v9, v6;
	[tilespmem:v3+s24+$0xFFFFFFE0 ss:$0x1] =	vst.idx.msk $0xffff, v8  }
.Ltmp13:
0x416: {  	v61 =	vadd.f32 v10, v4;
	[tilespmem:v3+s24+$0x60 ss:$0x1] =	vst.idx.msk $0xffff, v59;
	(pc) =	sbr.rel @p1 .LBB2_26-.Ltmp13, $4  }
0x417: {  	v62 =	vadd.f32 v12, v4;
	[tilespmem:v3+s24+$0xE0 ss:$0x1] =	vst.idx.msk $0xffff, v60  }
0x418: {  	[tilespmem:v3+s24+$0xFFFFFF70 ss:$0x1] =	vst.idx.msk $0xffff, v61;
	v63 =	vadd.f32 v58, v4  }
0x419: {  	[tilespmem:v3+s24+$0xFFFFFFF0 ss:$0x1] =	vst.idx.msk $0xffff, v62  }
0x41a: {  	s23 =	sadd.s32 $0x80, s23;
	p0 =	por !p0, !p0;
	[tilespmem:v3+s24+$0x70 ss:$0x1] =	vst.idx.msk $0xffff, v63  }
0x41b: {  	s22 =	simm.s32 $0x0;
	s23 =	rddreg [dreg:$0xc]  }
0x41c: {  	[hbm4b:s23+s22] =	stream.linear.scatter [tilespmem:s19], [sflag:$0x5], $0x6000, $0x38;
	[tilespmem:$0x18100] =	vst v63  }
0x41d: {  	_ =	swait.ge [sflag:s0], $0x6000  }
0x41e: {  	[sflag:s0] =	ssyncset.done $0x0  }
0x41f: {  	p0 =	por $0x0, $0x0;
	s23 =	simm.s32 $0x100;
	[sflag:s0] =	ssyncadd.s32 $0xFFFFA000  }
.LBB2_30:
0x420: {  	s24 =	sshrl.u32 s22, $0x1;
	s25 =	simm.s32 $0x1  }
0x421: {  	s24 =	smul.u32 $0x6000, s24;
	s25 =	simm.s32 @!p0 $0x0  }
0x422: {  	v5 =	vmov s23;
	s25 =	sshll.u32 s25, $0xB  }
0x423: {  	s24 =	sor.u32 s25, s24  }
0x424: {  	s24 =	sshra.s32 s24, $0x2  }
0x425: {  	s24 =	sadd.s32 $0x12200, s24  }
0x426: {  	v3 =	vmov s24;
	s24 =	simm.s32 $0x0  }
0x427: {  	v4 =	vld.idx.msk [tilespmem:v5+s24+$0xA870 ss:$0x1], $0xffff  }
0x428: {  	v7 =	vld.idx.msk [tilespmem:v5+s24+$0xA800 ss:$0x1], $0xffff  }
0x429: {  	v12 =	vld.idx.msk [tilespmem:v5+s24+$0xA810 ss:$0x1], $0xffff  }
0x42a: {  	v17 =	vld.idx.msk [tilespmem:v5+s24+$0xA820 ss:$0x1], $0xffff  }
0x42b: {  	v6 =	vld.idx.msk [tilespmem:v3+s24+$0xF0 ss:$0x1], $0xffff  }
0x42c: {  	v8 =	vld.idx.msk [tilespmem:v3+s24+$0xFFFFFF00 ss:$0x1], $0xffff  }
0x42d: {  	v9 =	vld.idx.msk [tilespmem:v3+s24+$0xFFFFFF80 ss:$0x1], $0xffff  }
0x42e: {  	v10 =	vld.idx.msk [tilespmem:v3+s24+$0x0 ss:$0x1], $0xffff  }
0x42f: {  	v11 =	vld.idx.msk [tilespmem:v3+s24+$0x80 ss:$0x1], $0xffff  }
0x430: {  	v13 =	vld.idx.msk [tilespmem:v3+s24+$0xFFFFFF10 ss:$0x1], $0xffff  }
0x431: {  	v14 =	vld.idx.msk [tilespmem:v3+s24+$0xFFFFFF90 ss:$0x1], $0xffff  }
0x432: {  	v15 =	vld.idx.msk [tilespmem:v3+s24+$0x10 ss:$0x1], $0xffff  }
0x433: {  	v16 =	vld.idx.msk [tilespmem:v3+s24+$0x90 ss:$0x1], $0xffff  }
0x434: {  	v18 =	vld.idx.msk [tilespmem:v3+s24+$0xFFFFFF20 ss:$0x1], $0xffff;
	v6 =	vadd.f32 v6, v4  }
0x435: {  	v19 =	vld.idx.msk [tilespmem:v3+s24+$0xFFFFFFA0 ss:$0x1], $0xffff;
	v8 =	vadd.f32 v8, v7  }
0x436: {  	v62 =	vld.idx.msk [tilespmem:v3+s24+$0xFFFFFF40 ss:$0x1], $0xffff;
	[tilespmem:v3+s24+$0xF0 ss:$0x1] =	vst.idx.msk $0xffff, v6;
	v6 =	vadd.f32 v9, v7  }
0x437: {  	v63 =	vld.idx.msk [tilespmem:v3+s24+$0xD0 ss:$0x1], $0xffff;
	[tilespmem:v3+s24+$0xFFFFFF00 ss:$0x1] =	vst.idx.msk $0xffff, v8;
	v8 =	vadd.f32 v10, v7  }
0x438: {  	v9 =	vld.idx.msk [tilespmem:v3+s24+$0x20 ss:$0x1], $0xffff;
	[tilespmem:v3+s24+$0xFFFFFF80 ss:$0x1] =	vst.idx.msk $0xffff, v6;
	v6 =	vadd.f32 v11, v7  }
0x439: {  	v10 =	vld.idx.msk [tilespmem:v3+s24+$0xA0 ss:$0x1], $0xffff;
	[tilespmem:v3+s24+$0x0 ss:$0x1] =	vst.idx.msk $0xffff, v8;
	v8 =	vadd.f32 v13, v12  }
0x43a: {  	v7 =	vld.idx.msk [tilespmem:v5+s24+$0xA830 ss:$0x1], $0xffff;
	[tilespmem:v3+s24+$0x80 ss:$0x1] =	vst.idx.msk $0xffff, v6;
	v6 =	vadd.f32 v14, v12  }
0x43b: {  	v11 =	vld.idx.msk [tilespmem:v3+s24+$0xFFFFFF30 ss:$0x1], $0xffff;
	[tilespmem:v3+s24+$0xFFFFFF10 ss:$0x1] =	vst.idx.msk $0xffff, v8;
	v8 =	vadd.f32 v15, v12  }
0x43c: {  	v13 =	vld.idx.msk [tilespmem:v3+s24+$0xFFFFFFB0 ss:$0x1], $0xffff;
	[tilespmem:v3+s24+$0xFFFFFF90 ss:$0x1] =	vst.idx.msk $0xffff, v6;
	v6 =	vadd.f32 v16, v12  }
0x43d: {  	v14 =	vld.idx.msk [tilespmem:v3+s24+$0x30 ss:$0x1], $0xffff;
	[tilespmem:v3+s24+$0x10 ss:$0x1] =	vst.idx.msk $0xffff, v8;
	v8 =	vadd.f32 v18, v17  }
0x43e: {  	v15 =	vld.idx.msk [tilespmem:v5+s24+$0xA840 ss:$0x1], $0xffff;
	[tilespmem:v3+s24+$0x90 ss:$0x1] =	vst.idx.msk $0xffff, v6;
	v6 =	vadd.f32 v19, v17  }
0x43f: {  	v12 =	vld.idx.msk [tilespmem:v3+s24+$0xB0 ss:$0x1], $0xffff;
	[tilespmem:v3+s24+$0xFFFFFF20 ss:$0x1] =	vst.idx.msk $0xffff, v8;
	v8 =	vadd.f32 v9, v17  }
0x440: {  	v9 =	vld.idx.msk [tilespmem:v3+s24+$0xFFFFFFC0 ss:$0x1], $0xffff;
	[tilespmem:v3+s24+$0xFFFFFFA0 ss:$0x1] =	vst.idx.msk $0xffff, v6;
	v6 =	vadd.f32 v10, v17  }
0x441: {  	v10 =	vld.idx.msk [tilespmem:v3+s24+$0x40 ss:$0x1], $0xffff;
	[tilespmem:v3+s24+$0x20 ss:$0x1] =	vst.idx.msk $0xffff, v8;
	v8 =	vadd.f32 v11, v7  }
0x442: {  	v11 =	vld.idx.msk [tilespmem:v3+s24+$0xC0 ss:$0x1], $0xffff;
	[tilespmem:v3+s24+$0xA0 ss:$0x1] =	vst.idx.msk $0xffff, v6;
	v6 =	vadd.f32 v13, v7  }
0x443: {  	v13 =	vld.idx.msk [tilespmem:v5+s24+$0xA850 ss:$0x1], $0xffff;
	[tilespmem:v3+s24+$0xFFFFFF30 ss:$0x1] =	vst.idx.msk $0xffff, v8;
	v8 =	vadd.f32 v14, v7  }
0x444: {  	v14 =	vld.idx.msk [tilespmem:v3+s24+$0xFFFFFF50 ss:$0x1], $0xffff;
	[tilespmem:v3+s24+$0xFFFFFFB0 ss:$0x1] =	vst.idx.msk $0xffff, v6;
	v6 =	vadd.f32 v12, v7  }
0x445: {  	v7 =	vld.idx.msk [tilespmem:v3+s24+$0xFFFFFFD0 ss:$0x1], $0xffff;
	[tilespmem:v3+s24+$0x30 ss:$0x1] =	vst.idx.msk $0xffff, v8;
	v8 =	vadd.f32 v62, v15  }
0x446: {  	v12 =	vld.idx.msk [tilespmem:v3+s24+$0x50 ss:$0x1], $0xffff;
	v9 =	vadd.f32 v9, v15;
	[tilespmem:v3+s24+$0xB0 ss:$0x1] =	vst.idx.msk $0xffff, v6  }
0x447: {  	v6 =	vld.idx.msk [tilespmem:v5+s24+$0xA860 ss:$0x1], $0xffff;
	[tilespmem:v3+s24+$0xFFFFFF40 ss:$0x1] =	vst.idx.msk $0xffff, v8;
	v8 =	vadd.f32 v10, v15  }
0x448: {  	[tilespmem:v3+s24+$0xFFFFFFC0 ss:$0x1] =	vst.idx.msk $0xffff, v9;
	v9 =	vadd.f32 v11, v15;
	v11 =	vld.idx.msk [tilespmem:v3+s24+$0xFFFFFF60 ss:$0x1], $0xffff  }
0x449: {  	v10 =	vadd.f32 v14, v13;
	[tilespmem:v3+s24+$0x40 ss:$0x1] =	vst.idx.msk $0xffff, v8;
	v8 =	vld.idx.msk [tilespmem:v3+s24+$0xFFFFFFE0 ss:$0x1], $0xffff  }
0x44a: {  	v14 =	vadd.f32 v7, v13;
	v7 =	vld.idx.msk [tilespmem:v3+s24+$0x60 ss:$0x1], $0xffff;
	[tilespmem:v3+s24+$0xC0 ss:$0x1] =	vst.idx.msk $0xffff, v9  }
0x44b: {  	v12 =	vadd.f32 v12, v13;
	[tilespmem:v3+s24+$0xFFFFFF50 ss:$0x1] =	vst.idx.msk $0xffff, v10;
	v9 =	vld.idx.msk [tilespmem:v3+s24+$0xE0 ss:$0x1], $0xffff  }
0x44c: {  	v13 =	vadd.f32 v63, v13;
	v10 =	vld.idx.msk [tilespmem:v3+s24+$0xFFFFFF70 ss:$0x1], $0xffff;
	[tilespmem:v3+s24+$0xFFFFFFD0 ss:$0x1] =	vst.idx.msk $0xffff, v14  }
0x44d: {  	s26 =	simm.s32 $0x1000;
	s25 =	simm.s32 $0x0;
	[tilespmem:v3+s24+$0x50 ss:$0x1] =	vst.idx.msk $0xffff, v12;
	v12 =	vld.idx.msk [tilespmem:v3+s24+$0xFFFFFFF0 ss:$0x1], $0xffff  }
.LBB2_31:
0x44e: {  	s28 =	sshra.s32 s26, $0x2;
	[tilespmem:v3+s24+$0xD0 ss:$0x1] =	vst.idx.msk $0xffff, v13;
	v11 =	vadd.f32 v11, v6;
	v13 =	vld.idx.msk [tilespmem:v3+s24+$0x70 ss:$0x1], $0xffff  }
0x44f: {  	s25 =	sadd.s32 $0x80, s25;
	v8 =	vadd.f32 v8, v6;
	v14 =	vld.idx.msk [tilespmem:v5+s28+$0xA870 ss:$0x1], $0xffff  }
0x450: {  	p1 =	slt.u32 s25, $0x280;
	v7 =	vadd.f32 v7, v6;
	v15 =	vld.idx.msk [tilespmem:v3+s28+$0xF0 ss:$0x1], $0xffff;
	[tilespmem:v3+s24+$0xFFFFFF60 ss:$0x1] =	vst.idx.msk $0xffff, v11  }
0x451: {  	v6 =	vadd.f32 v9, v6;
	v11 =	vld.idx.msk [tilespmem:v5+s28+$0xA800 ss:$0x1], $0xffff;
	[tilespmem:v3+s24+$0xFFFFFFE0 ss:$0x1] =	vst.idx.msk $0xffff, v8  }
0x452: {  	v8 =	vld.idx.msk [tilespmem:v3+s28+$0xFFFFFF00 ss:$0x1], $0xffff;
	[tilespmem:v3+s24+$0x60 ss:$0x1] =	vst.idx.msk $0xffff, v7;
	v7 =	vadd.f32 v10, v4  }
0x453: {  	v9 =	vld.idx.msk [tilespmem:v3+s28+$0xFFFFFF80 ss:$0x1], $0xffff;
	[tilespmem:v3+s24+$0xE0 ss:$0x1] =	vst.idx.msk $0xffff, v6;
	v6 =	vadd.f32 v12, v4  }
0x454: {  	v10 =	vld.idx.msk [tilespmem:v3+s28+$0x0 ss:$0x1], $0xffff;
	[tilespmem:v3+s24+$0xFFFFFF70 ss:$0x1] =	vst.idx.msk $0xffff, v7;
	v7 =	vadd.f32 v13, v4  }
0x455: {  	v4 =	vmov v14;
	v12 =	vld.idx.msk [tilespmem:v3+s28+$0x80 ss:$0x1], $0xffff;
	[tilespmem:v3+s24+$0xFFFFFFF0 ss:$0x1] =	vst.idx.msk $0xffff, v6  }
0x456: {  	v13 =	vadd.f32 v15, v4;
	v6 =	vld.idx.msk [tilespmem:v5+s28+$0xA810 ss:$0x1], $0xffff;
	[tilespmem:v3+s24+$0x70 ss:$0x1] =	vst.idx.msk $0xffff, v7;
	s24 =	smov.u32 s28  }
0x457: {  	v7 =	vld.idx.msk [tilespmem:v3+s24+$0xFFFFFF10 ss:$0x1], $0xffff  }
0x458: {  	v8 =	vadd.f32 v8, v11;
	v14 =	vld.idx.msk [tilespmem:v3+s24+$0xFFFFFF90 ss:$0x1], $0xffff;
	[tilespmem:v3+s24+$0xF0 ss:$0x1] =	vst.idx.msk $0xffff, v13  }
0x459: {  	v9 =	vadd.f32 v9, v11;
	v13 =	vld.idx.msk [tilespmem:v3+s24+$0x10 ss:$0x1], $0xffff  }
0x45a: {  	[tilespmem:v3+s24+$0xFFFFFF00 ss:$0x1] =	vst.idx.msk $0xffff, v8;
	v8 =	vadd.f32 v10, v11;
	v10 =	vld.idx.msk [tilespmem:v3+s24+$0x90 ss:$0x1], $0xffff  }
0x45b: {  	[tilespmem:v3+s24+$0xFFFFFF80 ss:$0x1] =	vst.idx.msk $0xffff, v9;
	v9 =	vadd.f32 v12, v11;
	v11 =	vld.idx.msk [tilespmem:v5+s24+$0xA820 ss:$0x1], $0xffff  }
0x45c: {  	[tilespmem:v3+s24+$0x0 ss:$0x1] =	vst.idx.msk $0xffff, v8;
	v8 =	vld.idx.msk [tilespmem:v3+s24+$0xFFFFFF20 ss:$0x1], $0xffff  }
0x45d: {  	v7 =	vadd.f32 v7, v6;
	[tilespmem:v3+s24+$0x80 ss:$0x1] =	vst.idx.msk $0xffff, v9;
	v9 =	vld.idx.msk [tilespmem:v3+s24+$0xFFFFFFA0 ss:$0x1], $0xffff  }
0x45e: {  	v12 =	vadd.f32 v14, v6;
	v14 =	vld.idx.msk [tilespmem:v3+s24+$0x20 ss:$0x1], $0xffff  }
0x45f: {  	[tilespmem:v3+s24+$0xFFFFFF10 ss:$0x1] =	vst.idx.msk $0xffff, v7;
	v7 =	vadd.f32 v13, v6;
	v13 =	vld.idx.msk [tilespmem:v3+s24+$0xA0 ss:$0x1], $0xffff  }
0x460: {  	v6 =	vadd.f32 v10, v6;
	[tilespmem:v3+s24+$0xFFFFFF90 ss:$0x1] =	vst.idx.msk $0xffff, v12;
	v10 =	vld.idx.msk [tilespmem:v5+s24+$0xA830 ss:$0x1], $0xffff  }
0x461: {  	[tilespmem:v3+s24+$0x10 ss:$0x1] =	vst.idx.msk $0xffff, v7;
	v7 =	vld.idx.msk [tilespmem:v3+s24+$0xFFFFFF30 ss:$0x1], $0xffff  }
0x462: {  	[tilespmem:v3+s24+$0x90 ss:$0x1] =	vst.idx.msk $0xffff, v6;
	v6 =	vadd.f32 v8, v11;
	v8 =	vld.idx.msk [tilespmem:v3+s24+$0xFFFFFFB0 ss:$0x1], $0xffff  }
0x463: {  	v9 =	vadd.f32 v9, v11;
	v12 =	vld.idx.msk [tilespmem:v3+s24+$0x30 ss:$0x1], $0xffff  }
0x464: {  	[tilespmem:v3+s24+$0xFFFFFF20 ss:$0x1] =	vst.idx.msk $0xffff, v6;
	v6 =	vadd.f32 v14, v11;
	v14 =	vld.idx.msk [tilespmem:v3+s24+$0xB0 ss:$0x1], $0xffff  }
0x465: {  	[tilespmem:v3+s24+$0xFFFFFFA0 ss:$0x1] =	vst.idx.msk $0xffff, v9;
	v9 =	vadd.f32 v13, v11;
	v11 =	vld.idx.msk [tilespmem:v5+s24+$0xA840 ss:$0x1], $0xffff  }
0x466: {  	[tilespmem:v3+s24+$0x20 ss:$0x1] =	vst.idx.msk $0xffff, v6;
	v6 =	vld.idx.msk [tilespmem:v3+s24+$0xFFFFFF40 ss:$0x1], $0xffff  }
0x467: {  	v7 =	vadd.f32 v7, v10;
	[tilespmem:v3+s24+$0xA0 ss:$0x1] =	vst.idx.msk $0xffff, v9;
	v9 =	vld.idx.msk [tilespmem:v3+s24+$0xFFFFFFC0 ss:$0x1], $0xffff  }
0x468: {  	v8 =	vadd.f32 v8, v10;
	v13 =	vld.idx.msk [tilespmem:v3+s24+$0x40 ss:$0x1], $0xffff  }
0x469: {  	[tilespmem:v3+s24+$0xFFFFFF30 ss:$0x1] =	vst.idx.msk $0xffff, v7;
	v7 =	vadd.f32 v12, v10;
	v12 =	vld.idx.msk [tilespmem:v3+s24+$0xC0 ss:$0x1], $0xffff  }
0x46a: {  	[tilespmem:v3+s24+$0xFFFFFFB0 ss:$0x1] =	vst.idx.msk $0xffff, v8;
	v8 =	vadd.f32 v14, v10;
	v10 =	vld.idx.msk [tilespmem:v5+s24+$0xA850 ss:$0x1], $0xffff  }
0x46b: {  	[tilespmem:v3+s24+$0x30 ss:$0x1] =	vst.idx.msk $0xffff, v7;
	v7 =	vld.idx.msk [tilespmem:v3+s24+$0xFFFFFF50 ss:$0x1], $0xffff  }
0x46c: {  	v6 =	vadd.f32 v6, v11;
	[tilespmem:v3+s24+$0xB0 ss:$0x1] =	vst.idx.msk $0xffff, v8;
	v14 =	vld.idx.msk [tilespmem:v3+s24+$0xFFFFFFD0 ss:$0x1], $0xffff  }
0x46d: {  	v8 =	vadd.f32 v9, v11;
	v9 =	vld.idx.msk [tilespmem:v3+s24+$0x50 ss:$0x1], $0xffff  }
0x46e: {  	v13 =	vadd.f32 v13, v11;
	[tilespmem:v3+s24+$0xFFFFFF40 ss:$0x1] =	vst.idx.msk $0xffff, v6;
	v15 =	vld.idx.msk [tilespmem:v3+s24+$0xD0 ss:$0x1], $0xffff  }
0x46f: {  	[tilespmem:v3+s24+$0xFFFFFFC0 ss:$0x1] =	vst.idx.msk $0xffff, v8;
	v8 =	vadd.f32 v12, v11;
	v6 =	vld.idx.msk [tilespmem:v5+s24+$0xA860 ss:$0x1], $0xffff  }
0x470: {  	[tilespmem:v3+s24+$0x40 ss:$0x1] =	vst.idx.msk $0xffff, v13;
	v11 =	vld.idx.msk [tilespmem:v3+s24+$0xFFFFFF60 ss:$0x1], $0xffff  }
.Ltmp14:
0x471: {  	v12 =	vadd.f32 v7, v10;
	[tilespmem:v3+s24+$0xC0 ss:$0x1] =	vst.idx.msk $0xffff, v8;
	v8 =	vld.idx.msk [tilespmem:v3+s24+$0xFFFFFFE0 ss:$0x1], $0xffff;
	(pc) =	sbr.rel @p1 .LBB2_31-.Ltmp14, $4  }
0x472: {  	v13 =	vadd.f32 v14, v10;
	v7 =	vld.idx.msk [tilespmem:v3+s24+$0x60 ss:$0x1], $0xffff  }
0x473: {  	[tilespmem:v3+s24+$0xFFFFFF50 ss:$0x1] =	vst.idx.msk $0xffff, v12;
	v12 =	vadd.f32 v9, v10;
	v9 =	vld.idx.msk [tilespmem:v3+s24+$0xE0 ss:$0x1], $0xffff  }
0x474: {  	[tilespmem:v3+s24+$0xFFFFFFD0 ss:$0x1] =	vst.idx.msk $0xffff, v13;
	v13 =	vadd.f32 v15, v10;
	v10 =	vld.idx.msk [tilespmem:v3+s24+$0xFFFFFF70 ss:$0x1], $0xffff  }
0x475: {  	s26 =	sadd.s32 $0x1000, s26;
	[tilespmem:v3+s24+$0x50 ss:$0x1] =	vst.idx.msk $0xffff, v12;
	v12 =	vld.idx.msk [tilespmem:v3+s24+$0xFFFFFFF0 ss:$0x1], $0xffff  }
0x476: {  	_ =	sdelay $0x2  }
0x477: {  	v5 =	vadd.f32 v11, v6  }
0x478: {  	[tilespmem:v3+s24+$0xD0 ss:$0x1] =	vst.idx.msk $0xffff, v13;
	v58 =	vld.idx.msk [tilespmem:v3+s24+$0x70 ss:$0x1], $0xffff;
	v8 =	vadd.f32 v8, v6  }
0x479: {  	s22 =	sadd.s32 $0x1, s22;
	v59 =	vadd.f32 v7, v6;
	[tilespmem:v3+s24+$0xFFFFFF60 ss:$0x1] =	vst.idx.msk $0xffff, v5  }
0x47a: {  	p1 =	sne.s32 s22, $0x8;
	v60 =	vadd.f32 v9, v6;
	[tilespmem:v3+s24+$0xFFFFFFE0 ss:$0x1] =	vst.idx.msk $0xffff, v8  }
.Ltmp15:
0x47b: {  	v61 =	vadd.f32 v10, v4;
	[tilespmem:v3+s24+$0x60 ss:$0x1] =	vst.idx.msk $0xffff, v59;
	(pc) =	sbr.rel @p1 .LBB2_30-.Ltmp15, $4  }
0x47c: {  	v62 =	vadd.f32 v12, v4;
	[tilespmem:v3+s24+$0xE0 ss:$0x1] =	vst.idx.msk $0xffff, v60  }
0x47d: {  	[tilespmem:v3+s24+$0xFFFFFF70 ss:$0x1] =	vst.idx.msk $0xffff, v61;
	v63 =	vadd.f32 v58, v4  }
0x47e: {  	[tilespmem:v3+s24+$0xFFFFFFF0 ss:$0x1] =	vst.idx.msk $0xffff, v62  }
0x47f: {  	s23 =	sadd.s32 $0x80, s23;
	p0 =	por !p0, !p0;
	[tilespmem:v3+s24+$0x70 ss:$0x1] =	vst.idx.msk $0xffff, v63  }
0x480: {  	s22 =	rddreg [dreg:$0xd]  }
0x481: {  	[hbm4b:s22+s3] =	stream.linear.scatter [tilespmem:s1], [sflag:$0x6], $0x6000, $0x38;
	[tilespmem:$0x18100] =	vst v63  }
0x482: {  	_ =	swait.ge [sflag:s18], $0x6000  }
0x483: {  	[sflag:s18] =	ssyncset.done $0x0  }
0x484: {  	[sflag:s18] =	ssyncadd.s32 $0xFFFFA000  }
0x485: {  	_ =	swait.ge [sflag:s20], $0x6000  }
0x486: {  	s21 =	sadd.s32 $0x1, s21;
	s28 =	rddreg [dreg:$0xe]  }
0x487: {  	p0 =	sne.s32 s21, s28  }
.Ltmp16:
0x488: {  	_ = 	snop;
	(pc) =	sbr.rel @p0 .LBB2_1-.Ltmp16, $3  }
0x489: {  	_ =	sdelay $0x1  }
0x48a: {  	[sflag:s20] =	ssyncset.done $0x0  }
0x48b: {  	[sflag:s20] =	ssyncadd.s32 $0xFFFFA000  }
0x48c: {  	_ =	sfence.sel $0x180000  }
0x48d: {  	[bflag:$0x0] =	sbarrier.arrive $0xFFFF  }
0x48e: {  	_ =	strace $0x90000047  }
0x48f: {  	s0 =	stileid.u32;
	[bflag:$0x2] =	sbarrier.arrive $0xFFFF  }
0x490: {  	p0 =	sne.s32 s0, $0x0;
	s0 =	rddreg [dreg:$0x3]  }
0x491: {  	s0 =	sadd.s32 @!p0 $0x100000, s0  }
0x492: {  	[sflag:s0] =	ssyncadd.tile.s32 @!p0 $0x1;
	_ =	shalt  }
.Lfunc_end2:
_tile_overlayer_lowered:
.L_overlay_start_2:
0x493: {  	(tag) =	ssettag $0x2  }
0x494: {  	s0 =	rddreg [dreg:$0x0];
	s2 =	stileid.u32  }
0x495: {  	s1 =	rddreg [dreg:$0x1];
	p0 =	sne.s32 s2, $0x0  }
0x496: {  	s3 =	rddreg [dreg:$0x2];
	[bflag:$0x3] =	sbarrier.arrive $0xFFFF;
	s2 =	simm.s32 @!p0 $0x1C07  }
0x497: {  	[timem:s3], [sflag:s2] =	dma.local @!p0 [hbm:s0], s1  }
0x498: {  	s0 =	simm.s32 @!p0 $0x7  }
0x499: {  	_ =	swait.ge @!p0 [sflag:s0], s1  }
0x49a: {  	s1 =	ssub.s32 @!p0 $0x0, s1;
	[sflag:s0] =	ssyncset.done @!p0 $0x0  }
0x49b: {  	[sflag:s0] =	ssyncadd.s32 @!p0 s1  }
0x49c: {  	[bflag:$0x3] =	sbarrier.arrive $0xFFFF  }
0x49d: {  	_ =	shalt  }

</sc_bundles>
